<compile_context>
chip_gen: v7x
topology: tpu7x:2x2x1
jax: 0.10.2.dev20260603
libtpu: 0.0.44.dev20260713+nightly
codegen_flags: <defaults>
</compile_context>

<pallas_src>
import jax
import jax.numpy as jnp
from jax import lax
from jax.experimental import pallas as pl
from jax.experimental.pallas import tpu as pltpu
from jax.experimental.pallas import tpu_sc as plsc

N_NODES = 10000
N_EDGES = 320000
D = 128
N_RELS = 10

NC = 2
NS = 16
L = 16
NW = NC * NS

B = 80
PER_W = N_EDGES // NW
N_CHUNKS = PER_W // B
NBUF = 2

_DNUMS = lax.GatherDimensionNumbers(
    offset_dims=(), collapsed_slice_dims=(0,), start_index_map=(0,))


def _permute(x, idx):
    return lax.gather(x, idx[:, None], _DNUMS, slice_sizes=(1,),
                      mode=lax.GatherScatterMode.PROMISE_IN_BOUNDS)


def _sc_body(h_hbm, src_hbm, dst_hbm, et_hbm, w_hbm, out_hbm,
             h_sp, idx_u, idx_v, idx_w, out_c, rows_u, rows_v, w_v,
             sus, svs, sis, sos):
    sid = lax.axis_index("s")
    wid = sid * NC + lax.axis_index("c")
    base0 = wid * PER_W

    stripe = 640

    @pl.when(sid < NS - 1)
    def _stage_full():
        pltpu.sync_copy(h_hbm.at[pl.ds(sid * stripe, stripe)],
                        h_sp.at[pl.ds(sid * stripe, stripe)])

    @pl.when(sid == NS - 1)
    def _stage_tail():
        tail = N_NODES - (NS - 1) * stripe
        pltpu.sync_copy(h_hbm.at[pl.ds((NS - 1) * stripe, tail)],
                        h_sp.at[pl.ds((NS - 1) * stripe, tail)])

    pltpu.sync_copy(w_hbm, w_v)
    plsc.subcore_barrier()

    lanes = lax.iota(jnp.int32, L)
    perms = [lanes ^ (1 << k) for k in range(4)]

    def hsum(x):
        for p in perms:
            x = x + _permute(x, p)
        return x

    def fire_idx(c, b):
        base = base0 + c * B
        pltpu.async_copy(src_hbm.at[pl.ds(base, B)], idx_u.at[b], sis.at[b])
        pltpu.async_copy(dst_hbm.at[pl.ds(base, B)], idx_v.at[b], sis.at[b])
        pltpu.async_copy(et_hbm.at[pl.ds(base, B)], idx_w.at[b], sis.at[b])

    def wait_idx(c, b):
        for ref in (idx_u, idx_v, idx_w):
            pltpu.make_async_copy(src_hbm.at[pl.ds(base0, B)],
                                  ref.at[b], sis.at[b]).wait()

    def fire_rows(c, b):
        pltpu.async_copy(h_sp.at[idx_u.at[b]], rows_u.at[b], sus.at[b])
        pltpu.async_copy(h_sp.at[idx_v.at[b]], rows_v.at[b], svs.at[b])

    def wait_rows(c, b):
        pltpu.make_async_copy(h_sp.at[idx_u.at[b]], rows_u.at[b], sus.at[b]).wait()
        pltpu.make_async_copy(h_sp.at[idx_v.at[b]], rows_v.at[b], svs.at[b]).wait()

    def wait_out(ob):
        pltpu.make_async_copy(out_c.at[ob], out_hbm.at[pl.ds(base0, B)],
                              sos.at[ob]).wait()

    def compute(c, b):
        ru = rows_u.at[b]
        rv = rows_v.at[b]
        ob = c % 2

        @pl.when(c >= 2)
        def _wo():
            wait_out(ob)

        def group_body(g, _):
            rvec = idx_w[b, pl.ds(g * L, L)]

            def edge_body(e16, out_vec):
                e = g * L + e16
                r_splat = _permute(rvec, jnp.full((L,), e16, jnp.int32))
                acc = None
                for j in range(D // L):
                    u = ru[e, pl.ds(j * L, L)]
                    v = rv[e, pl.ds(j * L, L)]
                    w = plsc.load_gather(w_v, [r_splat, lanes + (j * L)])
                    p = (u * v) * w
                    acc = p if acc is None else acc + p
                s = hsum(acc)
                return jnp.where(lanes == e16, s, out_vec)

            out_vec = lax.fori_loop(0, L, edge_body, jnp.zeros((L,), jnp.float32))
            out_c[ob, pl.ds(g * L, L)] = 1.0 / (1.0 + jnp.exp(-out_vec))
            return _

        lax.fori_loop(0, B // L, group_body, None)
        pltpu.async_copy(out_c.at[ob], out_hbm.at[pl.ds(base0 + c * B, B)],
                         sos.at[ob])

    fire_idx(0, 0)
    fire_idx(1, 1)
    wait_idx(0, 0)
    fire_rows(0, 0)

    def ring_body(cg, _):
        for b in range(NBUF):
            c = cg * NBUF + b
            wait_rows(c, b)

            @pl.when(c + 1 < N_CHUNKS)
            def _fr():
                wait_idx(c + 1, 1 - b)
                fire_rows(c + 1, 1 - b)

            compute(c, b)

            @pl.when(c + 2 < N_CHUNKS)
            def _fi():
                fire_idx(c + 2, b)
        return _

    n_full = N_CHUNKS // NBUF
    lax.fori_loop(0, n_full, ring_body, None)
    for t in range(n_full * NBUF, N_CHUNKS):
        wait_rows(t, t % NBUF)
        compute(t, t % NBUF)
    wait_out((N_CHUNKS - 2) % 2)
    wait_out((N_CHUNKS - 1) % 2)


@jax.jit
def _dist_mult_sc(h, src, dst, et, W):
    mesh = plsc.VectorSubcoreMesh(core_axis_name="c", subcore_axis_name="s",
                                  num_cores=NC, num_subcores=NS)
    return pl.kernel(
        _sc_body,
        out_type=jax.ShapeDtypeStruct((N_EDGES,), jnp.float32),
        mesh=mesh,
        scratch_types=[
            pltpu.VMEM_SHARED((N_NODES, D), jnp.float32),
            pltpu.VMEM((NBUF, B), jnp.int32),
            pltpu.VMEM((NBUF, B), jnp.int32),
            pltpu.VMEM((NBUF, B), jnp.int32),
            pltpu.VMEM((2, B), jnp.float32),
            pltpu.VMEM((NBUF, B, D), jnp.float32),
            pltpu.VMEM((NBUF, B, D), jnp.float32),
            pltpu.VMEM((N_RELS, D), jnp.float32),
            pltpu.SemaphoreType.DMA((NBUF,)),
            pltpu.SemaphoreType.DMA((NBUF,)),
            pltpu.SemaphoreType.DMA((NBUF,)),
            pltpu.SemaphoreType.DMA((2,)),
        ],
        compiler_params=pltpu.CompilerParams(needs_layout_passes=False),
    )(h, src, dst, et, W)


def kernel(h, edge_index, edge_type, W):
    src = edge_index[0].astype(jnp.int32)
    dst = edge_index[1].astype(jnp.int32)
    et = edge_type.astype(jnp.int32)
    return _dist_mult_sc(h, src, dst, et, W)

# --- scband reference (transcript-rebuilt; emitter-appended) ---
"""Pipeline reference for scband-dist-mult-predictor-6614249636085 (READ-ONLY COPY).

The authoritative reference and input builder live on the scoring server;
editing this copy changes nothing except your own understanding.
"""

import jax, jax.numpy as jnp
import numpy as np

N_NODES = 10000
N_EDGES = 320000
D = 128
N_RELS = 10

def setup_inputs(seed: int = 0) -> dict:
    key = jax.random.key(seed)
    k1, k2, k3, k4 = jax.random.split(key, 4)
    h = jax.random.normal(k1, (N_NODES, D), dtype=jnp.float32)
    edge_index = jax.random.randint(k2, (2, N_EDGES), 0, N_NODES, dtype=jnp.int64 if jax.config.jax_enable_x64 else jnp.int32)
    edge_type = jax.random.randint(k3, (N_EDGES,), 0, N_RELS, dtype=jnp.int64 if jax.config.jax_enable_x64 else jnp.int32)
    W = jax.random.normal(k4, (N_RELS, D), dtype=jnp.float32)
    return {"h": h, "edge_index": edge_index, "edge_type": edge_type, "W": W}

def reference(h, edge_index, edge_type, W):
    # DistMult edge scoring: for each edge (u, r, v): score = sum(h_u * W_r * h_v)
    # Original loops over canonical etypes and concatenates; gathering W by
    # per-edge relation id is the same math with edges grouped by type.
    src = edge_index[0]
    dst = edge_index[1]
    h_u = jnp.take(h, src, axis=0)          # gather src node features [E, D]
    h_v = jnp.take(h, dst, axis=0)          # gather dst node features [E, D]
    h_r = jnp.take(W, edge_type, axis=0)    # gather relation embedding [E, D]
    score = jnp.sum(h_u * h_r * h_v, axis=1)  # [E]
    # pretrain_mode=True branch: sigmoid over scores, then concat (s_l)
    s_l = jax.nn.sigmoid(score)
    return s_l

if __name__ == "__main__":
    import jax
    _d = setup_inputs()
    print(jax.jit(kernel)(*tuple(_d.values())))

</pallas_src>

<mosaic_0001>
#map = affine_map<(d0, d1) -> (0, 0)>
#map1 = affine_map<(d0, d1) -> (0)>
module attributes {stable_mosaic.version = 14 : i64} {
  func.func @_sc_body(%arg0: i32, %arg1: i32, %arg2: memref<10000x128xf32, #tpu.memory_space<hbm>>, %arg3: memref<320000xi32, #tpu.memory_space<hbm>>, %arg4: memref<320000xi32, #tpu.memory_space<hbm>>, %arg5: memref<320000xi32, #tpu.memory_space<hbm>>, %arg6: memref<10x128xf32, #tpu.memory_space<hbm>>, %arg7: memref<320000xf32, #tpu.memory_space<hbm>>, %arg8: memref<10000x128xf32, #tpu.memory_space<vmem_shared>>, %arg9: memref<2x80xi32, #tpu.memory_space<vmem>>, %arg10: memref<2x80xi32, #tpu.memory_space<vmem>>, %arg11: memref<2x80xi32, #tpu.memory_space<vmem>>, %arg12: memref<2x80xf32, #tpu.memory_space<vmem>>, %arg13: memref<2x80x128xf32, #tpu.memory_space<vmem>>, %arg14: memref<2x80x128xf32, #tpu.memory_space<vmem>>, %arg15: memref<10x128xf32, #tpu.memory_space<vmem>>, %arg16: memref<2x!tpu.dma_semaphore, #tpu.memory_space<semaphore_mem>>, %arg17: memref<2x!tpu.dma_semaphore, #tpu.memory_space<semaphore_mem>>, %arg18: memref<2x!tpu.dma_semaphore, #tpu.memory_space<semaphore_mem>>, %arg19: memref<2x!tpu.dma_semaphore, #tpu.memory_space<semaphore_mem>>) attributes {dimension_semantics = [#tpu.dimension_semantics<core_parallel>, #tpu.dimension_semantics<subcore_parallel>], iteration_bounds = array<i64: 2, 16>, scalar_prefetch = 0 : i64, scratch_operands = 12 : i64, tpu.core_type = #tpu.core_type<sc_vector_subcore>, window_params = [{transform_indices = #map}, {transform_indices = #map1}, {transform_indices = #map1}, {transform_indices = #map1}, {transform_indices = #map}, {transform_indices = #map1}]} {
    %mul3A = arith.constant 2 : i32
    %mul3A_0 = arith.muli %arg1, %mul3A : i32
    %add3A = arith.addi %mul3A_0, %arg0 : i32
    %mul3A_1 = arith.constant 10000 : i32
    %mul3A_2 = arith.muli %add3A, %mul3A_1 : i32
    %lt3A = arith.constant 15 : i32
    %lt3A_3 = arith.cmpi slt, %arg1, %lt3A : i32
    %convert_element_type3A = arith.extui %lt3A_3 : i1 to i32
    %cond3A = arith.constant 0 : i32
    %cond3A_4 = arith.cmpi ne, %convert_element_type3A, %cond3A : i32
    scf.if %cond3A_4 {
      %mul3A_251 = arith.constant 640 : i32
      %mul3A_252 = arith.muli %arg1, %mul3A_251 : i32
      %mul3A_253 = arith.constant 640 : i32
      %mul3A_254 = arith.muli %arg1, %mul3A_253 : i32
      "tpu.region"() ({
        %run_scoped3A = tpu.sem_alloc : memref<!tpu.dma_semaphore, #tpu.memory_space<semaphore_mem>>
        %dma_start3A_255 = arith.constant 0 : i32
        %dma_start3A_256 = tpu.memref_slice %arg8[%mul3A_254, %dma_start3A_255] : memref<10000x128xf32, #tpu.memory_space<vmem_shared>> -> memref<640x128xf32, #tpu.memory_space<vmem_shared>>
        %dma_start3A_257 = arith.constant 0 : i32
        %dma_start3A_258 = tpu.memref_slice %arg2[%mul3A_252, %dma_start3A_257] : memref<10000x128xf32, #tpu.memory_space<hbm>> -> memref<640x128xf32, #tpu.memory_space<hbm>>
        tpu.enqueue_dma source(%dma_start3A_258 : memref<640x128xf32, #tpu.memory_space<hbm>>) target(%dma_start3A_256 : memref<640x128xf32, #tpu.memory_space<vmem_shared>>) target_semaphore(%run_scoped3A : memref<!tpu.dma_semaphore, #tpu.memory_space<semaphore_mem>>)
        %dma_wait3A_259 = arith.constant 0 : i32
        %dma_wait3A_260 = tpu.memref_slice %arg8[%mul3A_254, %dma_wait3A_259] : memref<10000x128xf32, #tpu.memory_space<vmem_shared>> -> memref<640x128xf32, #tpu.memory_space<vmem_shared>>
        %dma_wait3A_261 = arith.constant 0 : i32
        %dma_wait3A_262 = tpu.memref_slice %arg2[%mul3A_252, %dma_wait3A_261] : memref<10000x128xf32, #tpu.memory_space<hbm>> -> memref<640x128xf32, #tpu.memory_space<hbm>>
        tpu.wait_dma2 semaphore(%run_scoped3A : memref<!tpu.dma_semaphore, #tpu.memory_space<semaphore_mem>>) src(%dma_wait3A_262 : memref<640x128xf32, #tpu.memory_space<hbm>>) dst(%dma_wait3A_260 : memref<640x128xf32, #tpu.memory_space<vmem_shared>>)
        tpu.yield
      }) : () -> ()
    } else {
    }
    %eq3A = arith.constant 15 : i32
    %eq3A_5 = arith.cmpi eq, %arg1, %eq3A : i32
    %convert_element_type3A_6 = arith.extui %eq3A_5 : i1 to i32
    %cond3A_7 = arith.constant 0 : i32
    %cond3A_8 = arith.cmpi ne, %convert_element_type3A_6, %cond3A_7 : i32
    scf.if %cond3A_8 {
      "tpu.region"() ({
        %run_scoped3A = tpu.sem_alloc : memref<!tpu.dma_semaphore, #tpu.memory_space<semaphore_mem>>
        %dma_start3A_251 = arith.constant 9600 : i32
        %dma_start3A_252 = arith.constant 0 : i32
        %dma_start3A_253 = tpu.memref_slice %arg8[%dma_start3A_251, %dma_start3A_252] : memref<10000x128xf32, #tpu.memory_space<vmem_shared>> -> memref<400x128xf32, #tpu.memory_space<vmem_shared>>
        %dma_start3A_254 = arith.constant 9600 : i32
        %dma_start3A_255 = arith.constant 0 : i32
        %dma_start3A_256 = tpu.memref_slice %arg2[%dma_start3A_254, %dma_start3A_255] : memref<10000x128xf32, #tpu.memory_space<hbm>> -> memref<400x128xf32, #tpu.memory_space<hbm>>
        tpu.enqueue_dma source(%dma_start3A_256 : memref<400x128xf32, #tpu.memory_space<hbm>>) target(%dma_start3A_253 : memref<400x128xf32, #tpu.memory_space<vmem_shared>>) target_semaphore(%run_scoped3A : memref<!tpu.dma_semaphore, #tpu.memory_space<semaphore_mem>>)
        %dma_wait3A_257 = arith.constant 9600 : i32
        %dma_wait3A_258 = arith.constant 0 : i32
        %dma_wait3A_259 = tpu.memref_slice %arg8[%dma_wait3A_257, %dma_wait3A_258] : memref<10000x128xf32, #tpu.memory_space<vmem_shared>> -> memref<400x128xf32, #tpu.memory_space<vmem_shared>>
        %dma_wait3A_260 = arith.constant 9600 : i32
        %dma_wait3A_261 = arith.constant 0 : i32
        %dma_wait3A_262 = tpu.memref_slice %arg2[%dma_wait3A_260, %dma_wait3A_261] : memref<10000x128xf32, #tpu.memory_space<hbm>> -> memref<400x128xf32, #tpu.memory_space<hbm>>
        tpu.wait_dma2 semaphore(%run_scoped3A : memref<!tpu.dma_semaphore, #tpu.memory_space<semaphore_mem>>) src(%dma_wait3A_262 : memref<400x128xf32, #tpu.memory_space<hbm>>) dst(%dma_wait3A_259 : memref<400x128xf32, #tpu.memory_space<vmem_shared>>)
        tpu.yield
      }) : () -> ()
    } else {
    }
    "tpu.region"() ({
      %run_scoped3A = tpu.sem_alloc : memref<!tpu.dma_semaphore, #tpu.memory_space<semaphore_mem>>
      tpu.enqueue_dma source(%arg6 : memref<10x128xf32, #tpu.memory_space<hbm>>) target(%arg15 : memref<10x128xf32, #tpu.memory_space<vmem>>) target_semaphore(%run_scoped3A : memref<!tpu.dma_semaphore, #tpu.memory_space<semaphore_mem>>)
      tpu.wait_dma2 semaphore(%run_scoped3A : memref<!tpu.dma_semaphore, #tpu.memory_space<semaphore_mem>>) src(%arg6 : memref<10x128xf32, #tpu.memory_space<hbm>>) dst(%arg15 : memref<10x128xf32, #tpu.memory_space<vmem>>)
      tpu.yield
    }) : () -> ()
    %barrier3A = arith.constant 0 : index
    tpu.barrier barrier_id(%barrier3A)
    %iota3A = tpu.iota {dimensions = array<i32: 0>} : vector<16xi32>
    %xor3A = arith.constant 1 : i32
    %xor3A_9 = vector.broadcast %xor3A : i32 to vector<16xi32>
    %xor3A_10 = arith.xori %iota3A, %xor3A_9 : vector<16xi32>
    %xor3A_11 = arith.constant 2 : i32
    %xor3A_12 = vector.broadcast %xor3A_11 : i32 to vector<16xi32>
    %xor3A_13 = arith.xori %iota3A, %xor3A_12 : vector<16xi32>
    %xor3A_14 = arith.constant 4 : i32
    %xor3A_15 = vector.broadcast %xor3A_14 : i32 to vector<16xi32>
    %xor3A_16 = arith.xori %iota3A, %xor3A_15 : vector<16xi32>
    %xor3A_17 = arith.constant 8 : i32
    %xor3A_18 = vector.broadcast %xor3A_17 : i32 to vector<16xi32>
    %xor3A_19 = arith.xori %iota3A, %xor3A_18 : vector<16xi32>
    %add3A_20 = arith.constant 0 : i32
    %add3A_21 = arith.addi %mul3A_2, %add3A_20 : i32
    %dma_start3A = arith.constant 0 : i32
    %dma_start3A_22 = arith.constant 0 : i32
    %dma_start3A_23 = arith.constant 0 : i32
    %dma_start3A_24 = tpu.memref_slice %arg9[%dma_start3A, %dma_start3A_23] : memref<2x80xi32, #tpu.memory_space<vmem>> -> memref<1x80xi32, #tpu.memory_space<vmem>>
    %dma_start3A_25 = tpu.memref_squeeze %dma_start3A_24 : memref<1x80xi32, #tpu.memory_space<vmem>> -> memref<80xi32, #tpu.memory_space<vmem>>
    %dma_start3A_26 = tpu.memref_slice %arg3[%add3A_21] : memref<320000xi32, #tpu.memory_space<hbm>> -> memref<80xi32, #tpu.memory_space<hbm>>
    %dma_start3A_27 = tpu.memref_slice %arg18[%dma_start3A_22] : memref<2x!tpu.dma_semaphore, #tpu.memory_space<semaphore_mem>> -> memref<1x!tpu.dma_semaphore, #tpu.memory_space<semaphore_mem>>
    %dma_start3A_28 = tpu.memref_squeeze %dma_start3A_27 : memref<1x!tpu.dma_semaphore, #tpu.memory_space<semaphore_mem>> -> memref<!tpu.dma_semaphore, #tpu.memory_space<semaphore_mem>>
    %dma_start3A_29 = arith.constant 0 : i32
    %dma_start3A_30 = tpu.memref_slice %arg9[%dma_start3A, %dma_start3A_29] : memref<2x80xi32, #tpu.memory_space<vmem>> -> memref<1x80xi32, #tpu.memory_space<vmem>>
    %dma_start3A_31 = tpu.memref_squeeze %dma_start3A_30 : memref<1x80xi32, #tpu.memory_space<vmem>> -> memref<80xi32, #tpu.memory_space<vmem>>
    %dma_start3A_32 = tpu.memref_slice %arg3[%add3A_21] : memref<320000xi32, #tpu.memory_space<hbm>> -> memref<80xi32, #tpu.memory_space<hbm>>
    tpu.enqueue_dma source(%dma_start3A_32 : memref<80xi32, #tpu.memory_space<hbm>>) target(%dma_start3A_31 : memref<80xi32, #tpu.memory_space<vmem>>) target_semaphore(%dma_start3A_28 : memref<!tpu.dma_semaphore, #tpu.memory_space<semaphore_mem>>)
    %dma_start3A_33 = arith.constant 0 : i32
    %dma_start3A_34 = arith.constant 0 : i32
    %dma_start3A_35 = arith.constant 0 : i32
    %dma_start3A_36 = tpu.memref_slice %arg10[%dma_start3A_33, %dma_start3A_35] : memref<2x80xi32, #tpu.memory_space<vmem>> -> memref<1x80xi32, #tpu.memory_space<vmem>>
    %dma_start3A_37 = tpu.memref_squeeze %dma_start3A_36 : memref<1x80xi32, #tpu.memory_space<vmem>> -> memref<80xi32, #tpu.memory_space<vmem>>
    %dma_start3A_38 = tpu.memref_slice %arg4[%add3A_21] : memref<320000xi32, #tpu.memory_space<hbm>> -> memref<80xi32, #tpu.memory_space<hbm>>
    %dma_start3A_39 = tpu.memref_slice %arg18[%dma_start3A_34] : memref<2x!tpu.dma_semaphore, #tpu.memory_space<semaphore_mem>> -> memref<1x!tpu.dma_semaphore, #tpu.memory_space<semaphore_mem>>
    %dma_start3A_40 = tpu.memref_squeeze %dma_start3A_39 : memref<1x!tpu.dma_semaphore, #tpu.memory_space<semaphore_mem>> -> memref<!tpu.dma_semaphore, #tpu.memory_space<semaphore_mem>>
    %dma_start3A_41 = arith.constant 0 : i32
    %dma_start3A_42 = tpu.memref_slice %arg10[%dma_start3A_33, %dma_start3A_41] : memref<2x80xi32, #tpu.memory_space<vmem>> -> memref<1x80xi32, #tpu.memory_space<vmem>>
    %dma_start3A_43 = tpu.memref_squeeze %dma_start3A_42 : memref<1x80xi32, #tpu.memory_space<vmem>> -> memref<80xi32, #tpu.memory_space<vmem>>
    %dma_start3A_44 = tpu.memref_slice %arg4[%add3A_21] : memref<320000xi32, #tpu.memory_space<hbm>> -> memref<80xi32, #tpu.memory_space<hbm>>
    tpu.enqueue_dma source(%dma_start3A_44 : memref<80xi32, #tpu.memory_space<hbm>>) target(%dma_start3A_43 : memref<80xi32, #tpu.memory_space<vmem>>) target_semaphore(%dma_start3A_40 : memref<!tpu.dma_semaphore, #tpu.memory_space<semaphore_mem>>)
    %dma_start3A_45 = arith.constant 0 : i32
    %dma_start3A_46 = arith.constant 0 : i32
    %dma_start3A_47 = arith.constant 0 : i32
    %dma_start3A_48 = tpu.memref_slice %arg11[%dma_start3A_45, %dma_start3A_47] : memref<2x80xi32, #tpu.memory_space<vmem>> -> memref<1x80xi32, #tpu.memory_space<vmem>>
    %dma_start3A_49 = tpu.memref_squeeze %dma_start3A_48 : memref<1x80xi32, #tpu.memory_space<vmem>> -> memref<80xi32, #tpu.memory_space<vmem>>
    %dma_start3A_50 = tpu.memref_slice %arg5[%add3A_21] : memref<320000xi32, #tpu.memory_space<hbm>> -> memref<80xi32, #tpu.memory_space<hbm>>
    %dma_start3A_51 = tpu.memref_slice %arg18[%dma_start3A_46] : memref<2x!tpu.dma_semaphore, #tpu.memory_space<semaphore_mem>> -> memref<1x!tpu.dma_semaphore, #tpu.memory_space<semaphore_mem>>
    %dma_start3A_52 = tpu.memref_squeeze %dma_start3A_51 : memref<1x!tpu.dma_semaphore, #tpu.memory_space<semaphore_mem>> -> memref<!tpu.dma_semaphore, #tpu.memory_space<semaphore_mem>>
    %dma_start3A_53 = arith.constant 0 : i32
    %dma_start3A_54 = tpu.memref_slice %arg11[%dma_start3A_45, %dma_start3A_53] : memref<2x80xi32, #tpu.memory_space<vmem>> -> memref<1x80xi32, #tpu.memory_space<vmem>>
    %dma_start3A_55 = tpu.memref_squeeze %dma_start3A_54 : memref<1x80xi32, #tpu.memory_space<vmem>> -> memref<80xi32, #tpu.memory_space<vmem>>
    %dma_start3A_56 = tpu.memref_slice %arg5[%add3A_21] : memref<320000xi32, #tpu.memory_space<hbm>> -> memref<80xi32, #tpu.memory_space<hbm>>
    tpu.enqueue_dma source(%dma_start3A_56 : memref<80xi32, #tpu.memory_space<hbm>>) target(%dma_start3A_55 : memref<80xi32, #tpu.memory_space<vmem>>) target_semaphore(%dma_start3A_52 : memref<!tpu.dma_semaphore, #tpu.memory_space<semaphore_mem>>)
    %add3A_57 = arith.constant 80 : i32
    %add3A_58 = arith.addi %mul3A_2, %add3A_57 : i32
    %dma_start3A_59 = arith.constant 1 : i32
    %dma_start3A_60 = arith.constant 1 : i32
    %dma_start3A_61 = arith.constant 0 : i32
    %dma_start3A_62 = tpu.memref_slice %arg9[%dma_start3A_59, %dma_start3A_61] : memref<2x80xi32, #tpu.memory_space<vmem>> -> memref<1x80xi32, #tpu.memory_space<vmem>>
    %dma_start3A_63 = tpu.memref_squeeze %dma_start3A_62 : memref<1x80xi32, #tpu.memory_space<vmem>> -> memref<80xi32, #tpu.memory_space<vmem>>
    %dma_start3A_64 = tpu.memref_slice %arg3[%add3A_58] : memref<320000xi32, #tpu.memory_space<hbm>> -> memref<80xi32, #tpu.memory_space<hbm>>
    %dma_start3A_65 = tpu.memref_slice %arg18[%dma_start3A_60] : memref<2x!tpu.dma_semaphore, #tpu.memory_space<semaphore_mem>> -> memref<1x!tpu.dma_semaphore, #tpu.memory_space<semaphore_mem>>
    %dma_start3A_66 = tpu.memref_squeeze %dma_start3A_65 : memref<1x!tpu.dma_semaphore, #tpu.memory_space<semaphore_mem>> -> memref<!tpu.dma_semaphore, #tpu.memory_space<semaphore_mem>>
    %dma_start3A_67 = arith.constant 0 : i32
    %dma_start3A_68 = tpu.memref_slice %arg9[%dma_start3A_59, %dma_start3A_67] : memref<2x80xi32, #tpu.memory_space<vmem>> -> memref<1x80xi32, #tpu.memory_space<vmem>>
    %dma_start3A_69 = tpu.memref_squeeze %dma_start3A_68 : memref<1x80xi32, #tpu.memory_space<vmem>> -> memref<80xi32, #tpu.memory_space<vmem>>
    %dma_start3A_70 = tpu.memref_slice %arg3[%add3A_58] : memref<320000xi32, #tpu.memory_space<hbm>> -> memref<80xi32, #tpu.memory_space<hbm>>
    tpu.enqueue_dma source(%dma_start3A_70 : memref<80xi32, #tpu.memory_space<hbm>>) target(%dma_start3A_69 : memref<80xi32, #tpu.memory_space<vmem>>) target_semaphore(%dma_start3A_66 : memref<!tpu.dma_semaphore, #tpu.memory_space<semaphore_mem>>)
    %dma_start3A_71 = arith.constant 1 : i32
    %dma_start3A_72 = arith.constant 1 : i32
    %dma_start3A_73 = arith.constant 0 : i32
    %dma_start3A_74 = tpu.memref_slice %arg10[%dma_start3A_71, %dma_start3A_73] : memref<2x80xi32, #tpu.memory_space<vmem>> -> memref<1x80xi32, #tpu.memory_space<vmem>>
    %dma_start3A_75 = tpu.memref_squeeze %dma_start3A_74 : memref<1x80xi32, #tpu.memory_space<vmem>> -> memref<80xi32, #tpu.memory_space<vmem>>
    %dma_start3A_76 = tpu.memref_slice %arg4[%add3A_58] : memref<320000xi32, #tpu.memory_space<hbm>> -> memref<80xi32, #tpu.memory_space<hbm>>
    %dma_start3A_77 = tpu.memref_slice %arg18[%dma_start3A_72] : memref<2x!tpu.dma_semaphore, #tpu.memory_space<semaphore_mem>> -> memref<1x!tpu.dma_semaphore, #tpu.memory_space<semaphore_mem>>
    %dma_start3A_78 = tpu.memref_squeeze %dma_start3A_77 : memref<1x!tpu.dma_semaphore, #tpu.memory_space<semaphore_mem>> -> memref<!tpu.dma_semaphore, #tpu.memory_space<semaphore_mem>>
    %dma_start3A_79 = arith.constant 0 : i32
    %dma_start3A_80 = tpu.memref_slice %arg10[%dma_start3A_71, %dma_start3A_79] : memref<2x80xi32, #tpu.memory_space<vmem>> -> memref<1x80xi32, #tpu.memory_space<vmem>>
    %dma_start3A_81 = tpu.memref_squeeze %dma_start3A_80 : memref<1x80xi32, #tpu.memory_space<vmem>> -> memref<80xi32, #tpu.memory_space<vmem>>
    %dma_start3A_82 = tpu.memref_slice %arg4[%add3A_58] : memref<320000xi32, #tpu.memory_space<hbm>> -> memref<80xi32, #tpu.memory_space<hbm>>
    tpu.enqueue_dma source(%dma_start3A_82 : memref<80xi32, #tpu.memory_space<hbm>>) target(%dma_start3A_81 : memref<80xi32, #tpu.memory_space<vmem>>) target_semaphore(%dma_start3A_78 : memref<!tpu.dma_semaphore, #tpu.memory_space<semaphore_mem>>)
    %dma_start3A_83 = arith.constant 1 : i32
    %dma_start3A_84 = arith.constant 1 : i32
    %dma_start3A_85 = arith.constant 0 : i32
    %dma_start3A_86 = tpu.memref_slice %arg11[%dma_start3A_83, %dma_start3A_85] : memref<2x80xi32, #tpu.memory_space<vmem>> -> memref<1x80xi32, #tpu.memory_space<vmem>>
    %dma_start3A_87 = tpu.memref_squeeze %dma_start3A_86 : memref<1x80xi32, #tpu.memory_space<vmem>> -> memref<80xi32, #tpu.memory_space<vmem>>
    %dma_start3A_88 = tpu.memref_slice %arg5[%add3A_58] : memref<320000xi32, #tpu.memory_space<hbm>> -> memref<80xi32, #tpu.memory_space<hbm>>
    %dma_start3A_89 = tpu.memref_slice %arg18[%dma_start3A_84] : memref<2x!tpu.dma_semaphore, #tpu.memory_space<semaphore_mem>> -> memref<1x!tpu.dma_semaphore, #tpu.memory_space<semaphore_mem>>
    %dma_start3A_90 = tpu.memref_squeeze %dma_start3A_89 : memref<1x!tpu.dma_semaphore, #tpu.memory_space<semaphore_mem>> -> memref<!tpu.dma_semaphore, #tpu.memory_space<semaphore_mem>>
    %dma_start3A_91 = arith.constant 0 : i32
    %dma_start3A_92 = tpu.memref_slice %arg11[%dma_start3A_83, %dma_start3A_91] : memref<2x80xi32, #tpu.memory_space<vmem>> -> memref<1x80xi32, #tpu.memory_space<vmem>>
    %dma_start3A_93 = tpu.memref_squeeze %dma_start3A_92 : memref<1x80xi32, #tpu.memory_space<vmem>> -> memref<80xi32, #tpu.memory_space<vmem>>
    %dma_start3A_94 = tpu.memref_slice %arg5[%add3A_58] : memref<320000xi32, #tpu.memory_space<hbm>> -> memref<80xi32, #tpu.memory_space<hbm>>
    tpu.enqueue_dma source(%dma_start3A_94 : memref<80xi32, #tpu.memory_space<hbm>>) target(%dma_start3A_93 : memref<80xi32, #tpu.memory_space<vmem>>) target_semaphore(%dma_start3A_90 : memref<!tpu.dma_semaphore, #tpu.memory_space<semaphore_mem>>)
    %dma_wait3A = arith.constant 0 : i32
    %dma_wait3A_95 = arith.constant 0 : i32
    %dma_wait3A_96 = arith.constant 0 : i32
    %dma_wait3A_97 = tpu.memref_slice %arg9[%dma_wait3A, %dma_wait3A_96] : memref<2x80xi32, #tpu.memory_space<vmem>> -> memref<1x80xi32, #tpu.memory_space<vmem>>
    %dma_wait3A_98 = tpu.memref_squeeze %dma_wait3A_97 : memref<1x80xi32, #tpu.memory_space<vmem>> -> memref<80xi32, #tpu.memory_space<vmem>>
    %dma_wait3A_99 = tpu.memref_slice %arg3[%mul3A_2] : memref<320000xi32, #tpu.memory_space<hbm>> -> memref<80xi32, #tpu.memory_space<hbm>>
    %dma_wait3A_100 = tpu.memref_slice %arg18[%dma_wait3A_95] : memref<2x!tpu.dma_semaphore, #tpu.memory_space<semaphore_mem>> -> memref<1x!tpu.dma_semaphore, #tpu.memory_space<semaphore_mem>>
    %dma_wait3A_101 = tpu.memref_squeeze %dma_wait3A_100 : memref<1x!tpu.dma_semaphore, #tpu.memory_space<semaphore_mem>> -> memref<!tpu.dma_semaphore, #tpu.memory_space<semaphore_mem>>
    %dma_wait3A_102 = arith.constant 0 : i32
    %dma_wait3A_103 = tpu.memref_slice %arg9[%dma_wait3A, %dma_wait3A_102] : memref<2x80xi32, #tpu.memory_space<vmem>> -> memref<1x80xi32, #tpu.memory_space<vmem>>
    %dma_wait3A_104 = tpu.memref_squeeze %dma_wait3A_103 : memref<1x80xi32, #tpu.memory_space<vmem>> -> memref<80xi32, #tpu.memory_space<vmem>>
    %dma_wait3A_105 = tpu.memref_slice %arg3[%mul3A_2] : memref<320000xi32, #tpu.memory_space<hbm>> -> memref<80xi32, #tpu.memory_space<hbm>>
    tpu.wait_dma2 semaphore(%dma_wait3A_101 : memref<!tpu.dma_semaphore, #tpu.memory_space<semaphore_mem>>) src(%dma_wait3A_105 : memref<80xi32, #tpu.memory_space<hbm>>) dst(%dma_wait3A_104 : memref<80xi32, #tpu.memory_space<vmem>>)
    %dma_wait3A_106 = arith.constant 0 : i32
    %dma_wait3A_107 = arith.constant 0 : i32
    %dma_wait3A_108 = arith.constant 0 : i32
    %dma_wait3A_109 = tpu.memref_slice %arg10[%dma_wait3A_106, %dma_wait3A_108] : memref<2x80xi32, #tpu.memory_space<vmem>> -> memref<1x80xi32, #tpu.memory_space<vmem>>
    %dma_wait3A_110 = tpu.memref_squeeze %dma_wait3A_109 : memref<1x80xi32, #tpu.memory_space<vmem>> -> memref<80xi32, #tpu.memory_space<vmem>>
    %dma_wait3A_111 = tpu.memref_slice %arg3[%mul3A_2] : memref<320000xi32, #tpu.memory_space<hbm>> -> memref<80xi32, #tpu.memory_space<hbm>>
    %dma_wait3A_112 = tpu.memref_slice %arg18[%dma_wait3A_107] : memref<2x!tpu.dma_semaphore, #tpu.memory_space<semaphore_mem>> -> memref<1x!tpu.dma_semaphore, #tpu.memory_space<semaphore_mem>>
    %dma_wait3A_113 = tpu.memref_squeeze %dma_wait3A_112 : memref<1x!tpu.dma_semaphore, #tpu.memory_space<semaphore_mem>> -> memref<!tpu.dma_semaphore, #tpu.memory_space<semaphore_mem>>
    %dma_wait3A_114 = arith.constant 0 : i32
    %dma_wait3A_115 = tpu.memref_slice %arg10[%dma_wait3A_106, %dma_wait3A_114] : memref<2x80xi32, #tpu.memory_space<vmem>> -> memref<1x80xi32, #tpu.memory_space<vmem>>
    %dma_wait3A_116 = tpu.memref_squeeze %dma_wait3A_115 : memref<1x80xi32, #tpu.memory_space<vmem>> -> memref<80xi32, #tpu.memory_space<vmem>>
    %dma_wait3A_117 = tpu.memref_slice %arg3[%mul3A_2] : memref<320000xi32, #tpu.memory_space<hbm>> -> memref<80xi32, #tpu.memory_space<hbm>>
    tpu.wait_dma2 semaphore(%dma_wait3A_113 : memref<!tpu.dma_semaphore, #tpu.memory_space<semaphore_mem>>) src(%dma_wait3A_117 : memref<80xi32, #tpu.memory_space<hbm>>) dst(%dma_wait3A_116 : memref<80xi32, #tpu.memory_space<vmem>>)
    %dma_wait3A_118 = arith.constant 0 : i32
    %dma_wait3A_119 = arith.constant 0 : i32
    %dma_wait3A_120 = arith.constant 0 : i32
    %dma_wait3A_121 = tpu.memref_slice %arg11[%dma_wait3A_118, %dma_wait3A_120] : memref<2x80xi32, #tpu.memory_space<vmem>> -> memref<1x80xi32, #tpu.memory_space<vmem>>
    %dma_wait3A_122 = tpu.memref_squeeze %dma_wait3A_121 : memref<1x80xi32, #tpu.memory_space<vmem>> -> memref<80xi32, #tpu.memory_space<vmem>>
    %dma_wait3A_123 = tpu.memref_slice %arg3[%mul3A_2] : memref<320000xi32, #tpu.memory_space<hbm>> -> memref<80xi32, #tpu.memory_space<hbm>>
    %dma_wait3A_124 = tpu.memref_slice %arg18[%dma_wait3A_119] : memref<2x!tpu.dma_semaphore, #tpu.memory_space<semaphore_mem>> -> memref<1x!tpu.dma_semaphore, #tpu.memory_space<semaphore_mem>>
    %dma_wait3A_125 = tpu.memref_squeeze %dma_wait3A_124 : memref<1x!tpu.dma_semaphore, #tpu.memory_space<semaphore_mem>> -> memref<!tpu.dma_semaphore, #tpu.memory_space<semaphore_mem>>
    %dma_wait3A_126 = arith.constant 0 : i32
    %dma_wait3A_127 = tpu.memref_slice %arg11[%dma_wait3A_118, %dma_wait3A_126] : memref<2x80xi32, #tpu.memory_space<vmem>> -> memref<1x80xi32, #tpu.memory_space<vmem>>
    %dma_wait3A_128 = tpu.memref_squeeze %dma_wait3A_127 : memref<1x80xi32, #tpu.memory_space<vmem>> -> memref<80xi32, #tpu.memory_space<vmem>>
    %dma_wait3A_129 = tpu.memref_slice %arg3[%mul3A_2] : memref<320000xi32, #tpu.memory_space<hbm>> -> memref<80xi32, #tpu.memory_space<hbm>>
    tpu.wait_dma2 semaphore(%dma_wait3A_125 : memref<!tpu.dma_semaphore, #tpu.memory_space<semaphore_mem>>) src(%dma_wait3A_129 : memref<80xi32, #tpu.memory_space<hbm>>) dst(%dma_wait3A_128 : memref<80xi32, #tpu.memory_space<vmem>>)
    %dma_start3A_130 = arith.constant 0 : i32
    %dma_start3A_131 = arith.constant 0 : i32
    %dma_start3A_132 = arith.constant 0 : i32
    %dma_start3A_133 = arith.constant 0 : i32
    %dma_start3A_134 = arith.constant 0 : i32
    %dma_start3A_135 = tpu.memref_slice %arg13[%dma_start3A_131, %dma_start3A_133, %dma_start3A_134] : memref<2x80x128xf32, #tpu.memory_space<vmem>> -> memref<1x80x128xf32, #tpu.memory_space<vmem>>
    %dma_start3A_136 = tpu.memref_squeeze %dma_start3A_135 : memref<1x80x128xf32, #tpu.memory_space<vmem>> -> memref<80x128xf32, #tpu.memory_space<vmem>>
    %dma_start3A_137 = arith.constant 0 : i32
    %dma_start3A_138 = tpu.memref_slice %arg9[%dma_start3A_130, %dma_start3A_137] : memref<2x80xi32, #tpu.memory_space<vmem>> -> memref<1x80xi32, #tpu.memory_space<vmem>>
    %dma_start3A_139 = tpu.memref_squeeze %dma_start3A_138 : memref<1x80xi32, #tpu.memory_space<vmem>> -> memref<80xi32, #tpu.memory_space<vmem>>
    %dma_start3A_140 = arith.constant 0 : i32
    %dma_start3A_141 = arith.constant 0 : i32
    %dma_start3A_142 = tpu.memref_slice %arg8[%dma_start3A_140, %dma_start3A_141] : memref<10000x128xf32, #tpu.memory_space<vmem_shared>> -> memref<10000x128xf32, #tpu.memory_space<vmem_shared>>
    %dma_start3A_143 = tpu.memref_slice %arg16[%dma_start3A_132] : memref<2x!tpu.dma_semaphore, #tpu.memory_space<semaphore_mem>> -> memref<1x!tpu.dma_semaphore, #tpu.memory_space<semaphore_mem>>
    %dma_start3A_144 = tpu.memref_squeeze %dma_start3A_143 : memref<1x!tpu.dma_semaphore, #tpu.memory_space<semaphore_mem>> -> memref<!tpu.dma_semaphore, #tpu.memory_space<semaphore_mem>>
    tpu.enqueue_indirect_dma source(%dma_start3A_142 : memref<10000x128xf32, #tpu.memory_space<vmem_shared>>) target(%dma_start3A_136 : memref<80x128xf32, #tpu.memory_space<vmem>>) offsets(%dma_start3A_139 : memref<80xi32, #tpu.memory_space<vmem>>) semaphore(%dma_start3A_144 : memref<!tpu.dma_semaphore, #tpu.memory_space<semaphore_mem>>)
    %dma_start3A_145 = arith.constant 0 : i32
    %dma_start3A_146 = arith.constant 0 : i32
    %dma_start3A_147 = arith.constant 0 : i32
    %dma_start3A_148 = arith.constant 0 : i32
    %dma_start3A_149 = arith.constant 0 : i32
    %dma_start3A_150 = tpu.memref_slice %arg14[%dma_start3A_146, %dma_start3A_148, %dma_start3A_149] : memref<2x80x128xf32, #tpu.memory_space<vmem>> -> memref<1x80x128xf32, #tpu.memory_space<vmem>>
    %dma_start3A_151 = tpu.memref_squeeze %dma_start3A_150 : memref<1x80x128xf32, #tpu.memory_space<vmem>> -> memref<80x128xf32, #tpu.memory_space<vmem>>
    %dma_start3A_152 = arith.constant 0 : i32
    %dma_start3A_153 = tpu.memref_slice %arg10[%dma_start3A_145, %dma_start3A_152] : memref<2x80xi32, #tpu.memory_space<vmem>> -> memref<1x80xi32, #tpu.memory_space<vmem>>
    %dma_start3A_154 = tpu.memref_squeeze %dma_start3A_153 : memref<1x80xi32, #tpu.memory_space<vmem>> -> memref<80xi32, #tpu.memory_space<vmem>>
    %dma_start3A_155 = arith.constant 0 : i32
    %dma_start3A_156 = arith.constant 0 : i32
    %dma_start3A_157 = tpu.memref_slice %arg8[%dma_start3A_155, %dma_start3A_156] : memref<10000x128xf32, #tpu.memory_space<vmem_shared>> -> memref<10000x128xf32, #tpu.memory_space<vmem_shared>>
    %dma_start3A_158 = tpu.memref_slice %arg17[%dma_start3A_147] : memref<2x!tpu.dma_semaphore, #tpu.memory_space<semaphore_mem>> -> memref<1x!tpu.dma_semaphore, #tpu.memory_space<semaphore_mem>>
    %dma_start3A_159 = tpu.memref_squeeze %dma_start3A_158 : memref<1x!tpu.dma_semaphore, #tpu.memory_space<semaphore_mem>> -> memref<!tpu.dma_semaphore, #tpu.memory_space<semaphore_mem>>
    tpu.enqueue_indirect_dma source(%dma_start3A_157 : memref<10000x128xf32, #tpu.memory_space<vmem_shared>>) target(%dma_start3A_151 : memref<80x128xf32, #tpu.memory_space<vmem>>) offsets(%dma_start3A_154 : memref<80xi32, #tpu.memory_space<vmem>>) semaphore(%dma_start3A_159 : memref<!tpu.dma_semaphore, #tpu.memory_space<semaphore_mem>>)
    %scan3A = arith.constant 0 : i32
    %scan3A_160 = arith.constant 62 : i32
    %scan3A_161 = arith.addi %scan3A, %scan3A_160 : i32
    %scan3A_162 = arith.constant 1 : i32
    scf.for %scan3A_251 = %scan3A to %scan3A_161 step %scan3A_162  : i32 {
      %mul3A_252 = arith.constant 2 : i32
      %mul3A_253 = arith.muli %scan3A_251, %mul3A_252 : i32
      %add3A_254 = arith.constant 0 : i32
      %add3A_255 = arith.addi %mul3A_253, %add3A_254 : i32
      %dma_wait3A_256 = arith.constant 0 : i32
      %dma_wait3A_257 = arith.constant 0 : i32
      %dma_wait3A_258 = arith.constant 0 : i32
      %dma_wait3A_259 = arith.constant 0 : i32
      %dma_wait3A_260 = arith.constant 0 : i32
      %dma_wait3A_261 = tpu.memref_slice %arg13[%dma_wait3A_257, %dma_wait3A_259, %dma_wait3A_260] : memref<2x80x128xf32, #tpu.memory_space<vmem>> -> memref<1x80x128xf32, #tpu.memory_space<vmem>>
      %dma_wait3A_262 = tpu.memref_squeeze %dma_wait3A_261 : memref<1x80x128xf32, #tpu.memory_space<vmem>> -> memref<80x128xf32, #tpu.memory_space<vmem>>
      %dma_wait3A_263 = arith.constant 0 : i32
      %dma_wait3A_264 = tpu.memref_slice %arg9[%dma_wait3A_256, %dma_wait3A_263] : memref<2x80xi32, #tpu.memory_space<vmem>> -> memref<1x80xi32, #tpu.memory_space<vmem>>
      %dma_wait3A_265 = tpu.memref_squeeze %dma_wait3A_264 : memref<1x80xi32, #tpu.memory_space<vmem>> -> memref<80xi32, #tpu.memory_space<vmem>>
      %dma_wait3A_266 = arith.constant 0 : i32
      %dma_wait3A_267 = arith.constant 0 : i32
      %dma_wait3A_268 = tpu.memref_slice %arg8[%dma_wait3A_266, %dma_wait3A_267] : memref<10000x128xf32, #tpu.memory_space<vmem_shared>> -> memref<10000x128xf32, #tpu.memory_space<vmem_shared>>
      %dma_wait3A_269 = tpu.memref_slice %arg16[%dma_wait3A_258] : memref<2x!tpu.dma_semaphore, #tpu.memory_space<semaphore_mem>> -> memref<1x!tpu.dma_semaphore, #tpu.memory_space<semaphore_mem>>
      %dma_wait3A_270 = tpu.memref_squeeze %dma_wait3A_269 : memref<1x!tpu.dma_semaphore, #tpu.memory_space<semaphore_mem>> -> memref<!tpu.dma_semaphore, #tpu.memory_space<semaphore_mem>>
      tpu.wait_indirect_dma semaphore(%dma_wait3A_270 : memref<!tpu.dma_semaphore, #tpu.memory_space<semaphore_mem>>) src(%dma_wait3A_268 : memref<10000x128xf32, #tpu.memory_space<vmem_shared>>) dst(%dma_wait3A_262 : memref<80x128xf32, #tpu.memory_space<vmem>>)
      %dma_wait3A_271 = arith.constant 0 : i32
      %dma_wait3A_272 = arith.constant 0 : i32
      %dma_wait3A_273 = arith.constant 0 : i32
      %dma_wait3A_274 = arith.constant 0 : i32
      %dma_wait3A_275 = arith.constant 0 : i32
      %dma_wait3A_276 = tpu.memref_slice %arg14[%dma_wait3A_272, %dma_wait3A_274, %dma_wait3A_275] : memref<2x80x128xf32, #tpu.memory_space<vmem>> -> memref<1x80x128xf32, #tpu.memory_space<vmem>>
      %dma_wait3A_277 = tpu.memref_squeeze %dma_wait3A_276 : memref<1x80x128xf32, #tpu.memory_space<vmem>> -> memref<80x128xf32, #tpu.memory_space<vmem>>
      %dma_wait3A_278 = arith.constant 0 : i32
      %dma_wait3A_279 = tpu.memref_slice %arg10[%dma_wait3A_271, %dma_wait3A_278] : memref<2x80xi32, #tpu.memory_space<vmem>> -> memref<1x80xi32, #tpu.memory_space<vmem>>
      %dma_wait3A_280 = tpu.memref_squeeze %dma_wait3A_279 : memref<1x80xi32, #tpu.memory_space<vmem>> -> memref<80xi32, #tpu.memory_space<vmem>>
      %dma_wait3A_281 = arith.constant 0 : i32
      %dma_wait3A_282 = arith.constant 0 : i32
      %dma_wait3A_283 = tpu.memref_slice %arg8[%dma_wait3A_281, %dma_wait3A_282] : memref<10000x128xf32, #tpu.memory_space<vmem_shared>> -> memref<10000x128xf32, #tpu.memory_space<vmem_shared>>
      %dma_wait3A_284 = tpu.memref_slice %arg17[%dma_wait3A_273] : memref<2x!tpu.dma_semaphore, #tpu.memory_space<semaphore_mem>> -> memref<1x!tpu.dma_semaphore, #tpu.memory_space<semaphore_mem>>
      %dma_wait3A_285 = tpu.memref_squeeze %dma_wait3A_284 : memref<1x!tpu.dma_semaphore, #tpu.memory_space<semaphore_mem>> -> memref<!tpu.dma_semaphore, #tpu.memory_space<semaphore_mem>>
      tpu.wait_indirect_dma semaphore(%dma_wait3A_285 : memref<!tpu.dma_semaphore, #tpu.memory_space<semaphore_mem>>) src(%dma_wait3A_283 : memref<10000x128xf32, #tpu.memory_space<vmem_shared>>) dst(%dma_wait3A_277 : memref<80x128xf32, #tpu.memory_space<vmem>>)
      %add3A_286 = arith.constant 1 : i32
      %add3A_287 = arith.addi %add3A_255, %add3A_286 : i32
      %lt3A_288 = arith.constant 125 : i32
      %lt3A_289 = arith.cmpi slt, %add3A_287, %lt3A_288 : i32
      %convert_element_type3A_290 = arith.extui %lt3A_289 : i1 to i32
      %cond3A_291 = arith.constant 0 : i32
      %cond3A_292 = arith.cmpi ne, %convert_element_type3A_290, %cond3A_291 : i32
      scf.if %cond3A_292 {
        %add3A_424 = arith.constant 1 : i32
        %add3A_425 = arith.addi %add3A_255, %add3A_424 : i32
        %dma_wait3A_426 = arith.constant 1 : i32
        %dma_wait3A_427 = arith.constant 1 : i32
        %dma_wait3A_428 = arith.constant 0 : i32
        %dma_wait3A_429 = tpu.memref_slice %arg9[%dma_wait3A_426, %dma_wait3A_428] : memref<2x80xi32, #tpu.memory_space<vmem>> -> memref<1x80xi32, #tpu.memory_space<vmem>>
        %dma_wait3A_430 = tpu.memref_squeeze %dma_wait3A_429 : memref<1x80xi32, #tpu.memory_space<vmem>> -> memref<80xi32, #tpu.memory_space<vmem>>
        %dma_wait3A_431 = tpu.memref_slice %arg3[%mul3A_2] : memref<320000xi32, #tpu.memory_space<hbm>> -> memref<80xi32, #tpu.memory_space<hbm>>
        %dma_wait3A_432 = tpu.memref_slice %arg18[%dma_wait3A_427] : memref<2x!tpu.dma_semaphore, #tpu.memory_space<semaphore_mem>> -> memref<1x!tpu.dma_semaphore, #tpu.memory_space<semaphore_mem>>
        %dma_wait3A_433 = tpu.memref_squeeze %dma_wait3A_432 : memref<1x!tpu.dma_semaphore, #tpu.memory_space<semaphore_mem>> -> memref<!tpu.dma_semaphore, #tpu.memory_space<semaphore_mem>>
        %dma_wait3A_434 = arith.constant 0 : i32
        %dma_wait3A_435 = tpu.memref_slice %arg9[%dma_wait3A_426, %dma_wait3A_434] : memref<2x80xi32, #tpu.memory_space<vmem>> -> memref<1x80xi32, #tpu.memory_space<vmem>>
        %dma_wait3A_436 = tpu.memref_squeeze %dma_wait3A_435 : memref<1x80xi32, #tpu.memory_space<vmem>> -> memref<80xi32, #tpu.memory_space<vmem>>
        %dma_wait3A_437 = tpu.memref_slice %arg3[%mul3A_2] : memref<320000xi32, #tpu.memory_space<hbm>> -> memref<80xi32, #tpu.memory_space<hbm>>
        tpu.wait_dma2 semaphore(%dma_wait3A_433 : memref<!tpu.dma_semaphore, #tpu.memory_space<semaphore_mem>>) src(%dma_wait3A_437 : memref<80xi32, #tpu.memory_space<hbm>>) dst(%dma_wait3A_436 : memref<80xi32, #tpu.memory_space<vmem>>)
        %dma_wait3A_438 = arith.constant 1 : i32
        %dma_wait3A_439 = arith.constant 1 : i32
        %dma_wait3A_440 = arith.constant 0 : i32
        %dma_wait3A_441 = tpu.memref_slice %arg10[%dma_wait3A_438, %dma_wait3A_440] : memref<2x80xi32, #tpu.memory_space<vmem>> -> memref<1x80xi32, #tpu.memory_space<vmem>>
        %dma_wait3A_442 = tpu.memref_squeeze %dma_wait3A_441 : memref<1x80xi32, #tpu.memory_space<vmem>> -> memref<80xi32, #tpu.memory_space<vmem>>
        %dma_wait3A_443 = tpu.memref_slice %arg3[%mul3A_2] : memref<320000xi32, #tpu.memory_space<hbm>> -> memref<80xi32, #tpu.memory_space<hbm>>
        %dma_wait3A_444 = tpu.memref_slice %arg18[%dma_wait3A_439] : memref<2x!tpu.dma_semaphore, #tpu.memory_space<semaphore_mem>> -> memref<1x!tpu.dma_semaphore, #tpu.memory_space<semaphore_mem>>
        %dma_wait3A_445 = tpu.memref_squeeze %dma_wait3A_444 : memref<1x!tpu.dma_semaphore, #tpu.memory_space<semaphore_mem>> -> memref<!tpu.dma_semaphore, #tpu.memory_space<semaphore_mem>>
        %dma_wait3A_446 = arith.constant 0 : i32
        %dma_wait3A_447 = tpu.memref_slice %arg10[%dma_wait3A_438, %dma_wait3A_446] : memref<2x80xi32, #tpu.memory_space<vmem>> -> memref<1x80xi32, #tpu.memory_space<vmem>>
        %dma_wait3A_448 = tpu.memref_squeeze %dma_wait3A_447 : memref<1x80xi32, #tpu.memory_space<vmem>> -> memref<80xi32, #tpu.memory_space<vmem>>
        %dma_wait3A_449 = tpu.memref_slice %arg3[%mul3A_2] : memref<320000xi32, #tpu.memory_space<hbm>> -> memref<80xi32, #tpu.memory_space<hbm>>
        tpu.wait_dma2 semaphore(%dma_wait3A_445 : memref<!tpu.dma_semaphore, #tpu.memory_space<semaphore_mem>>) src(%dma_wait3A_449 : memref<80xi32, #tpu.memory_space<hbm>>) dst(%dma_wait3A_448 : memref<80xi32, #tpu.memory_space<vmem>>)
        %dma_wait3A_450 = arith.constant 1 : i32
        %dma_wait3A_451 = arith.constant 1 : i32
        %dma_wait3A_452 = arith.constant 0 : i32
        %dma_wait3A_453 = tpu.memref_slice %arg11[%dma_wait3A_450, %dma_wait3A_452] : memref<2x80xi32, #tpu.memory_space<vmem>> -> memref<1x80xi32, #tpu.memory_space<vmem>>
        %dma_wait3A_454 = tpu.memref_squeeze %dma_wait3A_453 : memref<1x80xi32, #tpu.memory_space<vmem>> -> memref<80xi32, #tpu.memory_space<vmem>>
        %dma_wait3A_455 = tpu.memref_slice %arg3[%mul3A_2] : memref<320000xi32, #tpu.memory_space<hbm>> -> memref<80xi32, #tpu.memory_space<hbm>>
        %dma_wait3A_456 = tpu.memref_slice %arg18[%dma_wait3A_451] : memref<2x!tpu.dma_semaphore, #tpu.memory_space<semaphore_mem>> -> memref<1x!tpu.dma_semaphore, #tpu.memory_space<semaphore_mem>>
        %dma_wait3A_457 = tpu.memref_squeeze %dma_wait3A_456 : memref<1x!tpu.dma_semaphore, #tpu.memory_space<semaphore_mem>> -> memref<!tpu.dma_semaphore, #tpu.memory_space<semaphore_mem>>
        %dma_wait3A_458 = arith.constant 0 : i32
        %dma_wait3A_459 = tpu.memref_slice %arg11[%dma_wait3A_450, %dma_wait3A_458] : memref<2x80xi32, #tpu.memory_space<vmem>> -> memref<1x80xi32, #tpu.memory_space<vmem>>
        %dma_wait3A_460 = tpu.memref_squeeze %dma_wait3A_459 : memref<1x80xi32, #tpu.memory_space<vmem>> -> memref<80xi32, #tpu.memory_space<vmem>>
        %dma_wait3A_461 = tpu.memref_slice %arg3[%mul3A_2] : memref<320000xi32, #tpu.memory_space<hbm>> -> memref<80xi32, #tpu.memory_space<hbm>>
        tpu.wait_dma2 semaphore(%dma_wait3A_457 : memref<!tpu.dma_semaphore, #tpu.memory_space<semaphore_mem>>) src(%dma_wait3A_461 : memref<80xi32, #tpu.memory_space<hbm>>) dst(%dma_wait3A_460 : memref<80xi32, #tpu.memory_space<vmem>>)
        %add3A_462 = arith.constant 1 : i32
        %add3A_463 = arith.addi %add3A_255, %add3A_462 : i32
        %dma_start3A_464 = arith.constant 1 : i32
        %dma_start3A_465 = arith.constant 1 : i32
        %dma_start3A_466 = arith.constant 1 : i32
        %dma_start3A_467 = arith.constant 0 : i32
        %dma_start3A_468 = arith.constant 0 : i32
        %dma_start3A_469 = tpu.memref_slice %arg13[%dma_start3A_465, %dma_start3A_467, %dma_start3A_468] : memref<2x80x128xf32, #tpu.memory_space<vmem>> -> memref<1x80x128xf32, #tpu.memory_space<vmem>>
        %dma_start3A_470 = tpu.memref_squeeze %dma_start3A_469 : memref<1x80x128xf32, #tpu.memory_space<vmem>> -> memref<80x128xf32, #tpu.memory_space<vmem>>
        %dma_start3A_471 = arith.constant 0 : i32
        %dma_start3A_472 = tpu.memref_slice %arg9[%dma_start3A_464, %dma_start3A_471] : memref<2x80xi32, #tpu.memory_space<vmem>> -> memref<1x80xi32, #tpu.memory_space<vmem>>
        %dma_start3A_473 = tpu.memref_squeeze %dma_start3A_472 : memref<1x80xi32, #tpu.memory_space<vmem>> -> memref<80xi32, #tpu.memory_space<vmem>>
        %dma_start3A_474 = arith.constant 0 : i32
        %dma_start3A_475 = arith.constant 0 : i32
        %dma_start3A_476 = tpu.memref_slice %arg8[%dma_start3A_474, %dma_start3A_475] : memref<10000x128xf32, #tpu.memory_space<vmem_shared>> -> memref<10000x128xf32, #tpu.memory_space<vmem_shared>>
        %dma_start3A_477 = tpu.memref_slice %arg16[%dma_start3A_466] : memref<2x!tpu.dma_semaphore, #tpu.memory_space<semaphore_mem>> -> memref<1x!tpu.dma_semaphore, #tpu.memory_space<semaphore_mem>>
        %dma_start3A_478 = tpu.memref_squeeze %dma_start3A_477 : memref<1x!tpu.dma_semaphore, #tpu.memory_space<semaphore_mem>> -> memref<!tpu.dma_semaphore, #tpu.memory_space<semaphore_mem>>
        tpu.enqueue_indirect_dma source(%dma_start3A_476 : memref<10000x128xf32, #tpu.memory_space<vmem_shared>>) target(%dma_start3A_470 : memref<80x128xf32, #tpu.memory_space<vmem>>) offsets(%dma_start3A_473 : memref<80xi32, #tpu.memory_space<vmem>>) semaphore(%dma_start3A_478 : memref<!tpu.dma_semaphore, #tpu.memory_space<semaphore_mem>>)
        %dma_start3A_479 = arith.constant 1 : i32
        %dma_start3A_480 = arith.constant 1 : i32
        %dma_start3A_481 = arith.constant 1 : i32
        %dma_start3A_482 = arith.constant 0 : i32
        %dma_start3A_483 = arith.constant 0 : i32
        %dma_start3A_484 = tpu.memref_slice %arg14[%dma_start3A_480, %dma_start3A_482, %dma_start3A_483] : memref<2x80x128xf32, #tpu.memory_space<vmem>> -> memref<1x80x128xf32, #tpu.memory_space<vmem>>
        %dma_start3A_485 = tpu.memref_squeeze %dma_start3A_484 : memref<1x80x128xf32, #tpu.memory_space<vmem>> -> memref<80x128xf32, #tpu.memory_space<vmem>>
        %dma_start3A_486 = arith.constant 0 : i32
        %dma_start3A_487 = tpu.memref_slice %arg10[%dma_start3A_479, %dma_start3A_486] : memref<2x80xi32, #tpu.memory_space<vmem>> -> memref<1x80xi32, #tpu.memory_space<vmem>>
        %dma_start3A_488 = tpu.memref_squeeze %dma_start3A_487 : memref<1x80xi32, #tpu.memory_space<vmem>> -> memref<80xi32, #tpu.memory_space<vmem>>
        %dma_start3A_489 = arith.constant 0 : i32
        %dma_start3A_490 = arith.constant 0 : i32
        %dma_start3A_491 = tpu.memref_slice %arg8[%dma_start3A_489, %dma_start3A_490] : memref<10000x128xf32, #tpu.memory_space<vmem_shared>> -> memref<10000x128xf32, #tpu.memory_space<vmem_shared>>
        %dma_start3A_492 = tpu.memref_slice %arg17[%dma_start3A_481] : memref<2x!tpu.dma_semaphore, #tpu.memory_space<semaphore_mem>> -> memref<1x!tpu.dma_semaphore, #tpu.memory_space<semaphore_mem>>
        %dma_start3A_493 = tpu.memref_squeeze %dma_start3A_492 : memref<1x!tpu.dma_semaphore, #tpu.memory_space<semaphore_mem>> -> memref<!tpu.dma_semaphore, #tpu.memory_space<semaphore_mem>>
        tpu.enqueue_indirect_dma source(%dma_start3A_491 : memref<10000x128xf32, #tpu.memory_space<vmem_shared>>) target(%dma_start3A_485 : memref<80x128xf32, #tpu.memory_space<vmem>>) offsets(%dma_start3A_488 : memref<80xi32, #tpu.memory_space<vmem>>) semaphore(%dma_start3A_493 : memref<!tpu.dma_semaphore, #tpu.memory_space<semaphore_mem>>)
      } else {
      }
      %jit3A = arith.constant 2 : i32
      %eq3A_293 = arith.constant 0 : i32
      %eq3A_294 = arith.cmpi eq, %jit3A, %eq3A_293 : i32
      %jit3A_295 = arith.constant 1 : i32
      %select_n3A = arith.select %eq3A_294, %jit3A_295, %jit3A : i32
      %rem3A = arith.remsi %add3A_255, %select_n3A : i32
      %ne3A = arith.constant 0 : i32
      %ne3A_296 = arith.cmpi ne, %rem3A, %ne3A : i32
      %lt3A_297 = arith.constant 0 : i32
      %lt3A_298 = arith.cmpi slt, %rem3A, %lt3A_297 : i32
      %lt3A_299 = arith.constant 0 : i32
      %lt3A_300 = arith.cmpi slt, %select_n3A, %lt3A_299 : i32
      %ne3A_301 = arith.xori %lt3A_298, %lt3A_300 : i1
      %and3A = arith.andi %ne3A_301, %ne3A_296 : i1
      %add3A_302 = arith.addi %rem3A, %select_n3A : i32
      %select_n3A_303 = arith.select %and3A, %add3A_302, %rem3A : i32
      %ge3A = arith.constant 2 : i32
      %ge3A_304 = arith.cmpi sge, %add3A_255, %ge3A : i32
      %convert_element_type3A_305 = arith.extui %ge3A_304 : i1 to i32
      %cond3A_306 = arith.constant 0 : i32
      %cond3A_307 = arith.cmpi ne, %convert_element_type3A_305, %cond3A_306 : i32
      scf.if %cond3A_307 {
        %dma_wait3A_424 = arith.constant 0 : i32
        %dma_wait3A_425 = tpu.memref_slice %arg12[%select_n3A_303, %dma_wait3A_424] : memref<2x80xf32, #tpu.memory_space<vmem>> -> memref<1x80xf32, #tpu.memory_space<vmem>>
        %dma_wait3A_426 = tpu.memref_squeeze %dma_wait3A_425 : memref<1x80xf32, #tpu.memory_space<vmem>> -> memref<80xf32, #tpu.memory_space<vmem>>
        %dma_wait3A_427 = tpu.memref_slice %arg7[%mul3A_2] : memref<320000xf32, #tpu.memory_space<hbm>> -> memref<80xf32, #tpu.memory_space<hbm>>
        %dma_wait3A_428 = tpu.memref_slice %arg19[%select_n3A_303] : memref<2x!tpu.dma_semaphore, #tpu.memory_space<semaphore_mem>> -> memref<1x!tpu.dma_semaphore, #tpu.memory_space<semaphore_mem>>
        %dma_wait3A_429 = tpu.memref_squeeze %dma_wait3A_428 : memref<1x!tpu.dma_semaphore, #tpu.memory_space<semaphore_mem>> -> memref<!tpu.dma_semaphore, #tpu.memory_space<semaphore_mem>>
        %dma_wait3A_430 = tpu.memref_slice %arg7[%mul3A_2] : memref<320000xf32, #tpu.memory_space<hbm>> -> memref<80xf32, #tpu.memory_space<hbm>>
        %dma_wait3A_431 = arith.constant 0 : i32
        %dma_wait3A_432 = tpu.memref_slice %arg12[%select_n3A_303, %dma_wait3A_431] : memref<2x80xf32, #tpu.memory_space<vmem>> -> memref<1x80xf32, #tpu.memory_space<vmem>>
        %dma_wait3A_433 = tpu.memref_squeeze %dma_wait3A_432 : memref<1x80xf32, #tpu.memory_space<vmem>> -> memref<80xf32, #tpu.memory_space<vmem>>
        tpu.wait_dma2 semaphore(%dma_wait3A_429 : memref<!tpu.dma_semaphore, #tpu.memory_space<semaphore_mem>>) src(%dma_wait3A_433 : memref<80xf32, #tpu.memory_space<vmem>>) dst(%dma_wait3A_430 : memref<80xf32, #tpu.memory_space<hbm>>)
      } else {
      }
      %scan3A_308 = arith.constant 0 : i32
      %scan3A_309 = arith.constant 0 : i32
      %scan3A_310 = arith.constant 0 : i32
      %scan3A_311 = arith.constant 5 : i32
      %scan3A_312 = arith.addi %scan3A_310, %scan3A_311 : i32
      %scan3A_313 = arith.constant 1 : i32
      scf.for %scan3A_424 = %scan3A_310 to %scan3A_312 step %scan3A_313  : i32 {
        %mul3A_425 = arith.constant 16 : i32
        %mul3A_426 = arith.muli %scan3A_424, %mul3A_425 : i32
        %get3A = arith.constant 0 : i32
        %get3A_427 = arith.index_cast %get3A : i32 to index
        %get3A_428 = arith.index_cast %mul3A_426 : i32 to index
        %get3A_429 = tpu.vector_load %arg11[%get3A_427, %get3A_428] {strides = array<i32>} : memref<2x80xi32, #tpu.memory_space<vmem>>, vector<16xi32>,
        %broadcast_in_dim3A = arith.constant 0.000000e+00 : f32
        %broadcast_in_dim3A_430 = vector.broadcast %broadcast_in_dim3A : f32 to vector<16xf32>
        %scan3A_431 = arith.constant 0 : i32
        %scan3A_432 = arith.constant 16 : i32
        %scan3A_433 = arith.addi %scan3A_431, %scan3A_432 : i32
        %scan3A_434 = arith.constant 1 : i32
        %scan3A_435 = scf.for %scan3A_448 = %scan3A_431 to %scan3A_433 step %scan3A_434 iter_args(%scan3A_449 = %broadcast_in_dim3A_430) -> (vector<16xf32>)  : i32 {
          %mul3A_450 = arith.constant 16 : i32
          %mul3A_451 = arith.muli %scan3A_424, %mul3A_450 : i32
          %add3A_452 = arith.addi %mul3A_451, %scan3A_448 : i32
          %broadcast_in_dim3A_453 = vector.broadcast %scan3A_448 : i32 to vector<16xi32>
          %broadcast_in_dim3A_454 = vector.shape_cast %broadcast_in_dim3A_453 : vector<16xi32> to vector<16x1xi32>
          %gather3A = vector.shape_cast %broadcast_in_dim3A_454 : vector<16x1xi32> to vector<16xi32>
          %gather3A_455 = tpu.dynamic_gather %get3A_429[%gather3A] in [0] : vector<16xi32>, vector<16xi32> -> vector<16xi32>
          %get3A_456 = arith.constant 0 : i32
          %get3A_457 = arith.constant 0 : i32
          %get3A_458 = tpu.memref_slice %arg13[%scan3A_308, %get3A_456, %get3A_457] : memref<2x80x128xf32, #tpu.memory_space<vmem>> -> memref<1x80x128xf32, #tpu.memory_space<vmem>>
          %get3A_459 = tpu.memref_squeeze %get3A_458 : memref<1x80x128xf32, #tpu.memory_space<vmem>> -> memref<80x128xf32, #tpu.memory_space<vmem>>
          %get3A_460 = arith.index_cast %add3A_452 : i32 to index
          %get3A_461 = arith.constant 0 : index
          %get3A_462 = tpu.vector_load %get3A_459[%get3A_460, %get3A_461] {strides = array<i32>} : memref<80x128xf32, #tpu.memory_space<vmem>>, vector<16xf32>,
          %get3A_463 = arith.constant 0 : i32
          %get3A_464 = arith.constant 0 : i32
          %get3A_465 = tpu.memref_slice %arg14[%scan3A_309, %get3A_463, %get3A_464] : memref<2x80x128xf32, #tpu.memory_space<vmem>> -> memref<1x80x128xf32, #tpu.memory_space<vmem>>
          %get3A_466 = tpu.memref_squeeze %get3A_465 : memref<1x80x128xf32, #tpu.memory_space<vmem>> -> memref<80x128xf32, #tpu.memory_space<vmem>>
          %get3A_467 = arith.index_cast %add3A_452 : i32 to index
          %get3A_468 = arith.constant 0 : index
          %get3A_469 = tpu.vector_load %get3A_466[%get3A_467, %get3A_468] {strides = array<i32>} : memref<80x128xf32, #tpu.memory_space<vmem>>, vector<16xf32>,
          %add3A_470 = arith.constant 0 : i32
          %add3A_471 = vector.broadcast %add3A_470 : i32 to vector<16xi32>
          %add3A_472 = arith.addi %iota3A, %add3A_471 : vector<16xi32>
          %gather3A_473 = tpu.vector_load_idx %arg15[%gather3A_455, %add3A_472] : memref<10x128xf32, #tpu.memory_space<vmem>>[vector<16xi32>, vector<16xi32>], vector<16xf32>,
          %mul3A_474 = arith.mulf %get3A_462, %get3A_469 : vector<16xf32>
          %mul3A_475 = arith.mulf %mul3A_474, %gather3A_473 : vector<16xf32>
          %get3A_476 = arith.constant 0 : i32
          %get3A_477 = arith.constant 0 : i32
          %get3A_478 = tpu.memref_slice %arg13[%scan3A_308, %get3A_476, %get3A_477] : memref<2x80x128xf32, #tpu.memory_space<vmem>> -> memref<1x80x128xf32, #tpu.memory_space<vmem>>
          %get3A_479 = tpu.memref_squeeze %get3A_478 : memref<1x80x128xf32, #tpu.memory_space<vmem>> -> memref<80x128xf32, #tpu.memory_space<vmem>>
          %get3A_480 = arith.index_cast %add3A_452 : i32 to index
          %get3A_481 = arith.constant 16 : index
          %get3A_482 = tpu.vector_load %get3A_479[%get3A_480, %get3A_481] {strides = array<i32>} : memref<80x128xf32, #tpu.memory_space<vmem>>, vector<16xf32>,
          %get3A_483 = arith.constant 0 : i32
          %get3A_484 = arith.constant 0 : i32
          %get3A_485 = tpu.memref_slice %arg14[%scan3A_309, %get3A_483, %get3A_484] : memref<2x80x128xf32, #tpu.memory_space<vmem>> -> memref<1x80x128xf32, #tpu.memory_space<vmem>>
          %get3A_486 = tpu.memref_squeeze %get3A_485 : memref<1x80x128xf32, #tpu.memory_space<vmem>> -> memref<80x128xf32, #tpu.memory_space<vmem>>
          %get3A_487 = arith.index_cast %add3A_452 : i32 to index
          %get3A_488 = arith.constant 16 : index
          %get3A_489 = tpu.vector_load %get3A_486[%get3A_487, %get3A_488] {strides = array<i32>} : memref<80x128xf32, #tpu.memory_space<vmem>>, vector<16xf32>,
          %add3A_490 = arith.constant 16 : i32
          %add3A_491 = vector.broadcast %add3A_490 : i32 to vector<16xi32>
          %add3A_492 = arith.addi %iota3A, %add3A_491 : vector<16xi32>
          %gather3A_493 = tpu.vector_load_idx %arg15[%gather3A_455, %add3A_492] : memref<10x128xf32, #tpu.memory_space<vmem>>[vector<16xi32>, vector<16xi32>], vector<16xf32>,
          %mul3A_494 = arith.mulf %get3A_482, %get3A_489 : vector<16xf32>
          %mul3A_495 = arith.mulf %mul3A_494, %gather3A_493 : vector<16xf32>
          %add3A_496 = arith.addf %mul3A_475, %mul3A_495 : vector<16xf32>
          %get3A_497 = arith.constant 0 : i32
          %get3A_498 = arith.constant 0 : i32
          %get3A_499 = tpu.memref_slice %arg13[%scan3A_308, %get3A_497, %get3A_498] : memref<2x80x128xf32, #tpu.memory_space<vmem>> -> memref<1x80x128xf32, #tpu.memory_space<vmem>>
          %get3A_500 = tpu.memref_squeeze %get3A_499 : memref<1x80x128xf32, #tpu.memory_space<vmem>> -> memref<80x128xf32, #tpu.memory_space<vmem>>
          %get3A_501 = arith.index_cast %add3A_452 : i32 to index
          %get3A_502 = arith.constant 32 : index
          %get3A_503 = tpu.vector_load %get3A_500[%get3A_501, %get3A_502] {strides = array<i32>} : memref<80x128xf32, #tpu.memory_space<vmem>>, vector<16xf32>,
          %get3A_504 = arith.constant 0 : i32
          %get3A_505 = arith.constant 0 : i32
          %get3A_506 = tpu.memref_slice %arg14[%scan3A_309, %get3A_504, %get3A_505] : memref<2x80x128xf32, #tpu.memory_space<vmem>> -> memref<1x80x128xf32, #tpu.memory_space<vmem>>
          %get3A_507 = tpu.memref_squeeze %get3A_506 : memref<1x80x128xf32, #tpu.memory_space<vmem>> -> memref<80x128xf32, #tpu.memory_space<vmem>>
          %get3A_508 = arith.index_cast %add3A_452 : i32 to index
          %get3A_509 = arith.constant 32 : index
          %get3A_510 = tpu.vector_load %get3A_507[%get3A_508, %get3A_509] {strides = array<i32>} : memref<80x128xf32, #tpu.memory_space<vmem>>, vector<16xf32>,
          %add3A_511 = arith.constant 32 : i32
          %add3A_512 = vector.broadcast %add3A_511 : i32 to vector<16xi32>
          %add3A_513 = arith.addi %iota3A, %add3A_512 : vector<16xi32>
          %gather3A_514 = tpu.vector_load_idx %arg15[%gather3A_455, %add3A_513] : memref<10x128xf32, #tpu.memory_space<vmem>>[vector<16xi32>, vector<16xi32>], vector<16xf32>,
          %mul3A_515 = arith.mulf %get3A_503, %get3A_510 : vector<16xf32>
          %mul3A_516 = arith.mulf %mul3A_515, %gather3A_514 : vector<16xf32>
          %add3A_517 = arith.addf %add3A_496, %mul3A_516 : vector<16xf32>
          %get3A_518 = arith.constant 0 : i32
          %get3A_519 = arith.constant 0 : i32
          %get3A_520 = tpu.memref_slice %arg13[%scan3A_308, %get3A_518, %get3A_519] : memref<2x80x128xf32, #tpu.memory_space<vmem>> -> memref<1x80x128xf32, #tpu.memory_space<vmem>>
          %get3A_521 = tpu.memref_squeeze %get3A_520 : memref<1x80x128xf32, #tpu.memory_space<vmem>> -> memref<80x128xf32, #tpu.memory_space<vmem>>
          %get3A_522 = arith.index_cast %add3A_452 : i32 to index
          %get3A_523 = arith.constant 48 : index
          %get3A_524 = tpu.vector_load %get3A_521[%get3A_522, %get3A_523] {strides = array<i32>} : memref<80x128xf32, #tpu.memory_space<vmem>>, vector<16xf32>,
          %get3A_525 = arith.constant 0 : i32
          %get3A_526 = arith.constant 0 : i32
          %get3A_527 = tpu.memref_slice %arg14[%scan3A_309, %get3A_525, %get3A_526] : memref<2x80x128xf32, #tpu.memory_space<vmem>> -> memref<1x80x128xf32, #tpu.memory_space<vmem>>
          %get3A_528 = tpu.memref_squeeze %get3A_527 : memref<1x80x128xf32, #tpu.memory_space<vmem>> -> memref<80x128xf32, #tpu.memory_space<vmem>>
          %get3A_529 = arith.index_cast %add3A_452 : i32 to index
          %get3A_530 = arith.constant 48 : index
          %get3A_531 = tpu.vector_load %get3A_528[%get3A_529, %get3A_530] {strides = array<i32>} : memref<80x128xf32, #tpu.memory_space<vmem>>, vector<16xf32>,
          %add3A_532 = arith.constant 48 : i32
          %add3A_533 = vector.broadcast %add3A_532 : i32 to vector<16xi32>
          %add3A_534 = arith.addi %iota3A, %add3A_533 : vector<16xi32>
          %gather3A_535 = tpu.vector_load_idx %arg15[%gather3A_455, %add3A_534] : memref<10x128xf32, #tpu.memory_space<vmem>>[vector<16xi32>, vector<16xi32>], vector<16xf32>,
          %mul3A_536 = arith.mulf %get3A_524, %get3A_531 : vector<16xf32>
          %mul3A_537 = arith.mulf %mul3A_536, %gather3A_535 : vector<16xf32>
          %add3A_538 = arith.addf %add3A_517, %mul3A_537 : vector<16xf32>
          %get3A_539 = arith.constant 0 : i32
          %get3A_540 = arith.constant 0 : i32
          %get3A_541 = tpu.memref_slice %arg13[%scan3A_308, %get3A_539, %get3A_540] : memref<2x80x128xf32, #tpu.memory_space<vmem>> -> memref<1x80x128xf32, #tpu.memory_space<vmem>>
          %get3A_542 = tpu.memref_squeeze %get3A_541 : memref<1x80x128xf32, #tpu.memory_space<vmem>> -> memref<80x128xf32, #tpu.memory_space<vmem>>
          %get3A_543 = arith.index_cast %add3A_452 : i32 to index
          %get3A_544 = arith.constant 64 : index
          %get3A_545 = tpu.vector_load %get3A_542[%get3A_543, %get3A_544] {strides = array<i32>} : memref<80x128xf32, #tpu.memory_space<vmem>>, vector<16xf32>,
          %get3A_546 = arith.constant 0 : i32
          %get3A_547 = arith.constant 0 : i32
          %get3A_548 = tpu.memref_slice %arg14[%scan3A_309, %get3A_546, %get3A_547] : memref<2x80x128xf32, #tpu.memory_space<vmem>> -> memref<1x80x128xf32, #tpu.memory_space<vmem>>
          %get3A_549 = tpu.memref_squeeze %get3A_548 : memref<1x80x128xf32, #tpu.memory_space<vmem>> -> memref<80x128xf32, #tpu.memory_space<vmem>>
          %get3A_550 = arith.index_cast %add3A_452 : i32 to index
          %get3A_551 = arith.constant 64 : index
          %get3A_552 = tpu.vector_load %get3A_549[%get3A_550, %get3A_551] {strides = array<i32>} : memref<80x128xf32, #tpu.memory_space<vmem>>, vector<16xf32>,
          %add3A_553 = arith.constant 64 : i32
          %add3A_554 = vector.broadcast %add3A_553 : i32 to vector<16xi32>
          %add3A_555 = arith.addi %iota3A, %add3A_554 : vector<16xi32>
          %gather3A_556 = tpu.vector_load_idx %arg15[%gather3A_455, %add3A_555] : memref<10x128xf32, #tpu.memory_space<vmem>>[vector<16xi32>, vector<16xi32>], vector<16xf32>,
          %mul3A_557 = arith.mulf %get3A_545, %get3A_552 : vector<16xf32>
          %mul3A_558 = arith.mulf %mul3A_557, %gather3A_556 : vector<16xf32>
          %add3A_559 = arith.addf %add3A_538, %mul3A_558 : vector<16xf32>
          %get3A_560 = arith.constant 0 : i32
          %get3A_561 = arith.constant 0 : i32
          %get3A_562 = tpu.memref_slice %arg13[%scan3A_308, %get3A_560, %get3A_561] : memref<2x80x128xf32, #tpu.memory_space<vmem>> -> memref<1x80x128xf32, #tpu.memory_space<vmem>>
          %get3A_563 = tpu.memref_squeeze %get3A_562 : memref<1x80x128xf32, #tpu.memory_space<vmem>> -> memref<80x128xf32, #tpu.memory_space<vmem>>
          %get3A_564 = arith.index_cast %add3A_452 : i32 to index
          %get3A_565 = arith.constant 80 : index
          %get3A_566 = tpu.vector_load %get3A_563[%get3A_564, %get3A_565] {strides = array<i32>} : memref<80x128xf32, #tpu.memory_space<vmem>>, vector<16xf32>,
          %get3A_567 = arith.constant 0 : i32
          %get3A_568 = arith.constant 0 : i32
          %get3A_569 = tpu.memref_slice %arg14[%scan3A_309, %get3A_567, %get3A_568] : memref<2x80x128xf32, #tpu.memory_space<vmem>> -> memref<1x80x128xf32, #tpu.memory_space<vmem>>
          %get3A_570 = tpu.memref_squeeze %get3A_569 : memref<1x80x128xf32, #tpu.memory_space<vmem>> -> memref<80x128xf32, #tpu.memory_space<vmem>>
          %get3A_571 = arith.index_cast %add3A_452 : i32 to index
          %get3A_572 = arith.constant 80 : index
          %get3A_573 = tpu.vector_load %get3A_570[%get3A_571, %get3A_572] {strides = array<i32>} : memref<80x128xf32, #tpu.memory_space<vmem>>, vector<16xf32>,
          %add3A_574 = arith.constant 80 : i32
          %add3A_575 = vector.broadcast %add3A_574 : i32 to vector<16xi32>
          %add3A_576 = arith.addi %iota3A, %add3A_575 : vector<16xi32>
          %gather3A_577 = tpu.vector_load_idx %arg15[%gather3A_455, %add3A_576] : memref<10x128xf32, #tpu.memory_space<vmem>>[vector<16xi32>, vector<16xi32>], vector<16xf32>,
          %mul3A_578 = arith.mulf %get3A_566, %get3A_573 : vector<16xf32>
          %mul3A_579 = arith.mulf %mul3A_578, %gather3A_577 : vector<16xf32>
          %add3A_580 = arith.addf %add3A_559, %mul3A_579 : vector<16xf32>
          %get3A_581 = arith.constant 0 : i32
          %get3A_582 = arith.constant 0 : i32
          %get3A_583 = tpu.memref_slice %arg13[%scan3A_308, %get3A_581, %get3A_582] : memref<2x80x128xf32, #tpu.memory_space<vmem>> -> memref<1x80x128xf32, #tpu.memory_space<vmem>>
          %get3A_584 = tpu.memref_squeeze %get3A_583 : memref<1x80x128xf32, #tpu.memory_space<vmem>> -> memref<80x128xf32, #tpu.memory_space<vmem>>
          %get3A_585 = arith.index_cast %add3A_452 : i32 to index
          %get3A_586 = arith.constant 96 : index
          %get3A_587 = tpu.vector_load %get3A_584[%get3A_585, %get3A_586] {strides = array<i32>} : memref<80x128xf32, #tpu.memory_space<vmem>>, vector<16xf32>,
          %get3A_588 = arith.constant 0 : i32
          %get3A_589 = arith.constant 0 : i32
          %get3A_590 = tpu.memref_slice %arg14[%scan3A_309, %get3A_588, %get3A_589] : memref<2x80x128xf32, #tpu.memory_space<vmem>> -> memref<1x80x128xf32, #tpu.memory_space<vmem>>
          %get3A_591 = tpu.memref_squeeze %get3A_590 : memref<1x80x128xf32, #tpu.memory_space<vmem>> -> memref<80x128xf32, #tpu.memory_space<vmem>>
          %get3A_592 = arith.index_cast %add3A_452 : i32 to index
          %get3A_593 = arith.constant 96 : index
          %get3A_594 = tpu.vector_load %get3A_591[%get3A_592, %get3A_593] {strides = array<i32>} : memref<80x128xf32, #tpu.memory_space<vmem>>, vector<16xf32>,
          %add3A_595 = arith.constant 96 : i32
          %add3A_596 = vector.broadcast %add3A_595 : i32 to vector<16xi32>
          %add3A_597 = arith.addi %iota3A, %add3A_596 : vector<16xi32>
          %gather3A_598 = tpu.vector_load_idx %arg15[%gather3A_455, %add3A_597] : memref<10x128xf32, #tpu.memory_space<vmem>>[vector<16xi32>, vector<16xi32>], vector<16xf32>,
          %mul3A_599 = arith.mulf %get3A_587, %get3A_594 : vector<16xf32>
          %mul3A_600 = arith.mulf %mul3A_599, %gather3A_598 : vector<16xf32>
          %add3A_601 = arith.addf %add3A_580, %mul3A_600 : vector<16xf32>
          %get3A_602 = arith.constant 0 : i32
          %get3A_603 = arith.constant 0 : i32
          %get3A_604 = tpu.memref_slice %arg13[%scan3A_308, %get3A_602, %get3A_603] : memref<2x80x128xf32, #tpu.memory_space<vmem>> -> memref<1x80x128xf32, #tpu.memory_space<vmem>>
          %get3A_605 = tpu.memref_squeeze %get3A_604 : memref<1x80x128xf32, #tpu.memory_space<vmem>> -> memref<80x128xf32, #tpu.memory_space<vmem>>
          %get3A_606 = arith.index_cast %add3A_452 : i32 to index
          %get3A_607 = arith.constant 112 : index
          %get3A_608 = tpu.vector_load %get3A_605[%get3A_606, %get3A_607] {strides = array<i32>} : memref<80x128xf32, #tpu.memory_space<vmem>>, vector<16xf32>,
          %get3A_609 = arith.constant 0 : i32
          %get3A_610 = arith.constant 0 : i32
          %get3A_611 = tpu.memref_slice %arg14[%scan3A_309, %get3A_609, %get3A_610] : memref<2x80x128xf32, #tpu.memory_space<vmem>> -> memref<1x80x128xf32, #tpu.memory_space<vmem>>
          %get3A_612 = tpu.memref_squeeze %get3A_611 : memref<1x80x128xf32, #tpu.memory_space<vmem>> -> memref<80x128xf32, #tpu.memory_space<vmem>>
          %get3A_613 = arith.index_cast %add3A_452 : i32 to index
          %get3A_614 = arith.constant 112 : index
          %get3A_615 = tpu.vector_load %get3A_612[%get3A_613, %get3A_614] {strides = array<i32>} : memref<80x128xf32, #tpu.memory_space<vmem>>, vector<16xf32>,
          %add3A_616 = arith.constant 112 : i32
          %add3A_617 = vector.broadcast %add3A_616 : i32 to vector<16xi32>
          %add3A_618 = arith.addi %iota3A, %add3A_617 : vector<16xi32>
          %gather3A_619 = tpu.vector_load_idx %arg15[%gather3A_455, %add3A_618] : memref<10x128xf32, #tpu.memory_space<vmem>>[vector<16xi32>, vector<16xi32>], vector<16xf32>,
          %mul3A_620 = arith.mulf %get3A_608, %get3A_615 : vector<16xf32>
          %mul3A_621 = arith.mulf %mul3A_620, %gather3A_619 : vector<16xf32>
          %add3A_622 = arith.addf %add3A_601, %mul3A_621 : vector<16xf32>
          %broadcast_in_dim3A_623 = vector.shape_cast %xor3A_10 : vector<16xi32> to vector<16x1xi32>
          %gather3A_624 = vector.shape_cast %broadcast_in_dim3A_623 : vector<16x1xi32> to vector<16xi32>
          %gather3A_625 = tpu.dynamic_gather %add3A_622[%gather3A_624] in [0] : vector<16xf32>, vector<16xi32> -> vector<16xf32>
          %add3A_626 = arith.addf %add3A_622, %gather3A_625 : vector<16xf32>
          %broadcast_in_dim3A_627 = vector.shape_cast %xor3A_13 : vector<16xi32> to vector<16x1xi32>
          %gather3A_628 = vector.shape_cast %broadcast_in_dim3A_627 : vector<16x1xi32> to vector<16xi32>
          %gather3A_629 = tpu.dynamic_gather %add3A_626[%gather3A_628] in [0] : vector<16xf32>, vector<16xi32> -> vector<16xf32>
          %add3A_630 = arith.addf %add3A_626, %gather3A_629 : vector<16xf32>
          %broadcast_in_dim3A_631 = vector.shape_cast %xor3A_16 : vector<16xi32> to vector<16x1xi32>
          %gather3A_632 = vector.shape_cast %broadcast_in_dim3A_631 : vector<16x1xi32> to vector<16xi32>
          %gather3A_633 = tpu.dynamic_gather %add3A_630[%gather3A_632] in [0] : vector<16xf32>, vector<16xi32> -> vector<16xf32>
          %add3A_634 = arith.addf %add3A_630, %gather3A_633 : vector<16xf32>
          %broadcast_in_dim3A_635 = vector.shape_cast %xor3A_19 : vector<16xi32> to vector<16x1xi32>
          %gather3A_636 = vector.shape_cast %broadcast_in_dim3A_635 : vector<16x1xi32> to vector<16xi32>
          %gather3A_637 = tpu.dynamic_gather %add3A_634[%gather3A_636] in [0] : vector<16xf32>, vector<16xi32> -> vector<16xf32>
          %add3A_638 = arith.addf %add3A_634, %gather3A_637 : vector<16xf32>
          %eq3A_639 = vector.broadcast %scan3A_448 : i32 to vector<16xi32>
          %eq3A_640 = arith.cmpi eq, %iota3A, %eq3A_639 : vector<16xi32>
          %select_n3A_641 = arith.select %eq3A_640, %add3A_638, %scan3A_449 : vector<16xi1>, vector<16xf32>
          scf.yield %select_n3A_641 : vector<16xf32>
        }
        %scan3A_436 = arith.constant 16 : i32
        %neg3A = arith.constant 0.000000e+00 : f32
        %neg3A_437 = vector.broadcast %neg3A : f32 to vector<16xf32>
        %neg3A_438 = arith.subf %neg3A_437, %scan3A_435 : vector<16xf32>
        %exp3A = math.exp %neg3A_438 : vector<16xf32>
        %add3A_439 = arith.constant 1.000000e+00 : f32
        %add3A_440 = vector.broadcast %add3A_439 : f32 to vector<16xf32>
        %add3A_441 = arith.addf %add3A_440, %exp3A : vector<16xf32>
        %div3A = arith.constant 1.000000e+00 : f32
        %div3A_442 = vector.broadcast %div3A : f32 to vector<16xf32>
        %div3A_443 = arith.divf %div3A_442, %add3A_441 : vector<16xf32>
        %mul3A_444 = arith.constant 16 : i32
        %mul3A_445 = arith.muli %scan3A_424, %mul3A_444 : i32
        %swap3A = arith.index_cast %select_n3A_303 : i32 to index
        %swap3A_446 = arith.index_cast %mul3A_445 : i32 to index
        %swap3A_447 = tpu.vector_load %arg12[%swap3A, %swap3A_446] {strides = array<i32>} : memref<2x80xf32, #tpu.memory_space<vmem>>, vector<16xf32>,
        tpu.vector_store %arg12[%swap3A, %swap3A_446], %div3A_443 {strides = array<i32>} : memref<2x80xf32, #tpu.memory_space<vmem>>, vector<16xf32>,
      }
      %scan3A_314 = arith.constant 5 : i32
      %mul3A_315 = arith.constant 80 : i32
      %mul3A_316 = arith.muli %add3A_255, %mul3A_315 : i32
      %add3A_317 = arith.addi %mul3A_2, %mul3A_316 : i32
      %dma_start3A_318 = arith.constant 0 : i32
      %dma_start3A_319 = tpu.memref_slice %arg12[%select_n3A_303, %dma_start3A_318] : memref<2x80xf32, #tpu.memory_space<vmem>> -> memref<1x80xf32, #tpu.memory_space<vmem>>
      %dma_start3A_320 = tpu.memref_squeeze %dma_start3A_319 : memref<1x80xf32, #tpu.memory_space<vmem>> -> memref<80xf32, #tpu.memory_space<vmem>>
      %dma_start3A_321 = tpu.memref_slice %arg7[%add3A_317] : memref<320000xf32, #tpu.memory_space<hbm>> -> memref<80xf32, #tpu.memory_space<hbm>>
      %dma_start3A_322 = tpu.memref_slice %arg19[%select_n3A_303] : memref<2x!tpu.dma_semaphore, #tpu.memory_space<semaphore_mem>> -> memref<1x!tpu.dma_semaphore, #tpu.memory_space<semaphore_mem>>
      %dma_start3A_323 = tpu.memref_squeeze %dma_start3A_322 : memref<1x!tpu.dma_semaphore, #tpu.memory_space<semaphore_mem>> -> memref<!tpu.dma_semaphore, #tpu.memory_space<semaphore_mem>>
      %dma_start3A_324 = tpu.memref_slice %arg7[%add3A_317] : memref<320000xf32, #tpu.memory_space<hbm>> -> memref<80xf32, #tpu.memory_space<hbm>>
      %dma_start3A_325 = arith.constant 0 : i32
      %dma_start3A_326 = tpu.memref_slice %arg12[%select_n3A_303, %dma_start3A_325] : memref<2x80xf32, #tpu.memory_space<vmem>> -> memref<1x80xf32, #tpu.memory_space<vmem>>
      %dma_start3A_327 = tpu.memref_squeeze %dma_start3A_326 : memref<1x80xf32, #tpu.memory_space<vmem>> -> memref<80xf32, #tpu.memory_space<vmem>>
      tpu.enqueue_dma source(%dma_start3A_327 : memref<80xf32, #tpu.memory_space<vmem>>) target(%dma_start3A_324 : memref<80xf32, #tpu.memory_space<hbm>>) target_semaphore(%dma_start3A_323 : memref<!tpu.dma_semaphore, #tpu.memory_space<semaphore_mem>>)
      %add3A_328 = arith.constant 2 : i32
      %add3A_329 = arith.addi %add3A_255, %add3A_328 : i32
      %lt3A_330 = arith.constant 125 : i32
      %lt3A_331 = arith.cmpi slt, %add3A_329, %lt3A_330 : i32
      %convert_element_type3A_332 = arith.extui %lt3A_331 : i1 to i32
      %cond3A_333 = arith.constant 0 : i32
      %cond3A_334 = arith.cmpi ne, %convert_element_type3A_332, %cond3A_333 : i32
      scf.if %cond3A_334 {
        %add3A_424 = arith.constant 2 : i32
        %add3A_425 = arith.addi %add3A_255, %add3A_424 : i32
        %mul3A_426 = arith.constant 80 : i32
        %mul3A_427 = arith.muli %add3A_425, %mul3A_426 : i32
        %add3A_428 = arith.addi %mul3A_2, %mul3A_427 : i32
        %dma_start3A_429 = arith.constant 0 : i32
        %dma_start3A_430 = arith.constant 0 : i32
        %dma_start3A_431 = arith.constant 0 : i32
        %dma_start3A_432 = tpu.memref_slice %arg9[%dma_start3A_429, %dma_start3A_431] : memref<2x80xi32, #tpu.memory_space<vmem>> -> memref<1x80xi32, #tpu.memory_space<vmem>>
        %dma_start3A_433 = tpu.memref_squeeze %dma_start3A_432 : memref<1x80xi32, #tpu.memory_space<vmem>> -> memref<80xi32, #tpu.memory_space<vmem>>
        %dma_start3A_434 = tpu.memref_slice %arg3[%add3A_428] : memref<320000xi32, #tpu.memory_space<hbm>> -> memref<80xi32, #tpu.memory_space<hbm>>
        %dma_start3A_435 = tpu.memref_slice %arg18[%dma_start3A_430] : memref<2x!tpu.dma_semaphore, #tpu.memory_space<semaphore_mem>> -> memref<1x!tpu.dma_semaphore, #tpu.memory_space<semaphore_mem>>
        %dma_start3A_436 = tpu.memref_squeeze %dma_start3A_435 : memref<1x!tpu.dma_semaphore, #tpu.memory_space<semaphore_mem>> -> memref<!tpu.dma_semaphore, #tpu.memory_space<semaphore_mem>>
        %dma_start3A_437 = arith.constant 0 : i32
        %dma_start3A_438 = tpu.memref_slice %arg9[%dma_start3A_429, %dma_start3A_437] : memref<2x80xi32, #tpu.memory_space<vmem>> -> memref<1x80xi32, #tpu.memory_space<vmem>>
        %dma_start3A_439 = tpu.memref_squeeze %dma_start3A_438 : memref<1x80xi32, #tpu.memory_space<vmem>> -> memref<80xi32, #tpu.memory_space<vmem>>
        %dma_start3A_440 = tpu.memref_slice %arg3[%add3A_428] : memref<320000xi32, #tpu.memory_space<hbm>> -> memref<80xi32, #tpu.memory_space<hbm>>
        tpu.enqueue_dma source(%dma_start3A_440 : memref<80xi32, #tpu.memory_space<hbm>>) target(%dma_start3A_439 : memref<80xi32, #tpu.memory_space<vmem>>) target_semaphore(%dma_start3A_436 : memref<!tpu.dma_semaphore, #tpu.memory_space<semaphore_mem>>)
        %dma_start3A_441 = arith.constant 0 : i32
        %dma_start3A_442 = arith.constant 0 : i32
        %dma_start3A_443 = arith.constant 0 : i32
        %dma_start3A_444 = tpu.memref_slice %arg10[%dma_start3A_441, %dma_start3A_443] : memref<2x80xi32, #tpu.memory_space<vmem>> -> memref<1x80xi32, #tpu.memory_space<vmem>>
        %dma_start3A_445 = tpu.memref_squeeze %dma_start3A_444 : memref<1x80xi32, #tpu.memory_space<vmem>> -> memref<80xi32, #tpu.memory_space<vmem>>
        %dma_start3A_446 = tpu.memref_slice %arg4[%add3A_428] : memref<320000xi32, #tpu.memory_space<hbm>> -> memref<80xi32, #tpu.memory_space<hbm>>
        %dma_start3A_447 = tpu.memref_slice %arg18[%dma_start3A_442] : memref<2x!tpu.dma_semaphore, #tpu.memory_space<semaphore_mem>> -> memref<1x!tpu.dma_semaphore, #tpu.memory_space<semaphore_mem>>
        %dma_start3A_448 = tpu.memref_squeeze %dma_start3A_447 : memref<1x!tpu.dma_semaphore, #tpu.memory_space<semaphore_mem>> -> memref<!tpu.dma_semaphore, #tpu.memory_space<semaphore_mem>>
        %dma_start3A_449 = arith.constant 0 : i32
        %dma_start3A_450 = tpu.memref_slice %arg10[%dma_start3A_441, %dma_start3A_449] : memref<2x80xi32, #tpu.memory_space<vmem>> -> memref<1x80xi32, #tpu.memory_space<vmem>>
        %dma_start3A_451 = tpu.memref_squeeze %dma_start3A_450 : memref<1x80xi32, #tpu.memory_space<vmem>> -> memref<80xi32, #tpu.memory_space<vmem>>
        %dma_start3A_452 = tpu.memref_slice %arg4[%add3A_428] : memref<320000xi32, #tpu.memory_space<hbm>> -> memref<80xi32, #tpu.memory_space<hbm>>
        tpu.enqueue_dma source(%dma_start3A_452 : memref<80xi32, #tpu.memory_space<hbm>>) target(%dma_start3A_451 : memref<80xi32, #tpu.memory_space<vmem>>) target_semaphore(%dma_start3A_448 : memref<!tpu.dma_semaphore, #tpu.memory_space<semaphore_mem>>)
        %dma_start3A_453 = arith.constant 0 : i32
        %dma_start3A_454 = arith.constant 0 : i32
        %dma_start3A_455 = arith.constant 0 : i32
        %dma_start3A_456 = tpu.memref_slice %arg11[%dma_start3A_453, %dma_start3A_455] : memref<2x80xi32, #tpu.memory_space<vmem>> -> memref<1x80xi32, #tpu.memory_space<vmem>>
        %dma_start3A_457 = tpu.memref_squeeze %dma_start3A_456 : memref<1x80xi32, #tpu.memory_space<vmem>> -> memref<80xi32, #tpu.memory_space<vmem>>
        %dma_start3A_458 = tpu.memref_slice %arg5[%add3A_428] : memref<320000xi32, #tpu.memory_space<hbm>> -> memref<80xi32, #tpu.memory_space<hbm>>
        %dma_start3A_459 = tpu.memref_slice %arg18[%dma_start3A_454] : memref<2x!tpu.dma_semaphore, #tpu.memory_space<semaphore_mem>> -> memref<1x!tpu.dma_semaphore, #tpu.memory_space<semaphore_mem>>
        %dma_start3A_460 = tpu.memref_squeeze %dma_start3A_459 : memref<1x!tpu.dma_semaphore, #tpu.memory_space<semaphore_mem>> -> memref<!tpu.dma_semaphore, #tpu.memory_space<semaphore_mem>>
        %dma_start3A_461 = arith.constant 0 : i32
        %dma_start3A_462 = tpu.memref_slice %arg11[%dma_start3A_453, %dma_start3A_461] : memref<2x80xi32, #tpu.memory_space<vmem>> -> memref<1x80xi32, #tpu.memory_space<vmem>>
        %dma_start3A_463 = tpu.memref_squeeze %dma_start3A_462 : memref<1x80xi32, #tpu.memory_space<vmem>> -> memref<80xi32, #tpu.memory_space<vmem>>
        %dma_start3A_464 = tpu.memref_slice %arg5[%add3A_428] : memref<320000xi32, #tpu.memory_space<hbm>> -> memref<80xi32, #tpu.memory_space<hbm>>
        tpu.enqueue_dma source(%dma_start3A_464 : memref<80xi32, #tpu.memory_space<hbm>>) target(%dma_start3A_463 : memref<80xi32, #tpu.memory_space<vmem>>) target_semaphore(%dma_start3A_460 : memref<!tpu.dma_semaphore, #tpu.memory_space<semaphore_mem>>)
      } else {
      }
      %mul3A_335 = arith.constant 2 : i32
      %mul3A_336 = arith.muli %scan3A_251, %mul3A_335 : i32
      %add3A_337 = arith.constant 1 : i32
      %add3A_338 = arith.addi %mul3A_336, %add3A_337 : i32
      %dma_wait3A_339 = arith.constant 1 : i32
      %dma_wait3A_340 = arith.constant 1 : i32
      %dma_wait3A_341 = arith.constant 1 : i32
      %dma_wait3A_342 = arith.constant 0 : i32
      %dma_wait3A_343 = arith.constant 0 : i32
      %dma_wait3A_344 = tpu.memref_slice %arg13[%dma_wait3A_340, %dma_wait3A_342, %dma_wait3A_343] : memref<2x80x128xf32, #tpu.memory_space<vmem>> -> memref<1x80x128xf32, #tpu.memory_space<vmem>>
      %dma_wait3A_345 = tpu.memref_squeeze %dma_wait3A_344 : memref<1x80x128xf32, #tpu.memory_space<vmem>> -> memref<80x128xf32, #tpu.memory_space<vmem>>
      %dma_wait3A_346 = arith.constant 0 : i32
      %dma_wait3A_347 = tpu.memref_slice %arg9[%dma_wait3A_339, %dma_wait3A_346] : memref<2x80xi32, #tpu.memory_space<vmem>> -> memref<1x80xi32, #tpu.memory_space<vmem>>
      %dma_wait3A_348 = tpu.memref_squeeze %dma_wait3A_347 : memref<1x80xi32, #tpu.memory_space<vmem>> -> memref<80xi32, #tpu.memory_space<vmem>>
      %dma_wait3A_349 = arith.constant 0 : i32
      %dma_wait3A_350 = arith.constant 0 : i32
      %dma_wait3A_351 = tpu.memref_slice %arg8[%dma_wait3A_349, %dma_wait3A_350] : memref<10000x128xf32, #tpu.memory_space<vmem_shared>> -> memref<10000x128xf32, #tpu.memory_space<vmem_shared>>
      %dma_wait3A_352 = tpu.memref_slice %arg16[%dma_wait3A_341] : memref<2x!tpu.dma_semaphore, #tpu.memory_space<semaphore_mem>> -> memref<1x!tpu.dma_semaphore, #tpu.memory_space<semaphore_mem>>
      %dma_wait3A_353 = tpu.memref_squeeze %dma_wait3A_352 : memref<1x!tpu.dma_semaphore, #tpu.memory_space<semaphore_mem>> -> memref<!tpu.dma_semaphore, #tpu.memory_space<semaphore_mem>>
      tpu.wait_indirect_dma semaphore(%dma_wait3A_353 : memref<!tpu.dma_semaphore, #tpu.memory_space<semaphore_mem>>) src(%dma_wait3A_351 : memref<10000x128xf32, #tpu.memory_space<vmem_shared>>) dst(%dma_wait3A_345 : memref<80x128xf32, #tpu.memory_space<vmem>>)
      %dma_wait3A_354 = arith.constant 1 : i32
      %dma_wait3A_355 = arith.constant 1 : i32
      %dma_wait3A_356 = arith.constant 1 : i32
      %dma_wait3A_357 = arith.constant 0 : i32
      %dma_wait3A_358 = arith.constant 0 : i32
      %dma_wait3A_359 = tpu.memref_slice %arg14[%dma_wait3A_355, %dma_wait3A_357, %dma_wait3A_358] : memref<2x80x128xf32, #tpu.memory_space<vmem>> -> memref<1x80x128xf32, #tpu.memory_space<vmem>>
      %dma_wait3A_360 = tpu.memref_squeeze %dma_wait3A_359 : memref<1x80x128xf32, #tpu.memory_space<vmem>> -> memref<80x128xf32, #tpu.memory_space<vmem>>
      %dma_wait3A_361 = arith.constant 0 : i32
      %dma_wait3A_362 = tpu.memref_slice %arg10[%dma_wait3A_354, %dma_wait3A_361] : memref<2x80xi32, #tpu.memory_space<vmem>> -> memref<1x80xi32, #tpu.memory_space<vmem>>
      %dma_wait3A_363 = tpu.memref_squeeze %dma_wait3A_362 : memref<1x80xi32, #tpu.memory_space<vmem>> -> memref<80xi32, #tpu.memory_space<vmem>>
      %dma_wait3A_364 = arith.constant 0 : i32
      %dma_wait3A_365 = arith.constant 0 : i32
      %dma_wait3A_366 = tpu.memref_slice %arg8[%dma_wait3A_364, %dma_wait3A_365] : memref<10000x128xf32, #tpu.memory_space<vmem_shared>> -> memref<10000x128xf32, #tpu.memory_space<vmem_shared>>
      %dma_wait3A_367 = tpu.memref_slice %arg17[%dma_wait3A_356] : memref<2x!tpu.dma_semaphore, #tpu.memory_space<semaphore_mem>> -> memref<1x!tpu.dma_semaphore, #tpu.memory_space<semaphore_mem>>
      %dma_wait3A_368 = tpu.memref_squeeze %dma_wait3A_367 : memref<1x!tpu.dma_semaphore, #tpu.memory_space<semaphore_mem>> -> memref<!tpu.dma_semaphore, #tpu.memory_space<semaphore_mem>>
      tpu.wait_indirect_dma semaphore(%dma_wait3A_368 : memref<!tpu.dma_semaphore, #tpu.memory_space<semaphore_mem>>) src(%dma_wait3A_366 : memref<10000x128xf32, #tpu.memory_space<vmem_shared>>) dst(%dma_wait3A_360 : memref<80x128xf32, #tpu.memory_space<vmem>>)
      %add3A_369 = arith.constant 1 : i32
      %add3A_370 = arith.addi %add3A_338, %add3A_369 : i32
      %lt3A_371 = arith.constant 125 : i32
      %lt3A_372 = arith.cmpi slt, %add3A_370, %lt3A_371 : i32
      %convert_element_type3A_373 = arith.extui %lt3A_372 : i1 to i32
      %cond3A_374 = arith.constant 0 : i32
      %cond3A_375 = arith.cmpi ne, %convert_element_type3A_373, %cond3A_374 : i32
      scf.if %cond3A_375 {
        %add3A_424 = arith.constant 1 : i32
        %add3A_425 = arith.addi %add3A_338, %add3A_424 : i32
        %dma_wait3A_426 = arith.constant 0 : i32
        %dma_wait3A_427 = arith.constant 0 : i32
        %dma_wait3A_428 = arith.constant 0 : i32
        %dma_wait3A_429 = tpu.memref_slice %arg9[%dma_wait3A_426, %dma_wait3A_428] : memref<2x80xi32, #tpu.memory_space<vmem>> -> memref<1x80xi32, #tpu.memory_space<vmem>>
        %dma_wait3A_430 = tpu.memref_squeeze %dma_wait3A_429 : memref<1x80xi32, #tpu.memory_space<vmem>> -> memref<80xi32, #tpu.memory_space<vmem>>
        %dma_wait3A_431 = tpu.memref_slice %arg3[%mul3A_2] : memref<320000xi32, #tpu.memory_space<hbm>> -> memref<80xi32, #tpu.memory_space<hbm>>
        %dma_wait3A_432 = tpu.memref_slice %arg18[%dma_wait3A_427] : memref<2x!tpu.dma_semaphore, #tpu.memory_space<semaphore_mem>> -> memref<1x!tpu.dma_semaphore, #tpu.memory_space<semaphore_mem>>
        %dma_wait3A_433 = tpu.memref_squeeze %dma_wait3A_432 : memref<1x!tpu.dma_semaphore, #tpu.memory_space<semaphore_mem>> -> memref<!tpu.dma_semaphore, #tpu.memory_space<semaphore_mem>>
        %dma_wait3A_434 = arith.constant 0 : i32
        %dma_wait3A_435 = tpu.memref_slice %arg9[%dma_wait3A_426, %dma_wait3A_434] : memref<2x80xi32, #tpu.memory_space<vmem>> -> memref<1x80xi32, #tpu.memory_space<vmem>>
        %dma_wait3A_436 = tpu.memref_squeeze %dma_wait3A_435 : memref<1x80xi32, #tpu.memory_space<vmem>> -> memref<80xi32, #tpu.memory_space<vmem>>
        %dma_wait3A_437 = tpu.memref_slice %arg3[%mul3A_2] : memref<320000xi32, #tpu.memory_space<hbm>> -> memref<80xi32, #tpu.memory_space<hbm>>
        tpu.wait_dma2 semaphore(%dma_wait3A_433 : memref<!tpu.dma_semaphore, #tpu.memory_space<semaphore_mem>>) src(%dma_wait3A_437 : memref<80xi32, #tpu.memory_space<hbm>>) dst(%dma_wait3A_436 : memref<80xi32, #tpu.memory_space<vmem>>)
        %dma_wait3A_438 = arith.constant 0 : i32
        %dma_wait3A_439 = arith.constant 0 : i32
        %dma_wait3A_440 = arith.constant 0 : i32
        %dma_wait3A_441 = tpu.memref_slice %arg10[%dma_wait3A_438, %dma_wait3A_440] : memref<2x80xi32, #tpu.memory_space<vmem>> -> memref<1x80xi32, #tpu.memory_space<vmem>>
        %dma_wait3A_442 = tpu.memref_squeeze %dma_wait3A_441 : memref<1x80xi32, #tpu.memory_space<vmem>> -> memref<80xi32, #tpu.memory_space<vmem>>
        %dma_wait3A_443 = tpu.memref_slice %arg3[%mul3A_2] : memref<320000xi32, #tpu.memory_space<hbm>> -> memref<80xi32, #tpu.memory_space<hbm>>
        %dma_wait3A_444 = tpu.memref_slice %arg18[%dma_wait3A_439] : memref<2x!tpu.dma_semaphore, #tpu.memory_space<semaphore_mem>> -> memref<1x!tpu.dma_semaphore, #tpu.memory_space<semaphore_mem>>
        %dma_wait3A_445 = tpu.memref_squeeze %dma_wait3A_444 : memref<1x!tpu.dma_semaphore, #tpu.memory_space<semaphore_mem>> -> memref<!tpu.dma_semaphore, #tpu.memory_space<semaphore_mem>>
        %dma_wait3A_446 = arith.constant 0 : i32
        %dma_wait3A_447 = tpu.memref_slice %arg10[%dma_wait3A_438, %dma_wait3A_446] : memref<2x80xi32, #tpu.memory_space<vmem>> -> memref<1x80xi32, #tpu.memory_space<vmem>>
        %dma_wait3A_448 = tpu.memref_squeeze %dma_wait3A_447 : memref<1x80xi32, #tpu.memory_space<vmem>> -> memref<80xi32, #tpu.memory_space<vmem>>
        %dma_wait3A_449 = tpu.memref_slice %arg3[%mul3A_2] : memref<320000xi32, #tpu.memory_space<hbm>> -> memref<80xi32, #tpu.memory_space<hbm>>
        tpu.wait_dma2 semaphore(%dma_wait3A_445 : memref<!tpu.dma_semaphore, #tpu.memory_space<semaphore_mem>>) src(%dma_wait3A_449 : memref<80xi32, #tpu.memory_space<hbm>>) dst(%dma_wait3A_448 : memref<80xi32, #tpu.memory_space<vmem>>)
        %dma_wait3A_450 = arith.constant 0 : i32
        %dma_wait3A_451 = arith.constant 0 : i32
        %dma_wait3A_452 = arith.constant 0 : i32
        %dma_wait3A_453 = tpu.memref_slice %arg11[%dma_wait3A_450, %dma_wait3A_452] : memref<2x80xi32, #tpu.memory_space<vmem>> -> memref<1x80xi32, #tpu.memory_space<vmem>>
        %dma_wait3A_454 = tpu.memref_squeeze %dma_wait3A_453 : memref<1x80xi32, #tpu.memory_space<vmem>> -> memref<80xi32, #tpu.memory_space<vmem>>
        %dma_wait3A_455 = tpu.memref_slice %arg3[%mul3A_2] : memref<320000xi32, #tpu.memory_space<hbm>> -> memref<80xi32, #tpu.memory_space<hbm>>
        %dma_wait3A_456 = tpu.memref_slice %arg18[%dma_wait3A_451] : memref<2x!tpu.dma_semaphore, #tpu.memory_space<semaphore_mem>> -> memref<1x!tpu.dma_semaphore, #tpu.memory_space<semaphore_mem>>
        %dma_wait3A_457 = tpu.memref_squeeze %dma_wait3A_456 : memref<1x!tpu.dma_semaphore, #tpu.memory_space<semaphore_mem>> -> memref<!tpu.dma_semaphore, #tpu.memory_space<semaphore_mem>>
        %dma_wait3A_458 = arith.constant 0 : i32
        %dma_wait3A_459 = tpu.memref_slice %arg11[%dma_wait3A_450, %dma_wait3A_458] : memref<2x80xi32, #tpu.memory_space<vmem>> -> memref<1x80xi32, #tpu.memory_space<vmem>>
        %dma_wait3A_460 = tpu.memref_squeeze %dma_wait3A_459 : memref<1x80xi32, #tpu.memory_space<vmem>> -> memref<80xi32, #tpu.memory_space<vmem>>
        %dma_wait3A_461 = tpu.memref_slice %arg3[%mul3A_2] : memref<320000xi32, #tpu.memory_space<hbm>> -> memref<80xi32, #tpu.memory_space<hbm>>
        tpu.wait_dma2 semaphore(%dma_wait3A_457 : memref<!tpu.dma_semaphore, #tpu.memory_space<semaphore_mem>>) src(%dma_wait3A_461 : memref<80xi32, #tpu.memory_space<hbm>>) dst(%dma_wait3A_460 : memref<80xi32, #tpu.memory_space<vmem>>)
        %add3A_462 = arith.constant 1 : i32
        %add3A_463 = arith.addi %add3A_338, %add3A_462 : i32
        %dma_start3A_464 = arith.constant 0 : i32
        %dma_start3A_465 = arith.constant 0 : i32
        %dma_start3A_466 = arith.constant 0 : i32
        %dma_start3A_467 = arith.constant 0 : i32
        %dma_start3A_468 = arith.constant 0 : i32
        %dma_start3A_469 = tpu.memref_slice %arg13[%dma_start3A_465, %dma_start3A_467, %dma_start3A_468] : memref<2x80x128xf32, #tpu.memory_space<vmem>> -> memref<1x80x128xf32, #tpu.memory_space<vmem>>
        %dma_start3A_470 = tpu.memref_squeeze %dma_start3A_469 : memref<1x80x128xf32, #tpu.memory_space<vmem>> -> memref<80x128xf32, #tpu.memory_space<vmem>>
        %dma_start3A_471 = arith.constant 0 : i32
        %dma_start3A_472 = tpu.memref_slice %arg9[%dma_start3A_464, %dma_start3A_471] : memref<2x80xi32, #tpu.memory_space<vmem>> -> memref<1x80xi32, #tpu.memory_space<vmem>>
        %dma_start3A_473 = tpu.memref_squeeze %dma_start3A_472 : memref<1x80xi32, #tpu.memory_space<vmem>> -> memref<80xi32, #tpu.memory_space<vmem>>
        %dma_start3A_474 = arith.constant 0 : i32
        %dma_start3A_475 = arith.constant 0 : i32
        %dma_start3A_476 = tpu.memref_slice %arg8[%dma_start3A_474, %dma_start3A_475] : memref<10000x128xf32, #tpu.memory_space<vmem_shared>> -> memref<10000x128xf32, #tpu.memory_space<vmem_shared>>
        %dma_start3A_477 = tpu.memref_slice %arg16[%dma_start3A_466] : memref<2x!tpu.dma_semaphore, #tpu.memory_space<semaphore_mem>> -> memref<1x!tpu.dma_semaphore, #tpu.memory_space<semaphore_mem>>
        %dma_start3A_478 = tpu.memref_squeeze %dma_start3A_477 : memref<1x!tpu.dma_semaphore, #tpu.memory_space<semaphore_mem>> -> memref<!tpu.dma_semaphore, #tpu.memory_space<semaphore_mem>>
        tpu.enqueue_indirect_dma source(%dma_start3A_476 : memref<10000x128xf32, #tpu.memory_space<vmem_shared>>) target(%dma_start3A_470 : memref<80x128xf32, #tpu.memory_space<vmem>>) offsets(%dma_start3A_473 : memref<80xi32, #tpu.memory_space<vmem>>) semaphore(%dma_start3A_478 : memref<!tpu.dma_semaphore, #tpu.memory_space<semaphore_mem>>)
        %dma_start3A_479 = arith.constant 0 : i32
        %dma_start3A_480 = arith.constant 0 : i32
        %dma_start3A_481 = arith.constant 0 : i32
        %dma_start3A_482 = arith.constant 0 : i32
        %dma_start3A_483 = arith.constant 0 : i32
        %dma_start3A_484 = tpu.memref_slice %arg14[%dma_start3A_480, %dma_start3A_482, %dma_start3A_483] : memref<2x80x128xf32, #tpu.memory_space<vmem>> -> memref<1x80x128xf32, #tpu.memory_space<vmem>>
        %dma_start3A_485 = tpu.memref_squeeze %dma_start3A_484 : memref<1x80x128xf32, #tpu.memory_space<vmem>> -> memref<80x128xf32, #tpu.memory_space<vmem>>
        %dma_start3A_486 = arith.constant 0 : i32
        %dma_start3A_487 = tpu.memref_slice %arg10[%dma_start3A_479, %dma_start3A_486] : memref<2x80xi32, #tpu.memory_space<vmem>> -> memref<1x80xi32, #tpu.memory_space<vmem>>
        %dma_start3A_488 = tpu.memref_squeeze %dma_start3A_487 : memref<1x80xi32, #tpu.memory_space<vmem>> -> memref<80xi32, #tpu.memory_space<vmem>>
        %dma_start3A_489 = arith.constant 0 : i32
        %dma_start3A_490 = arith.constant 0 : i32
        %dma_start3A_491 = tpu.memref_slice %arg8[%dma_start3A_489, %dma_start3A_490] : memref<10000x128xf32, #tpu.memory_space<vmem_shared>> -> memref<10000x128xf32, #tpu.memory_space<vmem_shared>>
        %dma_start3A_492 = tpu.memref_slice %arg17[%dma_start3A_481] : memref<2x!tpu.dma_semaphore, #tpu.memory_space<semaphore_mem>> -> memref<1x!tpu.dma_semaphore, #tpu.memory_space<semaphore_mem>>
        %dma_start3A_493 = tpu.memref_squeeze %dma_start3A_492 : memref<1x!tpu.dma_semaphore, #tpu.memory_space<semaphore_mem>> -> memref<!tpu.dma_semaphore, #tpu.memory_space<semaphore_mem>>
        tpu.enqueue_indirect_dma source(%dma_start3A_491 : memref<10000x128xf32, #tpu.memory_space<vmem_shared>>) target(%dma_start3A_485 : memref<80x128xf32, #tpu.memory_space<vmem>>) offsets(%dma_start3A_488 : memref<80xi32, #tpu.memory_space<vmem>>) semaphore(%dma_start3A_493 : memref<!tpu.dma_semaphore, #tpu.memory_space<semaphore_mem>>)
      } else {
      }
      %jit3A_376 = arith.constant 2 : i32
      %eq3A_377 = arith.constant 0 : i32
      %eq3A_378 = arith.cmpi eq, %jit3A_376, %eq3A_377 : i32
      %jit3A_379 = arith.constant 1 : i32
      %select_n3A_380 = arith.select %eq3A_378, %jit3A_379, %jit3A_376 : i32
      %rem3A_381 = arith.remsi %add3A_338, %select_n3A_380 : i32
      %ne3A_382 = arith.constant 0 : i32
      %ne3A_383 = arith.cmpi ne, %rem3A_381, %ne3A_382 : i32
      %lt3A_384 = arith.constant 0 : i32
      %lt3A_385 = arith.cmpi slt, %rem3A_381, %lt3A_384 : i32
      %lt3A_386 = arith.constant 0 : i32
      %lt3A_387 = arith.cmpi slt, %select_n3A_380, %lt3A_386 : i32
      %ne3A_388 = arith.xori %lt3A_385, %lt3A_387 : i1
      %and3A_389 = arith.andi %ne3A_388, %ne3A_383 : i1
      %add3A_390 = arith.addi %rem3A_381, %select_n3A_380 : i32
      %select_n3A_391 = arith.select %and3A_389, %add3A_390, %rem3A_381 : i32
      %ge3A_392 = arith.constant 2 : i32
      %ge3A_393 = arith.cmpi sge, %add3A_338, %ge3A_392 : i32
      %convert_element_type3A_394 = arith.extui %ge3A_393 : i1 to i32
      %cond3A_395 = arith.constant 0 : i32
      %cond3A_396 = arith.cmpi ne, %convert_element_type3A_394, %cond3A_395 : i32
      scf.if %cond3A_396 {
        %dma_wait3A_424 = arith.constant 0 : i32
        %dma_wait3A_425 = tpu.memref_slice %arg12[%select_n3A_391, %dma_wait3A_424] : memref<2x80xf32, #tpu.memory_space<vmem>> -> memref<1x80xf32, #tpu.memory_space<vmem>>
        %dma_wait3A_426 = tpu.memref_squeeze %dma_wait3A_425 : memref<1x80xf32, #tpu.memory_space<vmem>> -> memref<80xf32, #tpu.memory_space<vmem>>
        %dma_wait3A_427 = tpu.memref_slice %arg7[%mul3A_2] : memref<320000xf32, #tpu.memory_space<hbm>> -> memref<80xf32, #tpu.memory_space<hbm>>
        %dma_wait3A_428 = tpu.memref_slice %arg19[%select_n3A_391] : memref<2x!tpu.dma_semaphore, #tpu.memory_space<semaphore_mem>> -> memref<1x!tpu.dma_semaphore, #tpu.memory_space<semaphore_mem>>
        %dma_wait3A_429 = tpu.memref_squeeze %dma_wait3A_428 : memref<1x!tpu.dma_semaphore, #tpu.memory_space<semaphore_mem>> -> memref<!tpu.dma_semaphore, #tpu.memory_space<semaphore_mem>>
        %dma_wait3A_430 = tpu.memref_slice %arg7[%mul3A_2] : memref<320000xf32, #tpu.memory_space<hbm>> -> memref<80xf32, #tpu.memory_space<hbm>>
        %dma_wait3A_431 = arith.constant 0 : i32
        %dma_wait3A_432 = tpu.memref_slice %arg12[%select_n3A_391, %dma_wait3A_431] : memref<2x80xf32, #tpu.memory_space<vmem>> -> memref<1x80xf32, #tpu.memory_space<vmem>>
        %dma_wait3A_433 = tpu.memref_squeeze %dma_wait3A_432 : memref<1x80xf32, #tpu.memory_space<vmem>> -> memref<80xf32, #tpu.memory_space<vmem>>
        tpu.wait_dma2 semaphore(%dma_wait3A_429 : memref<!tpu.dma_semaphore, #tpu.memory_space<semaphore_mem>>) src(%dma_wait3A_433 : memref<80xf32, #tpu.memory_space<vmem>>) dst(%dma_wait3A_430 : memref<80xf32, #tpu.memory_space<hbm>>)
      } else {
      }
      %scan3A_397 = arith.constant 1 : i32
      %scan3A_398 = arith.constant 1 : i32
      %scan3A_399 = arith.constant 0 : i32
      %scan3A_400 = arith.constant 5 : i32
      %scan3A_401 = arith.addi %scan3A_399, %scan3A_400 : i32
      %scan3A_402 = arith.constant 1 : i32
      scf.for %scan3A_424 = %scan3A_399 to %scan3A_401 step %scan3A_402  : i32 {
        %mul3A_425 = arith.constant 16 : i32
        %mul3A_426 = arith.muli %scan3A_424, %mul3A_425 : i32
        %get3A = arith.constant 1 : i32
        %get3A_427 = arith.index_cast %get3A : i32 to index
        %get3A_428 = arith.index_cast %mul3A_426 : i32 to index
        %get3A_429 = tpu.vector_load %arg11[%get3A_427, %get3A_428] {strides = array<i32>} : memref<2x80xi32, #tpu.memory_space<vmem>>, vector<16xi32>,
        %broadcast_in_dim3A = arith.constant 0.000000e+00 : f32
        %broadcast_in_dim3A_430 = vector.broadcast %broadcast_in_dim3A : f32 to vector<16xf32>
        %scan3A_431 = arith.constant 0 : i32
        %scan3A_432 = arith.constant 16 : i32
        %scan3A_433 = arith.addi %scan3A_431, %scan3A_432 : i32
        %scan3A_434 = arith.constant 1 : i32
        %scan3A_435 = scf.for %scan3A_448 = %scan3A_431 to %scan3A_433 step %scan3A_434 iter_args(%scan3A_449 = %broadcast_in_dim3A_430) -> (vector<16xf32>)  : i32 {
          %mul3A_450 = arith.constant 16 : i32
          %mul3A_451 = arith.muli %scan3A_424, %mul3A_450 : i32
          %add3A_452 = arith.addi %mul3A_451, %scan3A_448 : i32
          %broadcast_in_dim3A_453 = vector.broadcast %scan3A_448 : i32 to vector<16xi32>
          %broadcast_in_dim3A_454 = vector.shape_cast %broadcast_in_dim3A_453 : vector<16xi32> to vector<16x1xi32>
          %gather3A = vector.shape_cast %broadcast_in_dim3A_454 : vector<16x1xi32> to vector<16xi32>
          %gather3A_455 = tpu.dynamic_gather %get3A_429[%gather3A] in [0] : vector<16xi32>, vector<16xi32> -> vector<16xi32>
          %get3A_456 = arith.constant 0 : i32
          %get3A_457 = arith.constant 0 : i32
          %get3A_458 = tpu.memref_slice %arg13[%scan3A_397, %get3A_456, %get3A_457] : memref<2x80x128xf32, #tpu.memory_space<vmem>> -> memref<1x80x128xf32, #tpu.memory_space<vmem>>
          %get3A_459 = tpu.memref_squeeze %get3A_458 : memref<1x80x128xf32, #tpu.memory_space<vmem>> -> memref<80x128xf32, #tpu.memory_space<vmem>>
          %get3A_460 = arith.index_cast %add3A_452 : i32 to index
          %get3A_461 = arith.constant 0 : index
          %get3A_462 = tpu.vector_load %get3A_459[%get3A_460, %get3A_461] {strides = array<i32>} : memref<80x128xf32, #tpu.memory_space<vmem>>, vector<16xf32>,
          %get3A_463 = arith.constant 0 : i32
          %get3A_464 = arith.constant 0 : i32
          %get3A_465 = tpu.memref_slice %arg14[%scan3A_398, %get3A_463, %get3A_464] : memref<2x80x128xf32, #tpu.memory_space<vmem>> -> memref<1x80x128xf32, #tpu.memory_space<vmem>>
          %get3A_466 = tpu.memref_squeeze %get3A_465 : memref<1x80x128xf32, #tpu.memory_space<vmem>> -> memref<80x128xf32, #tpu.memory_space<vmem>>
          %get3A_467 = arith.index_cast %add3A_452 : i32 to index
          %get3A_468 = arith.constant 0 : index
          %get3A_469 = tpu.vector_load %get3A_466[%get3A_467, %get3A_468] {strides = array<i32>} : memref<80x128xf32, #tpu.memory_space<vmem>>, vector<16xf32>,
          %add3A_470 = arith.constant 0 : i32
          %add3A_471 = vector.broadcast %add3A_470 : i32 to vector<16xi32>
          %add3A_472 = arith.addi %iota3A, %add3A_471 : vector<16xi32>
          %gather3A_473 = tpu.vector_load_idx %arg15[%gather3A_455, %add3A_472] : memref<10x128xf32, #tpu.memory_space<vmem>>[vector<16xi32>, vector<16xi32>], vector<16xf32>,
          %mul3A_474 = arith.mulf %get3A_462, %get3A_469 : vector<16xf32>
          %mul3A_475 = arith.mulf %mul3A_474, %gather3A_473 : vector<16xf32>
          %get3A_476 = arith.constant 0 : i32
          %get3A_477 = arith.constant 0 : i32
          %get3A_478 = tpu.memref_slice %arg13[%scan3A_397, %get3A_476, %get3A_477] : memref<2x80x128xf32, #tpu.memory_space<vmem>> -> memref<1x80x128xf32, #tpu.memory_space<vmem>>
          %get3A_479 = tpu.memref_squeeze %get3A_478 : memref<1x80x128xf32, #tpu.memory_space<vmem>> -> memref<80x128xf32, #tpu.memory_space<vmem>>
          %get3A_480 = arith.index_cast %add3A_452 : i32 to index
          %get3A_481 = arith.constant 16 : index
          %get3A_482 = tpu.vector_load %get3A_479[%get3A_480, %get3A_481] {strides = array<i32>} : memref<80x128xf32, #tpu.memory_space<vmem>>, vector<16xf32>,
          %get3A_483 = arith.constant 0 : i32
          %get3A_484 = arith.constant 0 : i32
          %get3A_485 = tpu.memref_slice %arg14[%scan3A_398, %get3A_483, %get3A_484] : memref<2x80x128xf32, #tpu.memory_space<vmem>> -> memref<1x80x128xf32, #tpu.memory_space<vmem>>
          %get3A_486 = tpu.memref_squeeze %get3A_485 : memref<1x80x128xf32, #tpu.memory_space<vmem>> -> memref<80x128xf32, #tpu.memory_space<vmem>>
          %get3A_487 = arith.index_cast %add3A_452 : i32 to index
          %get3A_488 = arith.constant 16 : index
          %get3A_489 = tpu.vector_load %get3A_486[%get3A_487, %get3A_488] {strides = array<i32>} : memref<80x128xf32, #tpu.memory_space<vmem>>, vector<16xf32>,
          %add3A_490 = arith.constant 16 : i32
          %add3A_491 = vector.broadcast %add3A_490 : i32 to vector<16xi32>
          %add3A_492 = arith.addi %iota3A, %add3A_491 : vector<16xi32>
          %gather3A_493 = tpu.vector_load_idx %arg15[%gather3A_455, %add3A_492] : memref<10x128xf32, #tpu.memory_space<vmem>>[vector<16xi32>, vector<16xi32>], vector<16xf32>,
          %mul3A_494 = arith.mulf %get3A_482, %get3A_489 : vector<16xf32>
          %mul3A_495 = arith.mulf %mul3A_494, %gather3A_493 : vector<16xf32>
          %add3A_496 = arith.addf %mul3A_475, %mul3A_495 : vector<16xf32>
          %get3A_497 = arith.constant 0 : i32
          %get3A_498 = arith.constant 0 : i32
          %get3A_499 = tpu.memref_slice %arg13[%scan3A_397, %get3A_497, %get3A_498] : memref<2x80x128xf32, #tpu.memory_space<vmem>> -> memref<1x80x128xf32, #tpu.memory_space<vmem>>
          %get3A_500 = tpu.memref_squeeze %get3A_499 : memref<1x80x128xf32, #tpu.memory_space<vmem>> -> memref<80x128xf32, #tpu.memory_space<vmem>>
          %get3A_501 = arith.index_cast %add3A_452 : i32 to index
          %get3A_502 = arith.constant 32 : index
          %get3A_503 = tpu.vector_load %get3A_500[%get3A_501, %get3A_502] {strides = array<i32>} : memref<80x128xf32, #tpu.memory_space<vmem>>, vector<16xf32>,
          %get3A_504 = arith.constant 0 : i32
          %get3A_505 = arith.constant 0 : i32
          %get3A_506 = tpu.memref_slice %arg14[%scan3A_398, %get3A_504, %get3A_505] : memref<2x80x128xf32, #tpu.memory_space<vmem>> -> memref<1x80x128xf32, #tpu.memory_space<vmem>>
          %get3A_507 = tpu.memref_squeeze %get3A_506 : memref<1x80x128xf32, #tpu.memory_space<vmem>> -> memref<80x128xf32, #tpu.memory_space<vmem>>
          %get3A_508 = arith.index_cast %add3A_452 : i32 to index
          %get3A_509 = arith.constant 32 : index
          %get3A_510 = tpu.vector_load %get3A_507[%get3A_508, %get3A_509] {strides = array<i32>} : memref<80x128xf32, #tpu.memory_space<vmem>>, vector<16xf32>,
          %add3A_511 = arith.constant 32 : i32
          %add3A_512 = vector.broadcast %add3A_511 : i32 to vector<16xi32>
          %add3A_513 = arith.addi %iota3A, %add3A_512 : vector<16xi32>
          %gather3A_514 = tpu.vector_load_idx %arg15[%gather3A_455, %add3A_513] : memref<10x128xf32, #tpu.memory_space<vmem>>[vector<16xi32>, vector<16xi32>], vector<16xf32>,
          %mul3A_515 = arith.mulf %get3A_503, %get3A_510 : vector<16xf32>
          %mul3A_516 = arith.mulf %mul3A_515, %gather3A_514 : vector<16xf32>
          %add3A_517 = arith.addf %add3A_496, %mul3A_516 : vector<16xf32>
          %get3A_518 = arith.constant 0 : i32
          %get3A_519 = arith.constant 0 : i32
          %get3A_520 = tpu.memref_slice %arg13[%scan3A_397, %get3A_518, %get3A_519] : memref<2x80x128xf32, #tpu.memory_space<vmem>> -> memref<1x80x128xf32, #tpu.memory_space<vmem>>
          %get3A_521 = tpu.memref_squeeze %get3A_520 : memref<1x80x128xf32, #tpu.memory_space<vmem>> -> memref<80x128xf32, #tpu.memory_space<vmem>>
          %get3A_522 = arith.index_cast %add3A_452 : i32 to index
          %get3A_523 = arith.constant 48 : index
          %get3A_524 = tpu.vector_load %get3A_521[%get3A_522, %get3A_523] {strides = array<i32>} : memref<80x128xf32, #tpu.memory_space<vmem>>, vector<16xf32>,
          %get3A_525 = arith.constant 0 : i32
          %get3A_526 = arith.constant 0 : i32
          %get3A_527 = tpu.memref_slice %arg14[%scan3A_398, %get3A_525, %get3A_526] : memref<2x80x128xf32, #tpu.memory_space<vmem>> -> memref<1x80x128xf32, #tpu.memory_space<vmem>>
          %get3A_528 = tpu.memref_squeeze %get3A_527 : memref<1x80x128xf32, #tpu.memory_space<vmem>> -> memref<80x128xf32, #tpu.memory_space<vmem>>
          %get3A_529 = arith.index_cast %add3A_452 : i32 to index
          %get3A_530 = arith.constant 48 : index
          %get3A_531 = tpu.vector_load %get3A_528[%get3A_529, %get3A_530] {strides = array<i32>} : memref<80x128xf32, #tpu.memory_space<vmem>>, vector<16xf32>,
          %add3A_532 = arith.constant 48 : i32
          %add3A_533 = vector.broadcast %add3A_532 : i32 to vector<16xi32>
          %add3A_534 = arith.addi %iota3A, %add3A_533 : vector<16xi32>
          %gather3A_535 = tpu.vector_load_idx %arg15[%gather3A_455, %add3A_534] : memref<10x128xf32, #tpu.memory_space<vmem>>[vector<16xi32>, vector<16xi32>], vector<16xf32>,
          %mul3A_536 = arith.mulf %get3A_524, %get3A_531 : vector<16xf32>
          %mul3A_537 = arith.mulf %mul3A_536, %gather3A_535 : vector<16xf32>
          %add3A_538 = arith.addf %add3A_517, %mul3A_537 : vector<16xf32>
          %get3A_539 = arith.constant 0 : i32
          %get3A_540 = arith.constant 0 : i32
          %get3A_541 = tpu.memref_slice %arg13[%scan3A_397, %get3A_539, %get3A_540] : memref<2x80x128xf32, #tpu.memory_space<vmem>> -> memref<1x80x128xf32, #tpu.memory_space<vmem>>
          %get3A_542 = tpu.memref_squeeze %get3A_541 : memref<1x80x128xf32, #tpu.memory_space<vmem>> -> memref<80x128xf32, #tpu.memory_space<vmem>>
          %get3A_543 = arith.index_cast %add3A_452 : i32 to index
          %get3A_544 = arith.constant 64 : index
          %get3A_545 = tpu.vector_load %get3A_542[%get3A_543, %get3A_544] {strides = array<i32>} : memref<80x128xf32, #tpu.memory_space<vmem>>, vector<16xf32>,
          %get3A_546 = arith.constant 0 : i32
          %get3A_547 = arith.constant 0 : i32
          %get3A_548 = tpu.memref_slice %arg14[%scan3A_398, %get3A_546, %get3A_547] : memref<2x80x128xf32, #tpu.memory_space<vmem>> -> memref<1x80x128xf32, #tpu.memory_space<vmem>>
          %get3A_549 = tpu.memref_squeeze %get3A_548 : memref<1x80x128xf32, #tpu.memory_space<vmem>> -> memref<80x128xf32, #tpu.memory_space<vmem>>
          %get3A_550 = arith.index_cast %add3A_452 : i32 to index
          %get3A_551 = arith.constant 64 : index
          %get3A_552 = tpu.vector_load %get3A_549[%get3A_550, %get3A_551] {strides = array<i32>} : memref<80x128xf32, #tpu.memory_space<vmem>>, vector<16xf32>,
          %add3A_553 = arith.constant 64 : i32
          %add3A_554 = vector.broadcast %add3A_553 : i32 to vector<16xi32>
          %add3A_555 = arith.addi %iota3A, %add3A_554 : vector<16xi32>
          %gather3A_556 = tpu.vector_load_idx %arg15[%gather3A_455, %add3A_555] : memref<10x128xf32, #tpu.memory_space<vmem>>[vector<16xi32>, vector<16xi32>], vector<16xf32>,
          %mul3A_557 = arith.mulf %get3A_545, %get3A_552 : vector<16xf32>
          %mul3A_558 = arith.mulf %mul3A_557, %gather3A_556 : vector<16xf32>
          %add3A_559 = arith.addf %add3A_538, %mul3A_558 : vector<16xf32>
          %get3A_560 = arith.constant 0 : i32
          %get3A_561 = arith.constant 0 : i32
          %get3A_562 = tpu.memref_slice %arg13[%scan3A_397, %get3A_560, %get3A_561] : memref<2x80x128xf32, #tpu.memory_space<vmem>> -> memref<1x80x128xf32, #tpu.memory_space<vmem>>
          %get3A_563 = tpu.memref_squeeze %get3A_562 : memref<1x80x128xf32, #tpu.memory_space<vmem>> -> memref<80x128xf32, #tpu.memory_space<vmem>>
          %get3A_564 = arith.index_cast %add3A_452 : i32 to index
          %get3A_565 = arith.constant 80 : index
          %get3A_566 = tpu.vector_load %get3A_563[%get3A_564, %get3A_565] {strides = array<i32>} : memref<80x128xf32, #tpu.memory_space<vmem>>, vector<16xf32>,
          %get3A_567 = arith.constant 0 : i32
          %get3A_568 = arith.constant 0 : i32
          %get3A_569 = tpu.memref_slice %arg14[%scan3A_398, %get3A_567, %get3A_568] : memref<2x80x128xf32, #tpu.memory_space<vmem>> -> memref<1x80x128xf32, #tpu.memory_space<vmem>>
          %get3A_570 = tpu.memref_squeeze %get3A_569 : memref<1x80x128xf32, #tpu.memory_space<vmem>> -> memref<80x128xf32, #tpu.memory_space<vmem>>
          %get3A_571 = arith.index_cast %add3A_452 : i32 to index
          %get3A_572 = arith.constant 80 : index
          %get3A_573 = tpu.vector_load %get3A_570[%get3A_571, %get3A_572] {strides = array<i32>} : memref<80x128xf32, #tpu.memory_space<vmem>>, vector<16xf32>,
          %add3A_574 = arith.constant 80 : i32
          %add3A_575 = vector.broadcast %add3A_574 : i32 to vector<16xi32>
          %add3A_576 = arith.addi %iota3A, %add3A_575 : vector<16xi32>
          %gather3A_577 = tpu.vector_load_idx %arg15[%gather3A_455, %add3A_576] : memref<10x128xf32, #tpu.memory_space<vmem>>[vector<16xi32>, vector<16xi32>], vector<16xf32>,
          %mul3A_578 = arith.mulf %get3A_566, %get3A_573 : vector<16xf32>
          %mul3A_579 = arith.mulf %mul3A_578, %gather3A_577 : vector<16xf32>
          %add3A_580 = arith.addf %add3A_559, %mul3A_579 : vector<16xf32>
          %get3A_581 = arith.constant 0 : i32
          %get3A_582 = arith.constant 0 : i32
          %get3A_583 = tpu.memref_slice %arg13[%scan3A_397, %get3A_581, %get3A_582] : memref<2x80x128xf32, #tpu.memory_space<vmem>> -> memref<1x80x128xf32, #tpu.memory_space<vmem>>
          %get3A_584 = tpu.memref_squeeze %get3A_583 : memref<1x80x128xf32, #tpu.memory_space<vmem>> -> memref<80x128xf32, #tpu.memory_space<vmem>>
          %get3A_585 = arith.index_cast %add3A_452 : i32 to index
          %get3A_586 = arith.constant 96 : index
          %get3A_587 = tpu.vector_load %get3A_584[%get3A_585, %get3A_586] {strides = array<i32>} : memref<80x128xf32, #tpu.memory_space<vmem>>, vector<16xf32>,
          %get3A_588 = arith.constant 0 : i32
          %get3A_589 = arith.constant 0 : i32
          %get3A_590 = tpu.memref_slice %arg14[%scan3A_398, %get3A_588, %get3A_589] : memref<2x80x128xf32, #tpu.memory_space<vmem>> -> memref<1x80x128xf32, #tpu.memory_space<vmem>>
          %get3A_591 = tpu.memref_squeeze %get3A_590 : memref<1x80x128xf32, #tpu.memory_space<vmem>> -> memref<80x128xf32, #tpu.memory_space<vmem>>
          %get3A_592 = arith.index_cast %add3A_452 : i32 to index
          %get3A_593 = arith.constant 96 : index
          %get3A_594 = tpu.vector_load %get3A_591[%get3A_592, %get3A_593] {strides = array<i32>} : memref<80x128xf32, #tpu.memory_space<vmem>>, vector<16xf32>,
          %add3A_595 = arith.constant 96 : i32
          %add3A_596 = vector.broadcast %add3A_595 : i32 to vector<16xi32>
          %add3A_597 = arith.addi %iota3A, %add3A_596 : vector<16xi32>
          %gather3A_598 = tpu.vector_load_idx %arg15[%gather3A_455, %add3A_597] : memref<10x128xf32, #tpu.memory_space<vmem>>[vector<16xi32>, vector<16xi32>], vector<16xf32>,
          %mul3A_599 = arith.mulf %get3A_587, %get3A_594 : vector<16xf32>
          %mul3A_600 = arith.mulf %mul3A_599, %gather3A_598 : vector<16xf32>
          %add3A_601 = arith.addf %add3A_580, %mul3A_600 : vector<16xf32>
          %get3A_602 = arith.constant 0 : i32
          %get3A_603 = arith.constant 0 : i32
          %get3A_604 = tpu.memref_slice %arg13[%scan3A_397, %get3A_602, %get3A_603] : memref<2x80x128xf32, #tpu.memory_space<vmem>> -> memref<1x80x128xf32, #tpu.memory_space<vmem>>
          %get3A_605 = tpu.memref_squeeze %get3A_604 : memref<1x80x128xf32, #tpu.memory_space<vmem>> -> memref<80x128xf32, #tpu.memory_space<vmem>>
          %get3A_606 = arith.index_cast %add3A_452 : i32 to index
          %get3A_607 = arith.constant 112 : index
          %get3A_608 = tpu.vector_load %get3A_605[%get3A_606, %get3A_607] {strides = array<i32>} : memref<80x128xf32, #tpu.memory_space<vmem>>, vector<16xf32>,
          %get3A_609 = arith.constant 0 : i32
          %get3A_610 = arith.constant 0 : i32
          %get3A_611 = tpu.memref_slice %arg14[%scan3A_398, %get3A_609, %get3A_610] : memref<2x80x128xf32, #tpu.memory_space<vmem>> -> memref<1x80x128xf32, #tpu.memory_space<vmem>>
          %get3A_612 = tpu.memref_squeeze %get3A_611 : memref<1x80x128xf32, #tpu.memory_space<vmem>> -> memref<80x128xf32, #tpu.memory_space<vmem>>
          %get3A_613 = arith.index_cast %add3A_452 : i32 to index
          %get3A_614 = arith.constant 112 : index
          %get3A_615 = tpu.vector_load %get3A_612[%get3A_613, %get3A_614] {strides = array<i32>} : memref<80x128xf32, #tpu.memory_space<vmem>>, vector<16xf32>,
          %add3A_616 = arith.constant 112 : i32
          %add3A_617 = vector.broadcast %add3A_616 : i32 to vector<16xi32>
          %add3A_618 = arith.addi %iota3A, %add3A_617 : vector<16xi32>
          %gather3A_619 = tpu.vector_load_idx %arg15[%gather3A_455, %add3A_618] : memref<10x128xf32, #tpu.memory_space<vmem>>[vector<16xi32>, vector<16xi32>], vector<16xf32>,
          %mul3A_620 = arith.mulf %get3A_608, %get3A_615 : vector<16xf32>
          %mul3A_621 = arith.mulf %mul3A_620, %gather3A_619 : vector<16xf32>
          %add3A_622 = arith.addf %add3A_601, %mul3A_621 : vector<16xf32>
          %broadcast_in_dim3A_623 = vector.shape_cast %xor3A_10 : vector<16xi32> to vector<16x1xi32>
          %gather3A_624 = vector.shape_cast %broadcast_in_dim3A_623 : vector<16x1xi32> to vector<16xi32>
          %gather3A_625 = tpu.dynamic_gather %add3A_622[%gather3A_624] in [0] : vector<16xf32>, vector<16xi32> -> vector<16xf32>
          %add3A_626 = arith.addf %add3A_622, %gather3A_625 : vector<16xf32>
          %broadcast_in_dim3A_627 = vector.shape_cast %xor3A_13 : vector<16xi32> to vector<16x1xi32>
          %gather3A_628 = vector.shape_cast %broadcast_in_dim3A_627 : vector<16x1xi32> to vector<16xi32>
          %gather3A_629 = tpu.dynamic_gather %add3A_626[%gather3A_628] in [0] : vector<16xf32>, vector<16xi32> -> vector<16xf32>
          %add3A_630 = arith.addf %add3A_626, %gather3A_629 : vector<16xf32>
          %broadcast_in_dim3A_631 = vector.shape_cast %xor3A_16 : vector<16xi32> to vector<16x1xi32>
          %gather3A_632 = vector.shape_cast %broadcast_in_dim3A_631 : vector<16x1xi32> to vector<16xi32>
          %gather3A_633 = tpu.dynamic_gather %add3A_630[%gather3A_632] in [0] : vector<16xf32>, vector<16xi32> -> vector<16xf32>
          %add3A_634 = arith.addf %add3A_630, %gather3A_633 : vector<16xf32>
          %broadcast_in_dim3A_635 = vector.shape_cast %xor3A_19 : vector<16xi32> to vector<16x1xi32>
          %gather3A_636 = vector.shape_cast %broadcast_in_dim3A_635 : vector<16x1xi32> to vector<16xi32>
          %gather3A_637 = tpu.dynamic_gather %add3A_634[%gather3A_636] in [0] : vector<16xf32>, vector<16xi32> -> vector<16xf32>
          %add3A_638 = arith.addf %add3A_634, %gather3A_637 : vector<16xf32>
          %eq3A_639 = vector.broadcast %scan3A_448 : i32 to vector<16xi32>
          %eq3A_640 = arith.cmpi eq, %iota3A, %eq3A_639 : vector<16xi32>
          %select_n3A_641 = arith.select %eq3A_640, %add3A_638, %scan3A_449 : vector<16xi1>, vector<16xf32>
          scf.yield %select_n3A_641 : vector<16xf32>
        }
        %scan3A_436 = arith.constant 16 : i32
        %neg3A = arith.constant 0.000000e+00 : f32
        %neg3A_437 = vector.broadcast %neg3A : f32 to vector<16xf32>
        %neg3A_438 = arith.subf %neg3A_437, %scan3A_435 : vector<16xf32>
        %exp3A = math.exp %neg3A_438 : vector<16xf32>
        %add3A_439 = arith.constant 1.000000e+00 : f32
        %add3A_440 = vector.broadcast %add3A_439 : f32 to vector<16xf32>
        %add3A_441 = arith.addf %add3A_440, %exp3A : vector<16xf32>
        %div3A = arith.constant 1.000000e+00 : f32
        %div3A_442 = vector.broadcast %div3A : f32 to vector<16xf32>
        %div3A_443 = arith.divf %div3A_442, %add3A_441 : vector<16xf32>
        %mul3A_444 = arith.constant 16 : i32
        %mul3A_445 = arith.muli %scan3A_424, %mul3A_444 : i32
        %swap3A = arith.index_cast %select_n3A_391 : i32 to index
        %swap3A_446 = arith.index_cast %mul3A_445 : i32 to index
        %swap3A_447 = tpu.vector_load %arg12[%swap3A, %swap3A_446] {strides = array<i32>} : memref<2x80xf32, #tpu.memory_space<vmem>>, vector<16xf32>,
        tpu.vector_store %arg12[%swap3A, %swap3A_446], %div3A_443 {strides = array<i32>} : memref<2x80xf32, #tpu.memory_space<vmem>>, vector<16xf32>,
      }
      %scan3A_403 = arith.constant 5 : i32
      %mul3A_404 = arith.constant 80 : i32
      %mul3A_405 = arith.muli %add3A_338, %mul3A_404 : i32
      %add3A_406 = arith.addi %mul3A_2, %mul3A_405 : i32
      %dma_start3A_407 = arith.constant 0 : i32
      %dma_start3A_408 = tpu.memref_slice %arg12[%select_n3A_391, %dma_start3A_407] : memref<2x80xf32, #tpu.memory_space<vmem>> -> memref<1x80xf32, #tpu.memory_space<vmem>>
      %dma_start3A_409 = tpu.memref_squeeze %dma_start3A_408 : memref<1x80xf32, #tpu.memory_space<vmem>> -> memref<80xf32, #tpu.memory_space<vmem>>
      %dma_start3A_410 = tpu.memref_slice %arg7[%add3A_406] : memref<320000xf32, #tpu.memory_space<hbm>> -> memref<80xf32, #tpu.memory_space<hbm>>
      %dma_start3A_411 = tpu.memref_slice %arg19[%select_n3A_391] : memref<2x!tpu.dma_semaphore, #tpu.memory_space<semaphore_mem>> -> memref<1x!tpu.dma_semaphore, #tpu.memory_space<semaphore_mem>>
      %dma_start3A_412 = tpu.memref_squeeze %dma_start3A_411 : memref<1x!tpu.dma_semaphore, #tpu.memory_space<semaphore_mem>> -> memref<!tpu.dma_semaphore, #tpu.memory_space<semaphore_mem>>
      %dma_start3A_413 = tpu.memref_slice %arg7[%add3A_406] : memref<320000xf32, #tpu.memory_space<hbm>> -> memref<80xf32, #tpu.memory_space<hbm>>
      %dma_start3A_414 = arith.constant 0 : i32
      %dma_start3A_415 = tpu.memref_slice %arg12[%select_n3A_391, %dma_start3A_414] : memref<2x80xf32, #tpu.memory_space<vmem>> -> memref<1x80xf32, #tpu.memory_space<vmem>>
      %dma_start3A_416 = tpu.memref_squeeze %dma_start3A_415 : memref<1x80xf32, #tpu.memory_space<vmem>> -> memref<80xf32, #tpu.memory_space<vmem>>
      tpu.enqueue_dma source(%dma_start3A_416 : memref<80xf32, #tpu.memory_space<vmem>>) target(%dma_start3A_413 : memref<80xf32, #tpu.memory_space<hbm>>) target_semaphore(%dma_start3A_412 : memref<!tpu.dma_semaphore, #tpu.memory_space<semaphore_mem>>)
      %add3A_417 = arith.constant 2 : i32
      %add3A_418 = arith.addi %add3A_338, %add3A_417 : i32
      %lt3A_419 = arith.constant 125 : i32
      %lt3A_420 = arith.cmpi slt, %add3A_418, %lt3A_419 : i32
      %convert_element_type3A_421 = arith.extui %lt3A_420 : i1 to i32
      %cond3A_422 = arith.constant 0 : i32
      %cond3A_423 = arith.cmpi ne, %convert_element_type3A_421, %cond3A_422 : i32
      scf.if %cond3A_423 {
        %add3A_424 = arith.constant 2 : i32
        %add3A_425 = arith.addi %add3A_338, %add3A_424 : i32
        %mul3A_426 = arith.constant 80 : i32
        %mul3A_427 = arith.muli %add3A_425, %mul3A_426 : i32
        %add3A_428 = arith.addi %mul3A_2, %mul3A_427 : i32
        %dma_start3A_429 = arith.constant 1 : i32
        %dma_start3A_430 = arith.constant 1 : i32
        %dma_start3A_431 = arith.constant 0 : i32
        %dma_start3A_432 = tpu.memref_slice %arg9[%dma_start3A_429, %dma_start3A_431] : memref<2x80xi32, #tpu.memory_space<vmem>> -> memref<1x80xi32, #tpu.memory_space<vmem>>
        %dma_start3A_433 = tpu.memref_squeeze %dma_start3A_432 : memref<1x80xi32, #tpu.memory_space<vmem>> -> memref<80xi32, #tpu.memory_space<vmem>>
        %dma_start3A_434 = tpu.memref_slice %arg3[%add3A_428] : memref<320000xi32, #tpu.memory_space<hbm>> -> memref<80xi32, #tpu.memory_space<hbm>>
        %dma_start3A_435 = tpu.memref_slice %arg18[%dma_start3A_430] : memref<2x!tpu.dma_semaphore, #tpu.memory_space<semaphore_mem>> -> memref<1x!tpu.dma_semaphore, #tpu.memory_space<semaphore_mem>>
        %dma_start3A_436 = tpu.memref_squeeze %dma_start3A_435 : memref<1x!tpu.dma_semaphore, #tpu.memory_space<semaphore_mem>> -> memref<!tpu.dma_semaphore, #tpu.memory_space<semaphore_mem>>
        %dma_start3A_437 = arith.constant 0 : i32
        %dma_start3A_438 = tpu.memref_slice %arg9[%dma_start3A_429, %dma_start3A_437] : memref<2x80xi32, #tpu.memory_space<vmem>> -> memref<1x80xi32, #tpu.memory_space<vmem>>
        %dma_start3A_439 = tpu.memref_squeeze %dma_start3A_438 : memref<1x80xi32, #tpu.memory_space<vmem>> -> memref<80xi32, #tpu.memory_space<vmem>>
        %dma_start3A_440 = tpu.memref_slice %arg3[%add3A_428] : memref<320000xi32, #tpu.memory_space<hbm>> -> memref<80xi32, #tpu.memory_space<hbm>>
        tpu.enqueue_dma source(%dma_start3A_440 : memref<80xi32, #tpu.memory_space<hbm>>) target(%dma_start3A_439 : memref<80xi32, #tpu.memory_space<vmem>>) target_semaphore(%dma_start3A_436 : memref<!tpu.dma_semaphore, #tpu.memory_space<semaphore_mem>>)
        %dma_start3A_441 = arith.constant 1 : i32
        %dma_start3A_442 = arith.constant 1 : i32
        %dma_start3A_443 = arith.constant 0 : i32
        %dma_start3A_444 = tpu.memref_slice %arg10[%dma_start3A_441, %dma_start3A_443] : memref<2x80xi32, #tpu.memory_space<vmem>> -> memref<1x80xi32, #tpu.memory_space<vmem>>
        %dma_start3A_445 = tpu.memref_squeeze %dma_start3A_444 : memref<1x80xi32, #tpu.memory_space<vmem>> -> memref<80xi32, #tpu.memory_space<vmem>>
        %dma_start3A_446 = tpu.memref_slice %arg4[%add3A_428] : memref<320000xi32, #tpu.memory_space<hbm>> -> memref<80xi32, #tpu.memory_space<hbm>>
        %dma_start3A_447 = tpu.memref_slice %arg18[%dma_start3A_442] : memref<2x!tpu.dma_semaphore, #tpu.memory_space<semaphore_mem>> -> memref<1x!tpu.dma_semaphore, #tpu.memory_space<semaphore_mem>>
        %dma_start3A_448 = tpu.memref_squeeze %dma_start3A_447 : memref<1x!tpu.dma_semaphore, #tpu.memory_space<semaphore_mem>> -> memref<!tpu.dma_semaphore, #tpu.memory_space<semaphore_mem>>
        %dma_start3A_449 = arith.constant 0 : i32
        %dma_start3A_450 = tpu.memref_slice %arg10[%dma_start3A_441, %dma_start3A_449] : memref<2x80xi32, #tpu.memory_space<vmem>> -> memref<1x80xi32, #tpu.memory_space<vmem>>
        %dma_start3A_451 = tpu.memref_squeeze %dma_start3A_450 : memref<1x80xi32, #tpu.memory_space<vmem>> -> memref<80xi32, #tpu.memory_space<vmem>>
        %dma_start3A_452 = tpu.memref_slice %arg4[%add3A_428] : memref<320000xi32, #tpu.memory_space<hbm>> -> memref<80xi32, #tpu.memory_space<hbm>>
        tpu.enqueue_dma source(%dma_start3A_452 : memref<80xi32, #tpu.memory_space<hbm>>) target(%dma_start3A_451 : memref<80xi32, #tpu.memory_space<vmem>>) target_semaphore(%dma_start3A_448 : memref<!tpu.dma_semaphore, #tpu.memory_space<semaphore_mem>>)
        %dma_start3A_453 = arith.constant 1 : i32
        %dma_start3A_454 = arith.constant 1 : i32
        %dma_start3A_455 = arith.constant 0 : i32
        %dma_start3A_456 = tpu.memref_slice %arg11[%dma_start3A_453, %dma_start3A_455] : memref<2x80xi32, #tpu.memory_space<vmem>> -> memref<1x80xi32, #tpu.memory_space<vmem>>
        %dma_start3A_457 = tpu.memref_squeeze %dma_start3A_456 : memref<1x80xi32, #tpu.memory_space<vmem>> -> memref<80xi32, #tpu.memory_space<vmem>>
        %dma_start3A_458 = tpu.memref_slice %arg5[%add3A_428] : memref<320000xi32, #tpu.memory_space<hbm>> -> memref<80xi32, #tpu.memory_space<hbm>>
        %dma_start3A_459 = tpu.memref_slice %arg18[%dma_start3A_454] : memref<2x!tpu.dma_semaphore, #tpu.memory_space<semaphore_mem>> -> memref<1x!tpu.dma_semaphore, #tpu.memory_space<semaphore_mem>>
        %dma_start3A_460 = tpu.memref_squeeze %dma_start3A_459 : memref<1x!tpu.dma_semaphore, #tpu.memory_space<semaphore_mem>> -> memref<!tpu.dma_semaphore, #tpu.memory_space<semaphore_mem>>
        %dma_start3A_461 = arith.constant 0 : i32
        %dma_start3A_462 = tpu.memref_slice %arg11[%dma_start3A_453, %dma_start3A_461] : memref<2x80xi32, #tpu.memory_space<vmem>> -> memref<1x80xi32, #tpu.memory_space<vmem>>
        %dma_start3A_463 = tpu.memref_squeeze %dma_start3A_462 : memref<1x80xi32, #tpu.memory_space<vmem>> -> memref<80xi32, #tpu.memory_space<vmem>>
        %dma_start3A_464 = tpu.memref_slice %arg5[%add3A_428] : memref<320000xi32, #tpu.memory_space<hbm>> -> memref<80xi32, #tpu.memory_space<hbm>>
        tpu.enqueue_dma source(%dma_start3A_464 : memref<80xi32, #tpu.memory_space<hbm>>) target(%dma_start3A_463 : memref<80xi32, #tpu.memory_space<vmem>>) target_semaphore(%dma_start3A_460 : memref<!tpu.dma_semaphore, #tpu.memory_space<semaphore_mem>>)
      } else {
      }
    }
    %scan3A_163 = arith.constant 62 : i32
    %dma_wait3A_164 = arith.constant 0 : i32
    %dma_wait3A_165 = arith.constant 0 : i32
    %dma_wait3A_166 = arith.constant 0 : i32
    %dma_wait3A_167 = arith.constant 0 : i32
    %dma_wait3A_168 = arith.constant 0 : i32
    %dma_wait3A_169 = tpu.memref_slice %arg13[%dma_wait3A_165, %dma_wait3A_167, %dma_wait3A_168] : memref<2x80x128xf32, #tpu.memory_space<vmem>> -> memref<1x80x128xf32, #tpu.memory_space<vmem>>
    %dma_wait3A_170 = tpu.memref_squeeze %dma_wait3A_169 : memref<1x80x128xf32, #tpu.memory_space<vmem>> -> memref<80x128xf32, #tpu.memory_space<vmem>>
    %dma_wait3A_171 = arith.constant 0 : i32
    %dma_wait3A_172 = tpu.memref_slice %arg9[%dma_wait3A_164, %dma_wait3A_171] : memref<2x80xi32, #tpu.memory_space<vmem>> -> memref<1x80xi32, #tpu.memory_space<vmem>>
    %dma_wait3A_173 = tpu.memref_squeeze %dma_wait3A_172 : memref<1x80xi32, #tpu.memory_space<vmem>> -> memref<80xi32, #tpu.memory_space<vmem>>
    %dma_wait3A_174 = arith.constant 0 : i32
    %dma_wait3A_175 = arith.constant 0 : i32
    %dma_wait3A_176 = tpu.memref_slice %arg8[%dma_wait3A_174, %dma_wait3A_175] : memref<10000x128xf32, #tpu.memory_space<vmem_shared>> -> memref<10000x128xf32, #tpu.memory_space<vmem_shared>>
    %dma_wait3A_177 = tpu.memref_slice %arg16[%dma_wait3A_166] : memref<2x!tpu.dma_semaphore, #tpu.memory_space<semaphore_mem>> -> memref<1x!tpu.dma_semaphore, #tpu.memory_space<semaphore_mem>>
    %dma_wait3A_178 = tpu.memref_squeeze %dma_wait3A_177 : memref<1x!tpu.dma_semaphore, #tpu.memory_space<semaphore_mem>> -> memref<!tpu.dma_semaphore, #tpu.memory_space<semaphore_mem>>
    tpu.wait_indirect_dma semaphore(%dma_wait3A_178 : memref<!tpu.dma_semaphore, #tpu.memory_space<semaphore_mem>>) src(%dma_wait3A_176 : memref<10000x128xf32, #tpu.memory_space<vmem_shared>>) dst(%dma_wait3A_170 : memref<80x128xf32, #tpu.memory_space<vmem>>)
    %dma_wait3A_179 = arith.constant 0 : i32
    %dma_wait3A_180 = arith.constant 0 : i32
    %dma_wait3A_181 = arith.constant 0 : i32
    %dma_wait3A_182 = arith.constant 0 : i32
    %dma_wait3A_183 = arith.constant 0 : i32
    %dma_wait3A_184 = tpu.memref_slice %arg14[%dma_wait3A_180, %dma_wait3A_182, %dma_wait3A_183] : memref<2x80x128xf32, #tpu.memory_space<vmem>> -> memref<1x80x128xf32, #tpu.memory_space<vmem>>
    %dma_wait3A_185 = tpu.memref_squeeze %dma_wait3A_184 : memref<1x80x128xf32, #tpu.memory_space<vmem>> -> memref<80x128xf32, #tpu.memory_space<vmem>>
    %dma_wait3A_186 = arith.constant 0 : i32
    %dma_wait3A_187 = tpu.memref_slice %arg10[%dma_wait3A_179, %dma_wait3A_186] : memref<2x80xi32, #tpu.memory_space<vmem>> -> memref<1x80xi32, #tpu.memory_space<vmem>>
    %dma_wait3A_188 = tpu.memref_squeeze %dma_wait3A_187 : memref<1x80xi32, #tpu.memory_space<vmem>> -> memref<80xi32, #tpu.memory_space<vmem>>
    %dma_wait3A_189 = arith.constant 0 : i32
    %dma_wait3A_190 = arith.constant 0 : i32
    %dma_wait3A_191 = tpu.memref_slice %arg8[%dma_wait3A_189, %dma_wait3A_190] : memref<10000x128xf32, #tpu.memory_space<vmem_shared>> -> memref<10000x128xf32, #tpu.memory_space<vmem_shared>>
    %dma_wait3A_192 = tpu.memref_slice %arg17[%dma_wait3A_181] : memref<2x!tpu.dma_semaphore, #tpu.memory_space<semaphore_mem>> -> memref<1x!tpu.dma_semaphore, #tpu.memory_space<semaphore_mem>>
    %dma_wait3A_193 = tpu.memref_squeeze %dma_wait3A_192 : memref<1x!tpu.dma_semaphore, #tpu.memory_space<semaphore_mem>> -> memref<!tpu.dma_semaphore, #tpu.memory_space<semaphore_mem>>
    tpu.wait_indirect_dma semaphore(%dma_wait3A_193 : memref<!tpu.dma_semaphore, #tpu.memory_space<semaphore_mem>>) src(%dma_wait3A_191 : memref<10000x128xf32, #tpu.memory_space<vmem_shared>>) dst(%dma_wait3A_185 : memref<80x128xf32, #tpu.memory_space<vmem>>)
    %dma_wait3A_194 = arith.constant 0 : i32
    %dma_wait3A_195 = arith.constant 0 : i32
    %dma_wait3A_196 = arith.constant 0 : i32
    %dma_wait3A_197 = tpu.memref_slice %arg12[%dma_wait3A_194, %dma_wait3A_196] : memref<2x80xf32, #tpu.memory_space<vmem>> -> memref<1x80xf32, #tpu.memory_space<vmem>>
    %dma_wait3A_198 = tpu.memref_squeeze %dma_wait3A_197 : memref<1x80xf32, #tpu.memory_space<vmem>> -> memref<80xf32, #tpu.memory_space<vmem>>
    %dma_wait3A_199 = tpu.memref_slice %arg7[%mul3A_2] : memref<320000xf32, #tpu.memory_space<hbm>> -> memref<80xf32, #tpu.memory_space<hbm>>
    %dma_wait3A_200 = tpu.memref_slice %arg19[%dma_wait3A_195] : memref<2x!tpu.dma_semaphore, #tpu.memory_space<semaphore_mem>> -> memref<1x!tpu.dma_semaphore, #tpu.memory_space<semaphore_mem>>
    %dma_wait3A_201 = tpu.memref_squeeze %dma_wait3A_200 : memref<1x!tpu.dma_semaphore, #tpu.memory_space<semaphore_mem>> -> memref<!tpu.dma_semaphore, #tpu.memory_space<semaphore_mem>>
    %dma_wait3A_202 = tpu.memref_slice %arg7[%mul3A_2] : memref<320000xf32, #tpu.memory_space<hbm>> -> memref<80xf32, #tpu.memory_space<hbm>>
    %dma_wait3A_203 = arith.constant 0 : i32
    %dma_wait3A_204 = tpu.memref_slice %arg12[%dma_wait3A_194, %dma_wait3A_203] : memref<2x80xf32, #tpu.memory_space<vmem>> -> memref<1x80xf32, #tpu.memory_space<vmem>>
    %dma_wait3A_205 = tpu.memref_squeeze %dma_wait3A_204 : memref<1x80xf32, #tpu.memory_space<vmem>> -> memref<80xf32, #tpu.memory_space<vmem>>
    tpu.wait_dma2 semaphore(%dma_wait3A_201 : memref<!tpu.dma_semaphore, #tpu.memory_space<semaphore_mem>>) src(%dma_wait3A_205 : memref<80xf32, #tpu.memory_space<vmem>>) dst(%dma_wait3A_202 : memref<80xf32, #tpu.memory_space<hbm>>)
    %scan3A_206 = arith.constant 0 : i32
    %scan3A_207 = arith.constant 0 : i32
    %scan3A_208 = arith.constant 0 : i32
    %scan3A_209 = arith.constant 5 : i32
    %scan3A_210 = arith.addi %scan3A_208, %scan3A_209 : i32
    %scan3A_211 = arith.constant 1 : i32
    scf.for %scan3A_251 = %scan3A_208 to %scan3A_210 step %scan3A_211  : i32 {
      %mul3A_252 = arith.constant 16 : i32
      %mul3A_253 = arith.muli %scan3A_251, %mul3A_252 : i32
      %get3A = arith.constant 0 : i32
      %get3A_254 = arith.index_cast %get3A : i32 to index
      %get3A_255 = arith.index_cast %mul3A_253 : i32 to index
      %get3A_256 = tpu.vector_load %arg11[%get3A_254, %get3A_255] {strides = array<i32>} : memref<2x80xi32, #tpu.memory_space<vmem>>, vector<16xi32>,
      %broadcast_in_dim3A = arith.constant 0.000000e+00 : f32
      %broadcast_in_dim3A_257 = vector.broadcast %broadcast_in_dim3A : f32 to vector<16xf32>
      %scan3A_258 = arith.constant 0 : i32
      %scan3A_259 = arith.constant 16 : i32
      %scan3A_260 = arith.addi %scan3A_258, %scan3A_259 : i32
      %scan3A_261 = arith.constant 1 : i32
      %scan3A_262 = scf.for %scan3A_276 = %scan3A_258 to %scan3A_260 step %scan3A_261 iter_args(%scan3A_277 = %broadcast_in_dim3A_257) -> (vector<16xf32>)  : i32 {
        %mul3A_278 = arith.constant 16 : i32
        %mul3A_279 = arith.muli %scan3A_251, %mul3A_278 : i32
        %add3A_280 = arith.addi %mul3A_279, %scan3A_276 : i32
        %broadcast_in_dim3A_281 = vector.broadcast %scan3A_276 : i32 to vector<16xi32>
        %broadcast_in_dim3A_282 = vector.shape_cast %broadcast_in_dim3A_281 : vector<16xi32> to vector<16x1xi32>
        %gather3A = vector.shape_cast %broadcast_in_dim3A_282 : vector<16x1xi32> to vector<16xi32>
        %gather3A_283 = tpu.dynamic_gather %get3A_256[%gather3A] in [0] : vector<16xi32>, vector<16xi32> -> vector<16xi32>
        %get3A_284 = arith.constant 0 : i32
        %get3A_285 = arith.constant 0 : i32
        %get3A_286 = tpu.memref_slice %arg13[%scan3A_206, %get3A_284, %get3A_285] : memref<2x80x128xf32, #tpu.memory_space<vmem>> -> memref<1x80x128xf32, #tpu.memory_space<vmem>>
        %get3A_287 = tpu.memref_squeeze %get3A_286 : memref<1x80x128xf32, #tpu.memory_space<vmem>> -> memref<80x128xf32, #tpu.memory_space<vmem>>
        %get3A_288 = arith.index_cast %add3A_280 : i32 to index
        %get3A_289 = arith.constant 0 : index
        %get3A_290 = tpu.vector_load %get3A_287[%get3A_288, %get3A_289] {strides = array<i32>} : memref<80x128xf32, #tpu.memory_space<vmem>>, vector<16xf32>,
        %get3A_291 = arith.constant 0 : i32
        %get3A_292 = arith.constant 0 : i32
        %get3A_293 = tpu.memref_slice %arg14[%scan3A_207, %get3A_291, %get3A_292] : memref<2x80x128xf32, #tpu.memory_space<vmem>> -> memref<1x80x128xf32, #tpu.memory_space<vmem>>
        %get3A_294 = tpu.memref_squeeze %get3A_293 : memref<1x80x128xf32, #tpu.memory_space<vmem>> -> memref<80x128xf32, #tpu.memory_space<vmem>>
        %get3A_295 = arith.index_cast %add3A_280 : i32 to index
        %get3A_296 = arith.constant 0 : index
        %get3A_297 = tpu.vector_load %get3A_294[%get3A_295, %get3A_296] {strides = array<i32>} : memref<80x128xf32, #tpu.memory_space<vmem>>, vector<16xf32>,
        %add3A_298 = arith.constant 0 : i32
        %add3A_299 = vector.broadcast %add3A_298 : i32 to vector<16xi32>
        %add3A_300 = arith.addi %iota3A, %add3A_299 : vector<16xi32>
        %gather3A_301 = tpu.vector_load_idx %arg15[%gather3A_283, %add3A_300] : memref<10x128xf32, #tpu.memory_space<vmem>>[vector<16xi32>, vector<16xi32>], vector<16xf32>,
        %mul3A_302 = arith.mulf %get3A_290, %get3A_297 : vector<16xf32>
        %mul3A_303 = arith.mulf %mul3A_302, %gather3A_301 : vector<16xf32>
        %get3A_304 = arith.constant 0 : i32
        %get3A_305 = arith.constant 0 : i32
        %get3A_306 = tpu.memref_slice %arg13[%scan3A_206, %get3A_304, %get3A_305] : memref<2x80x128xf32, #tpu.memory_space<vmem>> -> memref<1x80x128xf32, #tpu.memory_space<vmem>>
        %get3A_307 = tpu.memref_squeeze %get3A_306 : memref<1x80x128xf32, #tpu.memory_space<vmem>> -> memref<80x128xf32, #tpu.memory_space<vmem>>
        %get3A_308 = arith.index_cast %add3A_280 : i32 to index
        %get3A_309 = arith.constant 16 : index
        %get3A_310 = tpu.vector_load %get3A_307[%get3A_308, %get3A_309] {strides = array<i32>} : memref<80x128xf32, #tpu.memory_space<vmem>>, vector<16xf32>,
        %get3A_311 = arith.constant 0 : i32
        %get3A_312 = arith.constant 0 : i32
        %get3A_313 = tpu.memref_slice %arg14[%scan3A_207, %get3A_311, %get3A_312] : memref<2x80x128xf32, #tpu.memory_space<vmem>> -> memref<1x80x128xf32, #tpu.memory_space<vmem>>
        %get3A_314 = tpu.memref_squeeze %get3A_313 : memref<1x80x128xf32, #tpu.memory_space<vmem>> -> memref<80x128xf32, #tpu.memory_space<vmem>>
        %get3A_315 = arith.index_cast %add3A_280 : i32 to index
        %get3A_316 = arith.constant 16 : index
        %get3A_317 = tpu.vector_load %get3A_314[%get3A_315, %get3A_316] {strides = array<i32>} : memref<80x128xf32, #tpu.memory_space<vmem>>, vector<16xf32>,
        %add3A_318 = arith.constant 16 : i32
        %add3A_319 = vector.broadcast %add3A_318 : i32 to vector<16xi32>
        %add3A_320 = arith.addi %iota3A, %add3A_319 : vector<16xi32>
        %gather3A_321 = tpu.vector_load_idx %arg15[%gather3A_283, %add3A_320] : memref<10x128xf32, #tpu.memory_space<vmem>>[vector<16xi32>, vector<16xi32>], vector<16xf32>,
        %mul3A_322 = arith.mulf %get3A_310, %get3A_317 : vector<16xf32>
        %mul3A_323 = arith.mulf %mul3A_322, %gather3A_321 : vector<16xf32>
        %add3A_324 = arith.addf %mul3A_303, %mul3A_323 : vector<16xf32>
        %get3A_325 = arith.constant 0 : i32
        %get3A_326 = arith.constant 0 : i32
        %get3A_327 = tpu.memref_slice %arg13[%scan3A_206, %get3A_325, %get3A_326] : memref<2x80x128xf32, #tpu.memory_space<vmem>> -> memref<1x80x128xf32, #tpu.memory_space<vmem>>
        %get3A_328 = tpu.memref_squeeze %get3A_327 : memref<1x80x128xf32, #tpu.memory_space<vmem>> -> memref<80x128xf32, #tpu.memory_space<vmem>>
        %get3A_329 = arith.index_cast %add3A_280 : i32 to index
        %get3A_330 = arith.constant 32 : index
        %get3A_331 = tpu.vector_load %get3A_328[%get3A_329, %get3A_330] {strides = array<i32>} : memref<80x128xf32, #tpu.memory_space<vmem>>, vector<16xf32>,
        %get3A_332 = arith.constant 0 : i32
        %get3A_333 = arith.constant 0 : i32
        %get3A_334 = tpu.memref_slice %arg14[%scan3A_207, %get3A_332, %get3A_333] : memref<2x80x128xf32, #tpu.memory_space<vmem>> -> memref<1x80x128xf32, #tpu.memory_space<vmem>>
        %get3A_335 = tpu.memref_squeeze %get3A_334 : memref<1x80x128xf32, #tpu.memory_space<vmem>> -> memref<80x128xf32, #tpu.memory_space<vmem>>
        %get3A_336 = arith.index_cast %add3A_280 : i32 to index
        %get3A_337 = arith.constant 32 : index
        %get3A_338 = tpu.vector_load %get3A_335[%get3A_336, %get3A_337] {strides = array<i32>} : memref<80x128xf32, #tpu.memory_space<vmem>>, vector<16xf32>,
        %add3A_339 = arith.constant 32 : i32
        %add3A_340 = vector.broadcast %add3A_339 : i32 to vector<16xi32>
        %add3A_341 = arith.addi %iota3A, %add3A_340 : vector<16xi32>
        %gather3A_342 = tpu.vector_load_idx %arg15[%gather3A_283, %add3A_341] : memref<10x128xf32, #tpu.memory_space<vmem>>[vector<16xi32>, vector<16xi32>], vector<16xf32>,
        %mul3A_343 = arith.mulf %get3A_331, %get3A_338 : vector<16xf32>
        %mul3A_344 = arith.mulf %mul3A_343, %gather3A_342 : vector<16xf32>
        %add3A_345 = arith.addf %add3A_324, %mul3A_344 : vector<16xf32>
        %get3A_346 = arith.constant 0 : i32
        %get3A_347 = arith.constant 0 : i32
        %get3A_348 = tpu.memref_slice %arg13[%scan3A_206, %get3A_346, %get3A_347] : memref<2x80x128xf32, #tpu.memory_space<vmem>> -> memref<1x80x128xf32, #tpu.memory_space<vmem>>
        %get3A_349 = tpu.memref_squeeze %get3A_348 : memref<1x80x128xf32, #tpu.memory_space<vmem>> -> memref<80x128xf32, #tpu.memory_space<vmem>>
        %get3A_350 = arith.index_cast %add3A_280 : i32 to index
        %get3A_351 = arith.constant 48 : index
        %get3A_352 = tpu.vector_load %get3A_349[%get3A_350, %get3A_351] {strides = array<i32>} : memref<80x128xf32, #tpu.memory_space<vmem>>, vector<16xf32>,
        %get3A_353 = arith.constant 0 : i32
        %get3A_354 = arith.constant 0 : i32
        %get3A_355 = tpu.memref_slice %arg14[%scan3A_207, %get3A_353, %get3A_354] : memref<2x80x128xf32, #tpu.memory_space<vmem>> -> memref<1x80x128xf32, #tpu.memory_space<vmem>>
        %get3A_356 = tpu.memref_squeeze %get3A_355 : memref<1x80x128xf32, #tpu.memory_space<vmem>> -> memref<80x128xf32, #tpu.memory_space<vmem>>
        %get3A_357 = arith.index_cast %add3A_280 : i32 to index
        %get3A_358 = arith.constant 48 : index
        %get3A_359 = tpu.vector_load %get3A_356[%get3A_357, %get3A_358] {strides = array<i32>} : memref<80x128xf32, #tpu.memory_space<vmem>>, vector<16xf32>,
        %add3A_360 = arith.constant 48 : i32
        %add3A_361 = vector.broadcast %add3A_360 : i32 to vector<16xi32>
        %add3A_362 = arith.addi %iota3A, %add3A_361 : vector<16xi32>
        %gather3A_363 = tpu.vector_load_idx %arg15[%gather3A_283, %add3A_362] : memref<10x128xf32, #tpu.memory_space<vmem>>[vector<16xi32>, vector<16xi32>], vector<16xf32>,
        %mul3A_364 = arith.mulf %get3A_352, %get3A_359 : vector<16xf32>
        %mul3A_365 = arith.mulf %mul3A_364, %gather3A_363 : vector<16xf32>
        %add3A_366 = arith.addf %add3A_345, %mul3A_365 : vector<16xf32>
        %get3A_367 = arith.constant 0 : i32
        %get3A_368 = arith.constant 0 : i32
        %get3A_369 = tpu.memref_slice %arg13[%scan3A_206, %get3A_367, %get3A_368] : memref<2x80x128xf32, #tpu.memory_space<vmem>> -> memref<1x80x128xf32, #tpu.memory_space<vmem>>
        %get3A_370 = tpu.memref_squeeze %get3A_369 : memref<1x80x128xf32, #tpu.memory_space<vmem>> -> memref<80x128xf32, #tpu.memory_space<vmem>>
        %get3A_371 = arith.index_cast %add3A_280 : i32 to index
        %get3A_372 = arith.constant 64 : index
        %get3A_373 = tpu.vector_load %get3A_370[%get3A_371, %get3A_372] {strides = array<i32>} : memref<80x128xf32, #tpu.memory_space<vmem>>, vector<16xf32>,
        %get3A_374 = arith.constant 0 : i32
        %get3A_375 = arith.constant 0 : i32
        %get3A_376 = tpu.memref_slice %arg14[%scan3A_207, %get3A_374, %get3A_375] : memref<2x80x128xf32, #tpu.memory_space<vmem>> -> memref<1x80x128xf32, #tpu.memory_space<vmem>>
        %get3A_377 = tpu.memref_squeeze %get3A_376 : memref<1x80x128xf32, #tpu.memory_space<vmem>> -> memref<80x128xf32, #tpu.memory_space<vmem>>
        %get3A_378 = arith.index_cast %add3A_280 : i32 to index
        %get3A_379 = arith.constant 64 : index
        %get3A_380 = tpu.vector_load %get3A_377[%get3A_378, %get3A_379] {strides = array<i32>} : memref<80x128xf32, #tpu.memory_space<vmem>>, vector<16xf32>,
        %add3A_381 = arith.constant 64 : i32
        %add3A_382 = vector.broadcast %add3A_381 : i32 to vector<16xi32>
        %add3A_383 = arith.addi %iota3A, %add3A_382 : vector<16xi32>
        %gather3A_384 = tpu.vector_load_idx %arg15[%gather3A_283, %add3A_383] : memref<10x128xf32, #tpu.memory_space<vmem>>[vector<16xi32>, vector<16xi32>], vector<16xf32>,
        %mul3A_385 = arith.mulf %get3A_373, %get3A_380 : vector<16xf32>
        %mul3A_386 = arith.mulf %mul3A_385, %gather3A_384 : vector<16xf32>
        %add3A_387 = arith.addf %add3A_366, %mul3A_386 : vector<16xf32>
        %get3A_388 = arith.constant 0 : i32
        %get3A_389 = arith.constant 0 : i32
        %get3A_390 = tpu.memref_slice %arg13[%scan3A_206, %get3A_388, %get3A_389] : memref<2x80x128xf32, #tpu.memory_space<vmem>> -> memref<1x80x128xf32, #tpu.memory_space<vmem>>
        %get3A_391 = tpu.memref_squeeze %get3A_390 : memref<1x80x128xf32, #tpu.memory_space<vmem>> -> memref<80x128xf32, #tpu.memory_space<vmem>>
        %get3A_392 = arith.index_cast %add3A_280 : i32 to index
        %get3A_393 = arith.constant 80 : index
        %get3A_394 = tpu.vector_load %get3A_391[%get3A_392, %get3A_393] {strides = array<i32>} : memref<80x128xf32, #tpu.memory_space<vmem>>, vector<16xf32>,
        %get3A_395 = arith.constant 0 : i32
        %get3A_396 = arith.constant 0 : i32
        %get3A_397 = tpu.memref_slice %arg14[%scan3A_207, %get3A_395, %get3A_396] : memref<2x80x128xf32, #tpu.memory_space<vmem>> -> memref<1x80x128xf32, #tpu.memory_space<vmem>>
        %get3A_398 = tpu.memref_squeeze %get3A_397 : memref<1x80x128xf32, #tpu.memory_space<vmem>> -> memref<80x128xf32, #tpu.memory_space<vmem>>
        %get3A_399 = arith.index_cast %add3A_280 : i32 to index
        %get3A_400 = arith.constant 80 : index
        %get3A_401 = tpu.vector_load %get3A_398[%get3A_399, %get3A_400] {strides = array<i32>} : memref<80x128xf32, #tpu.memory_space<vmem>>, vector<16xf32>,
        %add3A_402 = arith.constant 80 : i32
        %add3A_403 = vector.broadcast %add3A_402 : i32 to vector<16xi32>
        %add3A_404 = arith.addi %iota3A, %add3A_403 : vector<16xi32>
        %gather3A_405 = tpu.vector_load_idx %arg15[%gather3A_283, %add3A_404] : memref<10x128xf32, #tpu.memory_space<vmem>>[vector<16xi32>, vector<16xi32>], vector<16xf32>,
        %mul3A_406 = arith.mulf %get3A_394, %get3A_401 : vector<16xf32>
        %mul3A_407 = arith.mulf %mul3A_406, %gather3A_405 : vector<16xf32>
        %add3A_408 = arith.addf %add3A_387, %mul3A_407 : vector<16xf32>
        %get3A_409 = arith.constant 0 : i32
        %get3A_410 = arith.constant 0 : i32
        %get3A_411 = tpu.memref_slice %arg13[%scan3A_206, %get3A_409, %get3A_410] : memref<2x80x128xf32, #tpu.memory_space<vmem>> -> memref<1x80x128xf32, #tpu.memory_space<vmem>>
        %get3A_412 = tpu.memref_squeeze %get3A_411 : memref<1x80x128xf32, #tpu.memory_space<vmem>> -> memref<80x128xf32, #tpu.memory_space<vmem>>
        %get3A_413 = arith.index_cast %add3A_280 : i32 to index
        %get3A_414 = arith.constant 96 : index
        %get3A_415 = tpu.vector_load %get3A_412[%get3A_413, %get3A_414] {strides = array<i32>} : memref<80x128xf32, #tpu.memory_space<vmem>>, vector<16xf32>,
        %get3A_416 = arith.constant 0 : i32
        %get3A_417 = arith.constant 0 : i32
        %get3A_418 = tpu.memref_slice %arg14[%scan3A_207, %get3A_416, %get3A_417] : memref<2x80x128xf32, #tpu.memory_space<vmem>> -> memref<1x80x128xf32, #tpu.memory_space<vmem>>
        %get3A_419 = tpu.memref_squeeze %get3A_418 : memref<1x80x128xf32, #tpu.memory_space<vmem>> -> memref<80x128xf32, #tpu.memory_space<vmem>>
        %get3A_420 = arith.index_cast %add3A_280 : i32 to index
        %get3A_421 = arith.constant 96 : index
        %get3A_422 = tpu.vector_load %get3A_419[%get3A_420, %get3A_421] {strides = array<i32>} : memref<80x128xf32, #tpu.memory_space<vmem>>, vector<16xf32>,
        %add3A_423 = arith.constant 96 : i32
        %add3A_424 = vector.broadcast %add3A_423 : i32 to vector<16xi32>
        %add3A_425 = arith.addi %iota3A, %add3A_424 : vector<16xi32>
        %gather3A_426 = tpu.vector_load_idx %arg15[%gather3A_283, %add3A_425] : memref<10x128xf32, #tpu.memory_space<vmem>>[vector<16xi32>, vector<16xi32>], vector<16xf32>,
        %mul3A_427 = arith.mulf %get3A_415, %get3A_422 : vector<16xf32>
        %mul3A_428 = arith.mulf %mul3A_427, %gather3A_426 : vector<16xf32>
        %add3A_429 = arith.addf %add3A_408, %mul3A_428 : vector<16xf32>
        %get3A_430 = arith.constant 0 : i32
        %get3A_431 = arith.constant 0 : i32
        %get3A_432 = tpu.memref_slice %arg13[%scan3A_206, %get3A_430, %get3A_431] : memref<2x80x128xf32, #tpu.memory_space<vmem>> -> memref<1x80x128xf32, #tpu.memory_space<vmem>>
        %get3A_433 = tpu.memref_squeeze %get3A_432 : memref<1x80x128xf32, #tpu.memory_space<vmem>> -> memref<80x128xf32, #tpu.memory_space<vmem>>
        %get3A_434 = arith.index_cast %add3A_280 : i32 to index
        %get3A_435 = arith.constant 112 : index
        %get3A_436 = tpu.vector_load %get3A_433[%get3A_434, %get3A_435] {strides = array<i32>} : memref<80x128xf32, #tpu.memory_space<vmem>>, vector<16xf32>,
        %get3A_437 = arith.constant 0 : i32
        %get3A_438 = arith.constant 0 : i32
        %get3A_439 = tpu.memref_slice %arg14[%scan3A_207, %get3A_437, %get3A_438] : memref<2x80x128xf32, #tpu.memory_space<vmem>> -> memref<1x80x128xf32, #tpu.memory_space<vmem>>
        %get3A_440 = tpu.memref_squeeze %get3A_439 : memref<1x80x128xf32, #tpu.memory_space<vmem>> -> memref<80x128xf32, #tpu.memory_space<vmem>>
        %get3A_441 = arith.index_cast %add3A_280 : i32 to index
        %get3A_442 = arith.constant 112 : index
        %get3A_443 = tpu.vector_load %get3A_440[%get3A_441, %get3A_442] {strides = array<i32>} : memref<80x128xf32, #tpu.memory_space<vmem>>, vector<16xf32>,
        %add3A_444 = arith.constant 112 : i32
        %add3A_445 = vector.broadcast %add3A_444 : i32 to vector<16xi32>
        %add3A_446 = arith.addi %iota3A, %add3A_445 : vector<16xi32>
        %gather3A_447 = tpu.vector_load_idx %arg15[%gather3A_283, %add3A_446] : memref<10x128xf32, #tpu.memory_space<vmem>>[vector<16xi32>, vector<16xi32>], vector<16xf32>,
        %mul3A_448 = arith.mulf %get3A_436, %get3A_443 : vector<16xf32>
        %mul3A_449 = arith.mulf %mul3A_448, %gather3A_447 : vector<16xf32>
        %add3A_450 = arith.addf %add3A_429, %mul3A_449 : vector<16xf32>
        %broadcast_in_dim3A_451 = vector.shape_cast %xor3A_10 : vector<16xi32> to vector<16x1xi32>
        %gather3A_452 = vector.shape_cast %broadcast_in_dim3A_451 : vector<16x1xi32> to vector<16xi32>
        %gather3A_453 = tpu.dynamic_gather %add3A_450[%gather3A_452] in [0] : vector<16xf32>, vector<16xi32> -> vector<16xf32>
        %add3A_454 = arith.addf %add3A_450, %gather3A_453 : vector<16xf32>
        %broadcast_in_dim3A_455 = vector.shape_cast %xor3A_13 : vector<16xi32> to vector<16x1xi32>
        %gather3A_456 = vector.shape_cast %broadcast_in_dim3A_455 : vector<16x1xi32> to vector<16xi32>
        %gather3A_457 = tpu.dynamic_gather %add3A_454[%gather3A_456] in [0] : vector<16xf32>, vector<16xi32> -> vector<16xf32>
        %add3A_458 = arith.addf %add3A_454, %gather3A_457 : vector<16xf32>
        %broadcast_in_dim3A_459 = vector.shape_cast %xor3A_16 : vector<16xi32> to vector<16x1xi32>
        %gather3A_460 = vector.shape_cast %broadcast_in_dim3A_459 : vector<16x1xi32> to vector<16xi32>
        %gather3A_461 = tpu.dynamic_gather %add3A_458[%gather3A_460] in [0] : vector<16xf32>, vector<16xi32> -> vector<16xf32>
        %add3A_462 = arith.addf %add3A_458, %gather3A_461 : vector<16xf32>
        %broadcast_in_dim3A_463 = vector.shape_cast %xor3A_19 : vector<16xi32> to vector<16x1xi32>
        %gather3A_464 = vector.shape_cast %broadcast_in_dim3A_463 : vector<16x1xi32> to vector<16xi32>
        %gather3A_465 = tpu.dynamic_gather %add3A_462[%gather3A_464] in [0] : vector<16xf32>, vector<16xi32> -> vector<16xf32>
        %add3A_466 = arith.addf %add3A_462, %gather3A_465 : vector<16xf32>
        %eq3A_467 = vector.broadcast %scan3A_276 : i32 to vector<16xi32>
        %eq3A_468 = arith.cmpi eq, %iota3A, %eq3A_467 : vector<16xi32>
        %select_n3A = arith.select %eq3A_468, %add3A_466, %scan3A_277 : vector<16xi1>, vector<16xf32>
        scf.yield %select_n3A : vector<16xf32>
      }
      %scan3A_263 = arith.constant 16 : i32
      %neg3A = arith.constant 0.000000e+00 : f32
      %neg3A_264 = vector.broadcast %neg3A : f32 to vector<16xf32>
      %neg3A_265 = arith.subf %neg3A_264, %scan3A_262 : vector<16xf32>
      %exp3A = math.exp %neg3A_265 : vector<16xf32>
      %add3A_266 = arith.constant 1.000000e+00 : f32
      %add3A_267 = vector.broadcast %add3A_266 : f32 to vector<16xf32>
      %add3A_268 = arith.addf %add3A_267, %exp3A : vector<16xf32>
      %div3A = arith.constant 1.000000e+00 : f32
      %div3A_269 = vector.broadcast %div3A : f32 to vector<16xf32>
      %div3A_270 = arith.divf %div3A_269, %add3A_268 : vector<16xf32>
      %mul3A_271 = arith.constant 16 : i32
      %mul3A_272 = arith.muli %scan3A_251, %mul3A_271 : i32
      %swap3A = arith.constant 0 : i32
      %swap3A_273 = arith.index_cast %swap3A : i32 to index
      %swap3A_274 = arith.index_cast %mul3A_272 : i32 to index
      %swap3A_275 = tpu.vector_load %arg12[%swap3A_273, %swap3A_274] {strides = array<i32>} : memref<2x80xf32, #tpu.memory_space<vmem>>, vector<16xf32>,
      tpu.vector_store %arg12[%swap3A_273, %swap3A_274], %div3A_270 {strides = array<i32>} : memref<2x80xf32, #tpu.memory_space<vmem>>, vector<16xf32>,
    }
    %scan3A_212 = arith.constant 5 : i32
    %add3A_213 = arith.constant 9920 : i32
    %add3A_214 = arith.addi %mul3A_2, %add3A_213 : i32
    %dma_start3A_215 = arith.constant 0 : i32
    %dma_start3A_216 = arith.constant 0 : i32
    %dma_start3A_217 = arith.constant 0 : i32
    %dma_start3A_218 = tpu.memref_slice %arg12[%dma_start3A_215, %dma_start3A_217] : memref<2x80xf32, #tpu.memory_space<vmem>> -> memref<1x80xf32, #tpu.memory_space<vmem>>
    %dma_start3A_219 = tpu.memref_squeeze %dma_start3A_218 : memref<1x80xf32, #tpu.memory_space<vmem>> -> memref<80xf32, #tpu.memory_space<vmem>>
    %dma_start3A_220 = tpu.memref_slice %arg7[%add3A_214] : memref<320000xf32, #tpu.memory_space<hbm>> -> memref<80xf32, #tpu.memory_space<hbm>>
    %dma_start3A_221 = tpu.memref_slice %arg19[%dma_start3A_216] : memref<2x!tpu.dma_semaphore, #tpu.memory_space<semaphore_mem>> -> memref<1x!tpu.dma_semaphore, #tpu.memory_space<semaphore_mem>>
    %dma_start3A_222 = tpu.memref_squeeze %dma_start3A_221 : memref<1x!tpu.dma_semaphore, #tpu.memory_space<semaphore_mem>> -> memref<!tpu.dma_semaphore, #tpu.memory_space<semaphore_mem>>
    %dma_start3A_223 = tpu.memref_slice %arg7[%add3A_214] : memref<320000xf32, #tpu.memory_space<hbm>> -> memref<80xf32, #tpu.memory_space<hbm>>
    %dma_start3A_224 = arith.constant 0 : i32
    %dma_start3A_225 = tpu.memref_slice %arg12[%dma_start3A_215, %dma_start3A_224] : memref<2x80xf32, #tpu.memory_space<vmem>> -> memref<1x80xf32, #tpu.memory_space<vmem>>
    %dma_start3A_226 = tpu.memref_squeeze %dma_start3A_225 : memref<1x80xf32, #tpu.memory_space<vmem>> -> memref<80xf32, #tpu.memory_space<vmem>>
    tpu.enqueue_dma source(%dma_start3A_226 : memref<80xf32, #tpu.memory_space<vmem>>) target(%dma_start3A_223 : memref<80xf32, #tpu.memory_space<hbm>>) target_semaphore(%dma_start3A_222 : memref<!tpu.dma_semaphore, #tpu.memory_space<semaphore_mem>>)
    %dma_wait3A_227 = arith.constant 1 : i32
    %dma_wait3A_228 = arith.constant 1 : i32
    %dma_wait3A_229 = arith.constant 0 : i32
    %dma_wait3A_230 = tpu.memref_slice %arg12[%dma_wait3A_227, %dma_wait3A_229] : memref<2x80xf32, #tpu.memory_space<vmem>> -> memref<1x80xf32, #tpu.memory_space<vmem>>
    %dma_wait3A_231 = tpu.memref_squeeze %dma_wait3A_230 : memref<1x80xf32, #tpu.memory_space<vmem>> -> memref<80xf32, #tpu.memory_space<vmem>>
    %dma_wait3A_232 = tpu.memref_slice %arg7[%mul3A_2] : memref<320000xf32, #tpu.memory_space<hbm>> -> memref<80xf32, #tpu.memory_space<hbm>>
    %dma_wait3A_233 = tpu.memref_slice %arg19[%dma_wait3A_228] : memref<2x!tpu.dma_semaphore, #tpu.memory_space<semaphore_mem>> -> memref<1x!tpu.dma_semaphore, #tpu.memory_space<semaphore_mem>>
    %dma_wait3A_234 = tpu.memref_squeeze %dma_wait3A_233 : memref<1x!tpu.dma_semaphore, #tpu.memory_space<semaphore_mem>> -> memref<!tpu.dma_semaphore, #tpu.memory_space<semaphore_mem>>
    %dma_wait3A_235 = tpu.memref_slice %arg7[%mul3A_2] : memref<320000xf32, #tpu.memory_space<hbm>> -> memref<80xf32, #tpu.memory_space<hbm>>
    %dma_wait3A_236 = arith.constant 0 : i32
    %dma_wait3A_237 = tpu.memref_slice %arg12[%dma_wait3A_227, %dma_wait3A_236] : memref<2x80xf32, #tpu.memory_space<vmem>> -> memref<1x80xf32, #tpu.memory_space<vmem>>
    %dma_wait3A_238 = tpu.memref_squeeze %dma_wait3A_237 : memref<1x80xf32, #tpu.memory_space<vmem>> -> memref<80xf32, #tpu.memory_space<vmem>>
    tpu.wait_dma2 semaphore(%dma_wait3A_234 : memref<!tpu.dma_semaphore, #tpu.memory_space<semaphore_mem>>) src(%dma_wait3A_238 : memref<80xf32, #tpu.memory_space<vmem>>) dst(%dma_wait3A_235 : memref<80xf32, #tpu.memory_space<hbm>>)
    %dma_wait3A_239 = arith.constant 0 : i32
    %dma_wait3A_240 = arith.constant 0 : i32
    %dma_wait3A_241 = arith.constant 0 : i32
    %dma_wait3A_242 = tpu.memref_slice %arg12[%dma_wait3A_239, %dma_wait3A_241] : memref<2x80xf32, #tpu.memory_space<vmem>> -> memref<1x80xf32, #tpu.memory_space<vmem>>
    %dma_wait3A_243 = tpu.memref_squeeze %dma_wait3A_242 : memref<1x80xf32, #tpu.memory_space<vmem>> -> memref<80xf32, #tpu.memory_space<vmem>>
    %dma_wait3A_244 = tpu.memref_slice %arg7[%mul3A_2] : memref<320000xf32, #tpu.memory_space<hbm>> -> memref<80xf32, #tpu.memory_space<hbm>>
    %dma_wait3A_245 = tpu.memref_slice %arg19[%dma_wait3A_240] : memref<2x!tpu.dma_semaphore, #tpu.memory_space<semaphore_mem>> -> memref<1x!tpu.dma_semaphore, #tpu.memory_space<semaphore_mem>>
    %dma_wait3A_246 = tpu.memref_squeeze %dma_wait3A_245 : memref<1x!tpu.dma_semaphore, #tpu.memory_space<semaphore_mem>> -> memref<!tpu.dma_semaphore, #tpu.memory_space<semaphore_mem>>
    %dma_wait3A_247 = tpu.memref_slice %arg7[%mul3A_2] : memref<320000xf32, #tpu.memory_space<hbm>> -> memref<80xf32, #tpu.memory_space<hbm>>
    %dma_wait3A_248 = arith.constant 0 : i32
    %dma_wait3A_249 = tpu.memref_slice %arg12[%dma_wait3A_239, %dma_wait3A_248] : memref<2x80xf32, #tpu.memory_space<vmem>> -> memref<1x80xf32, #tpu.memory_space<vmem>>
    %dma_wait3A_250 = tpu.memref_squeeze %dma_wait3A_249 : memref<1x80xf32, #tpu.memory_space<vmem>> -> memref<80xf32, #tpu.memory_space<vmem>>
    tpu.wait_dma2 semaphore(%dma_wait3A_246 : memref<!tpu.dma_semaphore, #tpu.memory_space<semaphore_mem>>) src(%dma_wait3A_250 : memref<80xf32, #tpu.memory_space<vmem>>) dst(%dma_wait3A_247 : memref<80xf32, #tpu.memory_space<hbm>>)
    return
  }
}

</mosaic_0001>

<sc_bundles>
// kernel: _dist_mult_sc.3.cloned.1.call-start
scs
__scs_entry_jumppad:
0x0: {  	(pc) =	sbr.rel $0x88, $3  }
0x1: {  	(tag) =	ssettag $0x0;
	lr =	simm.s32 $0x1  }
0x2: {  	[smem:$0x3F9C] =	sst lr;
	_ =	strace $0xD0000000  }
0x3: {  	_ = 	snop  }
0x4: {  	_ = 	snop  }
0x5: {  	_ = 	snop  }
0x6: {  	_ = 	snop  }
0x7: {  	_ = 	snop  }
__scs_overlays_trampoline_lowered:
0x8: {  	[smem:$0x3FAB] =	sst s0  }
0x9: {  	[smem:$0x3FAC] =	sst s1  }
0xa: {  	[smem:$0x3FAD] =	sst s2  }
0xb: {  	[smem:$0x3FAE] =	sst s3  }
0xc: {  	[smem:$0x3FAF] =	sst s4  }
0xd: {  	[smem:$0x3FB0] =	sst s5  }
0xe: {  	[smem:$0x3FB1] =	sst s6  }
0xf: {  	[smem:$0x3FB2] =	sst s7  }
0x10: {  	[smem:$0x3FB3] =	sst s8  }
0x11: {  	[smem:$0x3FB4] =	sst s9;
	s0 =	simm.s32 @!p0 $0x0  }
0x12: {  	s1 =	sld [smem:$0x3F9A];
	s0 =	simm.s32 @p0 $0x1  }
0x13: {  	[smem:$0x3FB5] =	sst s0;
	s0 =	simm.s32 @!p1 $0x0  }
0x14: {  	s2 =	sld [smem:$0x3F99];
	s0 =	simm.s32 @p1 $0x1  }
0x15: {  	[smem:$0x3FB6] =	sst s0;
	s0 =	simm.s32 @!p2 $0x0  }
0x16: {  	s3 =	sld [smem:$0x3FDB];
	s0 =	simm.s32 @p2 $0x1  }
0x17: {  	s4 =	simm.s32 $0x1BF5;
	[smem:$0x3FB8] =	sst s0  }
0x18: {  	s0 =	sld [smem:$0x3F9B];
	_ =	swait.ge [sflag:s4], $0x0  }
0x19: {  	s7 =	sld [smem:$0x3F9C]  }
0x1a: {  	s8 =	sadd.s32 $0xFFFFE003, lr  }
0x1b: {  	s9 =	sadd.s32 $0xFFFFFEF7, lr;
	s5 =	simm.s32 $0xFFFFFFFF;
	p2 =	slt.u32 s8, $0xFFFFF086  }
0x1c: {  	p1 =	slt.u32 s9, $0xF7A;
	s5 =	simm.s32 @!p2 $0x0  }
0x1d: {  	s5 =	simm.s32 @p1 $0x1;
	p0 =	seq.s32 s7, s2  }
0x1e: {  	s7 =	smul.u32 @!p0 $0xF7A, s2;
	p2 =	seq.s32 @!p0 s5, $0x0  }
0x1f: {  	s9 =	smul.u32 $0xF7A, s1;
	s8 =	simm.s32 @!p0 $0x1BF5;
	p2 =	por !p2, p0  }
0x20: {  	[sflag:s8] =	ssyncset.s32 @!p0 $0xFFFFF086;
	s6 =	sadd.s32 @!p0 s3, s7;
	s7 =	simm.s32 @!p0 $0x108  }
0x21: {  	s3 =	sadd.s32 s3, s9;
	s6 =	sadd.s32 @!p0 $0x88, s6;
	s7 =	simm.s32 @p2 $0x1082  }
0x22: {  	[simem:s7], [sflag:s8] =	dma.local @!p0 [hbm:s6], $0xF7A  }
0x23: {  	s9 =	sor.u32 $0xD0000000, s2;
	s6 =	simm.s32 $0x108;
	_ =	swait.ge @!p0 [sflag:s8], $0x0  }
0x24: {  	s3 =	sadd.s32 $0x88, s3;
	s6 =	simm.s32 @!p1 $0x1082;
	[sflag:s4] =	ssyncset.s32 $0xFFFFF086  }
0x25: {  	[simem:s6], [sflag:s4] =	dma.local [hbm:s3], $0xF7A  }
0x26: {  	[smem:$0x3F9C] =	sst s1;
	(tag) =	ssettag s2;
	_ =	strace s9  }
0x27: {  	s1 =	sld [smem:$0x3FAC]  }
0x28: {  	s2 =	sld [smem:$0x3FAD]  }
0x29: {  	s4 =	sld [smem:$0x3FAF]  }
0x2a: {  	p0 =	seq.s32 s5, $0x0;
	s5 =	sld [smem:$0x3FB0]  }
0x2b: {  	s6 =	sld [smem:$0x3FB1]  }
0x2c: {  	s7 =	sld [smem:$0x3FB2]  }
0x2d: {  	s3 =	simm.s32 $0x108;
	s8 =	sld [smem:$0x3FB3]  }
0x2e: {  	s3 =	simm.s32 @!p0 $0x1082;
	s9 =	sld [smem:$0x3FB4]  }
0x2f: {  	lr =	sadd.s32 s0, s3;
	s0 =	sld [smem:$0x3FAB]  }
0x30: {  	s3 =	sld [smem:$0x3FAE]  }
0x31: {  	[smem:$0x3FB7] =	sst s10  }
0x32: {  	s10 =	sld [smem:$0x3FB5];
	_ =	sdelay $0x3  }
0x33: {  	p0 =	seq.s32 s10, $0x1;
	s10 =	sld [smem:$0x3FB7];
	_ =	sdelay $0x3  }
0x34: {  	[smem:$0x3FB7] =	sst s10  }
0x35: {  	s10 =	sld [smem:$0x3FB6];
	_ =	sdelay $0x3  }
0x36: {  	p1 =	seq.s32 s10, $0x1;
	s10 =	sld [smem:$0x3FB7];
	_ =	sdelay $0x3  }
0x37: {  	[smem:$0x3FB7] =	sst s10  }
0x38: {  	s10 =	sld [smem:$0x3FB8]  }
0x39: {  	_ = 	snop;
	(pc) =	sbr.ind lr, $3  }
0x3a: {  	_ = 	snop  }
0x3b: {  	_ = 	snop  }
0x3c: {  	p2 =	seq.s32 s10, $0x1;
	s10 =	sld [smem:$0x3FB7]  }
0x3d: {  	_ =	shalt  }
0x3e: {  	_ =	shalt  }
0x3f: {  	_ =	shalt  }
0x40: {  	_ =	shalt  }
0x41: {  	_ =	shalt  }
0x42: {  	_ =	shalt  }
0x43: {  	_ =	shalt  }
0x44: {  	_ =	shalt  }
0x45: {  	_ =	shalt  }
0x46: {  	_ =	shalt  }
0x47: {  	_ =	shalt  }
0x48: {  	_ =	shalt  }
0x49: {  	_ =	shalt  }
0x4a: {  	_ =	shalt  }
0x4b: {  	_ =	shalt  }
0x4c: {  	_ =	shalt  }
0x4d: {  	_ =	shalt  }
0x4e: {  	_ =	shalt  }
0x4f: {  	_ =	shalt  }
0x50: {  	_ =	shalt  }
0x51: {  	_ =	shalt  }
0x52: {  	_ =	shalt  }
0x53: {  	_ =	shalt  }
0x54: {  	_ =	shalt  }
0x55: {  	_ =	shalt  }
0x56: {  	_ =	shalt  }
0x57: {  	_ =	shalt  }
0x58: {  	_ =	shalt  }
0x59: {  	_ =	shalt  }
0x5a: {  	_ =	shalt  }
0x5b: {  	_ =	shalt  }
0x5c: {  	_ =	shalt  }
0x5d: {  	_ =	shalt  }
0x5e: {  	_ =	shalt  }
0x5f: {  	_ =	shalt  }
0x60: {  	_ =	shalt  }
0x61: {  	_ =	shalt  }
0x62: {  	_ =	shalt  }
0x63: {  	_ =	shalt  }
0x64: {  	_ =	shalt  }
0x65: {  	_ =	shalt  }
0x66: {  	_ =	shalt  }
0x67: {  	_ =	shalt  }
0x68: {  	_ =	shalt  }
0x69: {  	_ =	shalt  }
0x6a: {  	_ =	shalt  }
0x6b: {  	_ =	shalt  }
0x6c: {  	_ =	shalt  }
0x6d: {  	_ =	shalt  }
0x6e: {  	_ =	shalt  }
0x6f: {  	_ =	shalt  }
0x70: {  	_ =	shalt  }
0x71: {  	_ =	shalt  }
0x72: {  	_ =	shalt  }
0x73: {  	_ =	shalt  }
0x74: {  	_ =	shalt  }
0x75: {  	_ =	shalt  }
0x76: {  	_ =	shalt  }
0x77: {  	_ =	shalt  }
0x78: {  	_ =	shalt  }
0x79: {  	_ =	shalt  }
0x7a: {  	_ =	shalt  }
0x7b: {  	_ =	shalt  }
0x7c: {  	_ =	shalt  }
0x7d: {  	_ =	shalt  }
0x7e: {  	_ =	shalt  }
0x7f: {  	_ =	shalt  }
0x80: {  	_ =	shalt  }
0x81: {  	_ =	shalt  }
0x82: {  	_ =	shalt  }
0x83: {  	_ =	shalt  }
0x84: {  	_ =	shalt  }
0x85: {  	_ =	shalt  }
0x86: {  	_ =	shalt  }
0x87: {  	_ =	shalt  }
.Lfunc_end0:
.L_simem_size_0:
called_computation_lowered:
.L_overlay_start_0:
0x88: {  	s2 =	sld [smem:$0x3FD9]  }
0x89: {  	s3 =	sld [smem:$0x3FFE];
	_ =	sdelay $0x1  }
0x8a: {  	s1 =	srdreg.scid  }
0x8b: {  	s0 =	sand.u32 $0x1, s1  }
0x8c: {  	s18 =	sshll.u32 s0, $0xA;
	s2 =	sadd.s32 s3, s2  }
0x8d: {  	s2 =	sadd.s32 s2, s18  }
0x8e: {  	[smem:$0x3FC3] =	sst s2  }
0x8f: {  	_ = 	snop  }
0x90: {  	s2 =	sld [smem:$0x3FC9]  }
0x91: {  	s19 =	sld [smem:$0x3FC8]  }
0x92: {  	s4 =	sld [smem:$0x3FC7]  }
0x93: {  	s5 =	sld [smem:$0x3FC6]  }
0x94: {  	s6 =	sld [smem:$0x3FC5]  }
0x95: {  	s7 =	sld [smem:$0x3FD0];
	(tm) =	ssettm $0x1  }
0x96: {  	s8 =	sld [smem:$0x3FFB];
	_ =	sdelay $0x3  }
0x97: {  	_ =	strace s8  }
0x98: {  	s8 =	sld [smem:$0x3FFC];
	_ =	sdelay $0x3  }
0x99: {  	_ =	strace s8  }
0x9a: {  	s8 =	sld [smem:$0x3FFD];
	_ =	sdelay $0x3  }
0x9b: {  	_ =	strace s8  }
0x9c: {  	_ =	strace $0x8FFFFFFF  }
0x9d: {  	s20 =	sld [smem:$0x3FDB];
	_ =	sdelay $0x1  }
0x9e: {  	s9 =	simm.s32 $_scs_section_size  }
0x9f: {  	s10 =	simm.s32 $_size__tile_overlayer_lowered;
	s11 =	simm.s32 $_tile_overlayer_lowered  }
0xa0: {  	s23 =	simm.s32 $0x1BFF;
	s22 =	sshll.u32 s11, $0x1;
	s8 =	sadd.s32 s9, s20  }
0xa1: {  	s12 =	simm.s32 $0x0;
	s21 =	sshll.u32 s10, $0x1;
	s10 =	sadd.s32 s22, s8  }
0xa2: {  	[timem:s12], [sflag:s23] =	dma.local [hbm:s10], s21  }
0xa3: {  	_ =	swait.ge [sflag:s23], s21  }
0xa4: {  	s9 =	ssub.s32 $0x0, s21;
	[sflag:s23] =	ssyncset.done $0x0  }
0xa5: {  	[sflag:s23] =	ssyncadd.s32 s9;
	_ =	sdelay $0x1  }
0xa6: {  	s24 =	simm.s32 $0x1B8B  }
0xa7: {  	_ =	swait.ge [sflag:s24], $0x1  }
0xa8: {  	[sflag:s24] =	ssyncset.done $0x0  }
0xa9: {  	s25 =	simm.s32 $0x1B8E;
	[sflag:s24] =	ssyncadd.s32 $0xFFFFFFFF  }
0xaa: {  	s26 =	simm.s32 $execute0_lowered;
	[smem:$0x3FD2] =	sst s25  }
0xab: {  	s9 =	sshll.u32 s26, $0x1;
	_ =	strace $0x80000046;
	[dreg:$0x1] =	wrdreg $0xFFFFFFFF  }
0xac: {  	s28 =	simm.s32 $_size_execute0_lowered;
	s8 =	sadd.s32 s8, s9;
	[dreg:$0x0] =	wrdreg $0x0  }
0xad: {  	s9 =	sshll.u32 s28, $0x1;
	[dreg:$0x2] =	wrdreg s8  }
0xae: {  	[dreg:$0x3] =	wrdreg s9  }
0xaf: {  	[dreg:$0x4] =	wrdreg $0xC0  }
0xb0: {  	_ =	task [dreg:s12], $0x5FFFF  }
0xb1: {  	[dreg:$0x1] =	wrdreg $0xFFFFFFFF  }
0xb2: {  	[dreg:$0x0] =	wrdreg $0x60  }
0xb3: {  	[dreg:$0x2] =	wrdreg s2  }
0xb4: {  	[dreg:$0x3] =	wrdreg s19  }
0xb5: {  	[dreg:$0x4] =	wrdreg s4  }
0xb6: {  	[dreg:$0x5] =	wrdreg s5  }
0xb7: {  	[dreg:$0x6] =	wrdreg s6  }
0xb8: {  	[dreg:$0x7] =	wrdreg s7  }
0xb9: {  	[dreg:$0x8] =	wrdreg $0x0  }
0xba: {  	[dreg:$0x9] =	wrdreg $0x9  }
0xbb: {  	_ =	task.clear_ibuf [dreg:s12], $0xAFFFF;
	_ =	strace $0x90000046  }
0xbc: {  	s29 =	simm.s32 $0x9;
	_ =	strace $0x80000048  }
0xbd: {  	_ =	swait.ge [sflag:s29], $0x1  }
0xbe: {  	[sflag:s29] =	ssyncadd.s32 $0xFFFFFFFF  }
0xbf: {  	_ =	strace $0x90000048  }
0xc0: {  	_ =	sfence  }
0xc1: {  	s30 =	sld [smem:$0x0];
	_ =	sdelay $0x2  }
0xc2: {  	s31 =	sshll.u32 s1, $0xD;
	s1 =	sshrl.u32 s1, $0x2  }
0xc3: {  	s3 =	sand.u32 $0x4000, s31;
	s1 =	sadd.s32 s1, s30  }
0xc4: {  	s0 =	sor.u32 s3, s0;
	s1 =	sshll.u32 s1, $0x11  }
0xc5: {  	s0 =	sor.u32 s1, s0  }
0xc6: {  	s0 =	sadd.s32 $0x8F2B, s0  }
0xc7: {  	[sflag:s0] =	ssyncadd.remote.s32 $0x1  }
0xc8: {  	_ =	sfence.sel $0xFFFF  }
0xc9: {  	[dreg:$0x0] =	wrdreg $0xFFFFFFFF;
	(pc) =	sbr.abs _section_cstart, $3  }
0xca: {  	[dreg:$0x1] =	wrdreg $0xFFFFFFFF  }
0xcb: {  	_ =	task.clear_ibuf [dreg:s12], $0x2FFFF;
	_ =	strace $0x9FFFFFFF  }
0xcc: {  	(tm) =	ssettm $0x7FFFFFFF  }
0xcd: {  	_ =	shalt  }
tec
execute0_lowered:
.L_overlay_start_1:
0x0: {  	(tag) =	ssettag $0x1  }
0x1: {  	s0 =	rddreg [dreg:$0x0]  }
0x2: {  	s12 =	rddreg [dreg:$0x1]  }
0x3: {  	s13 =	rddreg [dreg:$0x2]  }
0x4: {  	s14 =	rddreg [dreg:$0x3]  }
0x5: {  	s15 =	rddreg [dreg:$0x5]  }
0x6: {  	s6 =	rddreg [dreg:$0x6]  }
0x7: {  	s8 =	simm.s32 $0x0;
	s1 =	srdreg.scid;
	s16 =	stileid.u32  }
0x8: {  	s29 =	simm.s32 $0x13880;
	s30 =	simm.s32 $0x13980;
	[smem:$0x7FF] =	sst s8  }
0x9: {  	s1 =	sand.u32 $0x1, s1;
	s4 =	sshll.u32 s16, $0x1;
	s7 =	smul.u32 $0x50000, s16  }
0xa: {  	s5 =	smul.u32 $0x2800, s16;
	s20 =	smov.u32 s15;
	p0 =	seq.s32 s16, $0xF  }
0xb: {  	_ =	strace $0x80000047;
	s10 =	ssub.s32 $0x2, s1;
	s1 =	sor.u32 s1, s4  }
0xc: {  	s4 =	sadd.s32 $0x12C000, s6;
	s11 =	sshrl.u32 s10, $0x1;
	s9 =	smul.u32 $0x2710, s1  }
0xd: {  	s17 =	sshrl.u32 s7, $0x2;
	s2 =	sadd.s32 s0, s5;
	s0 =	sadd.s32 $0x25800, s0  }
0xe: {  	s4 =	sshrl.u32 @p0 s4, $0x3;
	s7 =	simm.s32 $0x13A00;
	[dreg:$0x8] =	wrdreg s2  }
0xf: {  	s18 =	ssub.s32 s10, s11;
	s1 =	sadd.s32 s17, s6;
	[dreg:$0x9] =	wrdreg s0  }
0x10: {  	s2 =	smov.u32 s12;
	[dreg:$0x13] =	wrdreg s4;
	s10 =	simm.s32 $0x5  }
0x11: {  	v1 =	vimm.s32 $0xEFCDAB89;
	v2 =	vimm.s32 $0x67452301;
	s17 =	simm.s32 $0x6;
	s4 =	simm.s32 $0x0;
	s21 =	sshrl.u32 s9, $0x3  }
0x12: {  	v0 =	vlaneseq.u32;
	v8 =	vimm.s32 $0xDCFE98BA;
	s11 =	sadd.s32 $0x50, s9;
	s19 =	sadd.s32 $0xA0, s9;
	s26 =	sadd.s32 $0xF0, s9  }
0x13: {  	v9 =	vimm.s32 $0x54761032;
	v10 =	vimm.s32 $0xFEDCBA98;
	v11 =	vimm.s32 $0x32107654;
	s31 =	smax.u32 s18, $0x1;
	s22 =	sadd.s32 s12, s21;
	[dreg:$0x10] =	wrdreg s26  }
0x14: {  	v12 =	vimm.s32 $0x76543210;
	v4 =	vunpack.c.l.s4.s8 v1;
	v5 =	vunpack.c.l.s4.s8 v2;
	s23 =	sshrl.u32 s11, $0x3;
	s24 =	sadd.s32 s13, s21;
	[dreg:$0x12] =	wrdreg s31  }
0x15: {  	v1 =	vor.u32 $0x10, v0;
	v2 =	vor.u32 $0x20, v0;
	v3 =	vor.u32 $0x30, v0;
	s25 =	sadd.s32 s14, s21;
	s28 =	sadd.s32 s15, s21;
	[dreg:$0xa] =	wrdreg s22  }
0x16: {  	v8 =	vunpack.c.l.s4.s8 v8;
	v6 =	vunpack.c.0.s8.s32 v4;
	v7 =	vunpack.c.0.s8.s32 v5;
	s26 =	simm.s32 $0x1DC80;
	s15 =	simm.s32 $0x1;
	[dreg:$0xb] =	wrdreg s24  }
0x17: {  	v9 =	vunpack.c.l.s4.s8 v9;
	v10 =	vunpack.c.l.s4.s8 v10;
	v11 =	vunpack.c.l.s4.s8 v11;
	[dreg:$0xc] =	wrdreg s25;
	s3 =	sadd.s32 s12, s23;
	s5 =	sadd.s32 s13, s23  }
0x18: {  	v12 =	vunpack.c.l.s4.s8 v12;
	v6 =	vcombine.low v7, v6;
	v7 =	vimm.s32 $0xBA98FEDC;
	s0 =	sadd.s32 s14, s23;
	s12 =	simm.s32 $0x50;
	[dreg:$0xd] =	wrdreg s3  }
0x19: {  	v4 =	vor.u32 $0x40, v0;
	v5 =	vor.u32 $0x50, v0;
	v7 =	vunpack.c.l.s4.s8 v7;
	s23 =	simm.s32 $0x2;
	[dreg:$0xf] =	wrdreg s0;
	s0 =	sadd.s32 $0x4D8, s28  }
0x1a: {  	v8 =	vunpack.c.0.s8.s32 v8;
	v9 =	vunpack.c.0.s8.s32 v9;
	v10 =	vunpack.c.0.s8.s32 v10;
	s24 =	simm.s32 $0x4;
	[dreg:$0x11] =	wrdreg s0;
	s0 =	sshll.u32 @!p0 s16, $0x6  }
0x1b: {  	v11 =	vunpack.c.0.s8.s32 v11;
	v12 =	vunpack.c.0.s8.s32 v12;
	s3 =	smov.u32 s13;
	[dreg:$0xe] =	wrdreg s5;
	v13 =	vunpack.c.0.s8.s32 v7;
	s0 =	sor.u32 @!p0 $0x1C09, s0  }
0x1c: {  	v14 =	vand.u32 $0xF, v10;
	v10 =	vor.u32 $0x70, v0;
	s5 =	smov.u32 s14;
	v7 =	vcombine.low v9, v8;
	[dreg:$0x14] =	wrdreg s0;
	s0 =	sshrl.u32 @!p0 s1, $0x3  }
0x1d: {  	v8 =	vor.u32 $0x60, v0;
	s16 =	simm.s32 $0x3;
	v9 =	vcombine.low v11, v13;
	v11 =	vcombine.low v14, v12;
	[dreg:$0x15] =	wrdreg s0;
	s0 =	simm.s32 $0x13900  }
.LBB2_1:
0x1e: {  	[dreg:$0x16] =	wrdreg s4  }
0x1f: {  	s4 =	rddreg [dreg:$0x9]  }
0x20: {  	s1 =	simm.s32 @p0 $0x1FC9;
	s13 =	rddreg [dreg:$0x13]  }
0x21: {  	[spmem:s13], [sflag:s1] =	dma.local @p0 [hbm:s4], $0x1900  }
0x22: {  	s1 =	simm.s32 @p0 $0x9  }
0x23: {  	_ =	swait.ge @p0 [sflag:s1], $0x1900  }
0x24: {  	s4 =	rddreg [dreg:$0x14]  }
0x25: {  	[sflag:s1] =	ssyncset.done @p0 $0x0;
	s13 =	rddreg [dreg:$0x15]  }
0x26: {  	[sflag:s1] =	ssyncadd.s32 @p0 $0xFFFFE700;
	s1 =	rddreg [dreg:$0x8]  }
0x27: {  	[spmem:s13], [sflag:s4] =	dma.local @!p0 [hbm:s1], $0x2800  }
0x28: {  	s1 =	simm.s32 @!p0 $0x9  }
0x29: {  	_ =	swait.ge @!p0 [sflag:s1], $0x2800  }
0x2a: {  	[sflag:s1] =	ssyncset.done @!p0 $0x0  }
0x2b: {  	[sflag:s1] =	ssyncadd.s32 @!p0 $0xFFFFD800  }
0x2c: {  	s22 =	simm.s32 $0x9;
	s1 =	rddreg [dreg:$0x4]  }
0x2d: {  	[tilespmem:s26], [sflag:$0x9] =	stream.linear.gather [hbm4b:s1+s8], $0x500, $0x38;
	[tilespmem:$0x1E480] =	vst v63  }
0x2e: {  	_ =	swait.ge [sflag:s22], $0x500  }
0x2f: {  	[sflag:s22] =	ssyncset.done $0x0  }
0x30: {  	[sflag:s22] =	ssyncadd.s32 $0xFFFFFB00  }
0x31: {  	[bflag:$0x0] =	sbarrier.arrive $0xFFFF  }
0x32: {  	s25 =	rddreg [dreg:$0xa]  }
0x33: {  	[tilespmem:s29], [sflag:$0x5] =	stream.linear.gather [hbm4b:s25+s8], $0x50, $0x38;
	[tilespmem:$0x1E480] =	vst v63  }
0x34: {  	s31 =	rddreg [dreg:$0xb]  }
0x35: {  	[tilespmem:s30], [sflag:$0x5] =	stream.linear.gather [hbm4b:s31+s8], $0x50, $0x38;
	[tilespmem:$0x1E480] =	vst v63  }
0x36: {  	s13 =	simm.s32 $0x13A80;
	s4 =	rddreg [dreg:$0xc]  }
0x37: {  	[tilespmem:s13], [sflag:$0x5] =	stream.linear.gather [hbm4b:s4+s8], $0x50, $0x38;
	[tilespmem:$0x1E480] =	vst v63  }
0x38: {  	s14 =	rddreg [dreg:$0xd]  }
0x39: {  	[tilespmem:s0], [sflag:$0x6] =	stream.linear.gather [hbm4b:s14+s8], $0x50, $0x38;
	[tilespmem:$0x1E480] =	vst v63  }
0x3a: {  	s18 =	rddreg [dreg:$0xe]  }
0x3b: {  	[tilespmem:s7], [sflag:$0x6] =	stream.linear.gather [hbm4b:s18+s8], $0x50, $0x38;
	[tilespmem:$0x1E480] =	vst v63  }
0x3c: {  	s22 =	simm.s32 $0x13B00;
	s21 =	rddreg [dreg:$0xf]  }
0x3d: {  	[tilespmem:s22], [sflag:$0x6] =	stream.linear.gather [hbm4b:s21+s8], $0x50, $0x38;
	[tilespmem:$0x1E480] =	vst v63  }
0x3e: {  	_ =	swait.ge [sflag:s10], $0x50  }
0x3f: {  	[sflag:s10] =	ssyncset.done $0x0  }
0x40: {  	[sflag:s10] =	ssyncadd.s32 $0xFFFFFFB0  }
0x41: {  	_ =	swait.ge [sflag:s10], $0x50  }
0x42: {  	[sflag:s10] =	ssyncset.done $0x0  }
0x43: {  	[sflag:s10] =	ssyncadd.s32 $0xFFFFFFB0  }
0x44: {  	_ =	swait.ge [sflag:s10], $0x50  }
0x45: {  	[sflag:s10] =	ssyncset.done $0x0  }
0x46: {  	s25 =	simm.s32 $0x13C80;
	[sflag:s10] =	ssyncadd.s32 $0xFFFFFFB0  }
0x47: {  	[tilespmem:s25], [sflag:$0x1] =	stream.indirect.gather [spmem:s6], $0x80, s29, s12, $0xb8;
	[tilespmem:$0x1E480] =	vst v63  }
0x48: {  	s28 =	simm.s32 $0x0;
	s31 =	simm.s32 $0x18C80  }
0x49: {  	[tilespmem:s31], [sflag:$0x3] =	stream.indirect.gather [spmem:s6], $0x80, s30, s12, $0xb8;
	[tilespmem:$0x1E480] =	vst v63  }
.LBB2_2:
0x4a: {  	_ =	swait.ge [sflag:s15], $0x2800  }
0x4b: {  	[sflag:s15] =	ssyncset.done $0x0  }
0x4c: {  	[sflag:s15] =	ssyncadd.s32 $0xFFFFD800  }
0x4d: {  	_ =	swait.ge [sflag:s16], $0x2800  }
0x4e: {  	[sflag:s16] =	ssyncset.done $0x0  }
0x4f: {  	[sflag:s16] =	ssyncadd.s32 $0xFFFFD800  }
0x50: {  	_ =	swait.ge [sflag:s17], $0x50  }
0x51: {  	[sflag:s17] =	ssyncset.done $0x0  }
0x52: {  	[sflag:s17] =	ssyncadd.s32 $0xFFFFFFB0  }
0x53: {  	_ =	swait.ge [sflag:s17], $0x50  }
0x54: {  	[sflag:s17] =	ssyncset.done $0x0  }
0x55: {  	[sflag:s17] =	ssyncadd.s32 $0xFFFFFFB0  }
0x56: {  	_ =	swait.ge [sflag:s17], $0x50  }
0x57: {  	[sflag:s17] =	ssyncset.done $0x0  }
0x58: {  	s1 =	simm.s32 $0x16480;
	p1 =	seq.s32 s28, $0x0;
	[sflag:s17] =	ssyncadd.s32 $0xFFFFFFB0  }
0x59: {  	[tilespmem:s1], [sflag:$0x2] =	stream.indirect.gather [spmem:s6], $0x80, s0, s12, $0xb8;
	[tilespmem:$0x1E480] =	vst v63  }
0x5a: {  	s25 =	simm.s32 $0x1B480;
	s1 =	simm.s32 @!p1 $0x7  }
0x5b: {  	[tilespmem:s25], [sflag:$0x4] =	stream.indirect.gather [spmem:s6], $0x80, s7, s12, $0xb8;
	[tilespmem:$0x1E480] =	vst v63  }
0x5c: {  	_ =	swait.ge @!p1 [sflag:s1], $0x50  }
0x5d: {  	s4 =	simm.s32 $0x0;
	s18 =	simm.s32 $0x13CC0;
	[sflag:s1] =	ssyncset.done @!p1 $0x0  }
0x5e: {  	s21 =	simm.s32 $0x18CC0;
	s31 =	simm.s32 $0x0;
	[sflag:s1] =	ssyncadd.s32 @!p1 $0xFFFFFFB0  }
.LBB2_3:
0x5f: {  	s25 =	sshll.u32 s31, $0x4  }
0x60: {  	v15 =	vld [tilespmem:s25+$0x13A80];
	_ =	sdelay $0x1  }
0x61: {  	v17 =	vld [tilespmem:s18+$0x20]  }
0x62: {  	v13 =	vld [tilespmem:s18+$0x10]  }
0x63: {  	v12 =	vmov s4;
	v16 =	vld [tilespmem:s18+$0x0]  }
0x64: {  	v18 =	vld [tilespmem:s18+$0xFFFFFFF0];
	v14 =	vperm.xlane v15, v12  }
0x65: {  	v19 =	vld [tilespmem:s18+$0xFFFFFFE0]  }
0x66: {  	v21 =	vld [tilespmem:s21+$0xFFFFFFE0];
	v14 =	vshll.u32 v14, $0x7  }
0x67: {  	v22 =	vld [tilespmem:s18+$0xFFFFFFC0];
	v20 =	vor.u32 v0, v14  }
0x68: {  	v24 =	vld [tilespmem:s21+$0xFFFFFFC0];
	v23 =	vor.u32 v1, v14  }
0x69: {  	v25 =	vld [tilespmem:s18+$0xFFFFFFD0]  }
0x6a: {  	v27 =	vld [tilespmem:s21+$0xFFFFFFD0];
	v26 =	vor.u32 v2, v14  }
0x6b: {  	v29 =	vld [tilespmem:s21+$0xFFFFFFF0]  }
0x6c: {  	v28 =	vor.u32 v3, v14;
	v20 =	vld.idx.msk [tilespmem:v20+s26+$0x0], $0xffff  }
0x6d: {  	v30 =	vor.u32 v4, v14;
	v23 =	vld.idx.msk [tilespmem:v23+s26+$0x0], $0xffff  }
0x6e: {  	v31 =	vld [tilespmem:s21+$0x0]  }
0x6f: {  	v32 =	vor.u32 v5, v14;
	v26 =	vld.idx.msk [tilespmem:v26+s26+$0x0], $0xffff  }
0x70: {  	v22 =	vmul.f32 v24, v22;
	v25 =	vmul.f32 v27, v25;
	v27 =	vld [tilespmem:s21+$0x10]  }
0x71: {  	v19 =	vmul.f32 v21, v19;
	v63 =	vor.u32 v8, v14;
	v24 =	vld.idx.msk [tilespmem:v28+s26+$0x0], $0xffff  }
0x72: {  	v30 =	vld.idx.msk [tilespmem:v30+s26+$0x0], $0xffff;
	v20 =	vmul.f32 v20, v22;
	v21 =	vmul.f32 v23, v25  }
0x73: {  	v14 =	vor.u32 v10, v14;
	v23 =	vld [tilespmem:s21+$0x20]  }
0x74: {  	v25 =	vld.idx.msk [tilespmem:v32+s26+$0x0], $0xffff;
	v22 =	vmul.f32 v29, v18;
	v19 =	vmul.f32 v26, v19;
	v20 =	vadd.f32 v21, v20  }
0x75: {  	v18 =	vld [tilespmem:s18+$0x30]  }
0x76: {  	v16 =	vmul.f32 v31, v16;
	v21 =	vld.idx.msk [tilespmem:v63+s26+$0x0], $0xffff;
	v24 =	vmul.f32 v24, v22;
	v19 =	vadd.f32 v19, v20  }
0x77: {  	v22 =	vld [tilespmem:s21+$0x30]  }
0x78: {  	s13 =	sadd.s32 $0x80, s18;
	v26 =	vmul.f32 v27, v13;
	v20 =	vld.idx.msk [tilespmem:v14+s26+$0x0], $0xffff;
	v19 =	vadd.f32 v24, v19;
	v24 =	vmul.f32 v30, v16  }
0x79: {  	s1 =	simm.s32 $0x1;
	v23 =	vmul.f32 v23, v17;
	v17 =	vld [tilespmem:s13+$0x10]  }
0x7a: {  	v14 =	vmov s1;
	v25 =	vmul.f32 v25, v26;
	v16 =	vld [tilespmem:s13+$0x20];
	v24 =	vadd.f32 v24, v19  }
0x7b: {  	s22 =	simm.s32 $0x2;
	s14 =	smov.u32 s21;
	v13 =	vimm.f32 $0.0e+00;
	v26 =	vperm.xlane v15, v14;
	v19 =	vld [tilespmem:s13+$0x0]  }
.LBB2_4:
0x7c: {  	p2 =	sne.s32 s22, $0xF;
	v27 =	vld [tilespmem:s13+$0xFFFFFFF0];
	v24 =	vadd.f32 v25, v24;
	v21 =	vmul.f32 v21, v23;
	v18 =	vmul.f32 v22, v18  }
0x7d: {  	s14 =	sadd.s32 $0x80, s14;
	v22 =	vshll.u32 v26, $0x7;
	v23 =	vld [tilespmem:s13+$0xFFFFFFE0]  }
0x7e: {  	v25 =	vor.u32 v0, v22;
	v26 =	vld [tilespmem:s14+$0xFFFFFFE0];
	v21 =	vadd.f32 v21, v24;
	v18 =	vmul.f32 v20, v18  }
0x7f: {  	v24 =	vor.u32 v1, v22;
	v20 =	vld [tilespmem:s13+$0xFFFFFFC0]  }
0x80: {  	v28 =	vld [tilespmem:s14+$0xFFFFFFC0];
	v18 =	vadd.f32 v18, v21  }
0x81: {  	v29 =	vor.u32 v2, v22;
	v21 =	vld [tilespmem:s13+$0xFFFFFFD0]  }
0x82: {  	v30 =	vld [tilespmem:s14+$0xFFFFFFD0];
	v31 =	vperm.xlane v18, v6  }
0x83: {  	v32 =	vor.u32 v3, v22;
	v25 =	vld.idx.msk [tilespmem:v25+s26+$0x0], $0xffff  }
0x84: {  	v24 =	vld.idx.msk [tilespmem:v24+s26+$0x0], $0xffff;
	v18 =	vadd.f32 v18, v31  }
0x85: {  	v33 =	vor.u32 v4, v22;
	v31 =	vld [tilespmem:s14+$0xFFFFFFF0]  }
0x86: {  	v29 =	vld.idx.msk [tilespmem:v29+s26+$0x0], $0xffff;
	v34 =	vperm.xlane v18, v7  }
0x87: {  	v35 =	vor.u32 v5, v22;
	v20 =	vmul.f32 v28, v20;
	v28 =	vld [tilespmem:s14+$0x0]  }
0x88: {  	v21 =	vmul.f32 v30, v21;
	v30 =	vld.idx.msk [tilespmem:v32+s26+$0x0], $0xffff;
	v18 =	vadd.f32 v18, v34  }
0x89: {  	v23 =	vmul.f32 v26, v23;
	v26 =	vor.u32 v8, v22;
	v20 =	vmul.f32 v25, v20;
	v25 =	vld [tilespmem:s14+$0x10]  }
0x8a: {  	v21 =	vmul.f32 v24, v21;
	v24 =	vld.idx.msk [tilespmem:v33+s26+$0x0], $0xffff;
	v32 =	vperm.xlane v18, v9  }
0x8b: {  	v27 =	vmul.f32 v31, v27;
	v33 =	vor.u32 v10, v22;
	v31 =	vld [tilespmem:s14+$0x20]  }
0x8c: {  	v20 =	vadd.f32 v21, v20;
	v21 =	vmul.f32 v29, v23;
	v29 =	vld.idx.msk [tilespmem:v35+s26+$0x0], $0xffff;
	v23 =	vadd.f32 v18, v32  }
0x8d: {  	v19 =	vmul.f32 v28, v19;
	v18 =	vld [tilespmem:s13+$0x30]  }
0x8e: {  	v20 =	vadd.f32 v21, v20;
	v27 =	vmul.f32 v30, v27;
	v21 =	vld.idx.msk [tilespmem:v26+s26+$0x0], $0xffff;
	v26 =	vperm.xlane v23, v11  }
.Ltmp0:
0x8f: {  	v25 =	vmul.f32 v25, v17;
	v22 =	vld [tilespmem:s14+$0x30];
	(pc) =	sbr.rel @p2 .LBB2_4-.Ltmp0, $4  }
0x90: {  	s13 =	sadd.s32 $0x80, s13;
	v27 =	vadd.f32 v27, v20;
	v19 =	vmul.f32 v24, v19;
	v20 =	vld.idx.msk [tilespmem:v33+s26+$0x0], $0xffff;
	v26 =	vadd.f32 v23, v26  }
0x91: {  	vm0 =	veq.s32 v12, v0;
	v12 =	vmovc v14;
	v14 =	vmov s22;
	v23 =	vmul.f32 v31, v16;
	v16 =	vld [tilespmem:s13+$0x20]  }
0x92: {  	v24 =	vadd.f32 v19, v27;
	v25 =	vmul.f32 v29, v25;
	v17 =	vld [tilespmem:s13+$0x10];
	v13 =	vsel vm0, v26, v13  }
0x93: {  	s22 =	sadd.s32 $0x1, s22;
	v26 =	vperm.xlane v15, v14;
	v19 =	vld [tilespmem:s13+$0x0]  }
0x94: {  	v15 =	vld [tilespmem:s13+$0xFFFFFFF0]  }
0x95: {  	v27 =	vld [tilespmem:s13+$0xFFFFFFE0]  }
0x96: {  	v30 =	vld [tilespmem:s13+$0xFFFFFFC0];
	v26 =	vshll.u32 v26, $0x7  }
0x97: {  	v33 =	vld [tilespmem:s13+$0xFFFFFFD0];
	v28 =	vor.u32 v0, v26  }
0x98: {  	s1 =	sadd.s32 $0x80, s14;
	v54 =	vld [tilespmem:s13+$0x30];
	v31 =	vor.u32 v1, v26  }
0x99: {  	v29 =	vld [tilespmem:s1+$0xFFFFFFE0]  }
0x9a: {  	v32 =	vld [tilespmem:s1+$0xFFFFFFC0];
	v34 =	vor.u32 v2, v26  }
0x9b: {  	v35 =	vld [tilespmem:s1+$0xFFFFFFD0]  }
0x9c: {  	v36 =	vor.u32 v3, v26;
	v28 =	vld.idx.msk [tilespmem:v28+s26+$0x0], $0xffff  }
0x9d: {  	v31 =	vld.idx.msk [tilespmem:v31+s26+$0x0], $0xffff  }
0x9e: {  	v37 =	vld [tilespmem:s1+$0xFFFFFFF0];
	v38 =	vor.u32 v4, v26  }
0x9f: {  	v34 =	vld.idx.msk [tilespmem:v34+s26+$0x0], $0xffff  }
0xa0: {  	v46 =	vld [tilespmem:s1+$0x0];
	v39 =	vor.u32 v5, v26;
	v30 =	vmul.f32 v32, v30;
	v33 =	vmul.f32 v35, v33  }
0xa1: {  	v27 =	vmul.f32 v29, v27;
	v47 =	vld.idx.msk [tilespmem:v36+s26+$0x0], $0xffff  }
0xa2: {  	v48 =	vld [tilespmem:s1+$0x10];
	v49 =	vor.u32 v8, v26;
	v28 =	vmul.f32 v28, v30;
	v50 =	vmul.f32 v31, v33  }
0xa3: {  	v26 =	vor.u32 v10, v26;
	v51 =	vld.idx.msk [tilespmem:v38+s26+$0x0], $0xffff  }
0xa4: {  	v52 =	vld [tilespmem:s1+$0x20];
	v15 =	vmul.f32 v37, v15;
	v27 =	vmul.f32 v34, v27;
	v28 =	vadd.f32 v50, v28  }
0xa5: {  	v53 =	vld.idx.msk [tilespmem:v39+s26+$0x0], $0xffff  }
0xa6: {  	v56 =	vld [tilespmem:s1+$0x30];
	v19 =	vmul.f32 v46, v19;
	v15 =	vmul.f32 v47, v15;
	v27 =	vadd.f32 v27, v28  }
0xa7: {  	v55 =	vld.idx.msk [tilespmem:v49+s26+$0x0], $0xffff  }
0xa8: {  	v17 =	vmul.f32 v48, v17;
	v19 =	vmul.f32 v51, v19;
	v15 =	vadd.f32 v15, v27  }
0xa9: {  	v26 =	vld.idx.msk [tilespmem:v26+s26+$0x0], $0xffff  }
0xaa: {  	v16 =	vmul.f32 v52, v16;
	v17 =	vmul.f32 v53, v17;
	v15 =	vadd.f32 v19, v15  }
0xab: {  	v57 =	vadd.f32 v25, v24;
	v21 =	vmul.f32 v21, v23;
	v18 =	vmul.f32 v22, v18  }
0xac: {  	v58 =	vmul.f32 v56, v54;
	v16 =	vmul.f32 v55, v16;
	v15 =	vadd.f32 v17, v15  }
0xad: {  	v18 =	vmul.f32 v20, v18;
	v19 =	vadd.f32 v21, v57  }
0xae: {  	v59 =	vmul.f32 v26, v58;
	v15 =	vadd.f32 v16, v15  }
0xaf: {  	v60 =	vadd.f32 v18, v19  }
0xb0: {  	v15 =	vadd.f32 v59, v15  }
0xb1: {  	v61 =	vperm.xlane v60, v6  }
0xb2: {  	v62 =	vperm.xlane v15, v6  }
0xb3: {  	v16 =	vadd.f32 v60, v61  }
0xb4: {  	v15 =	vadd.f32 v15, v62  }
0xb5: {  	v17 =	vperm.xlane v16, v7  }
0xb6: {  	v18 =	vperm.xlane v15, v7  }
0xb7: {  	v16 =	vadd.f32 v16, v17  }
0xb8: {  	v15 =	vadd.f32 v15, v18  }
0xb9: {  	v17 =	vperm.xlane v16, v9  }
0xba: {  	v18 =	vperm.xlane v15, v9  }
0xbb: {  	v16 =	vadd.f32 v16, v17  }
0xbc: {  	v15 =	vadd.f32 v15, v18  }
0xbd: {  	v17 =	vperm.xlane v16, v11  }
0xbe: {  	v18 =	vperm.xlane v15, v11  }
0xbf: {  	v16 =	vadd.f32 v16, v17  }
0xc0: {  	vm0 =	veq.s32 v12, v0;
	v63 =	vadd.f32 v15, v18  }
0xc1: {  	vm15 =	veq.s32 v14, v0;
	v13 =	vsel vm0, v16, v13  }
0xc2: {  	v12 =	vsel vm15, v63, v13  }
0xc3: {  	v12 =	vsub.f32 $0.0e+00, v12;
	_ =	sdelay $0x1  }
0xc4: {  	v12 =	vmul.f32 $1.442695020e+00, v12;
	_ =	sdelay $0x1  }
0xc5: {  	(erf) = vpow2.f32 v12;
	_ =	sdelay $0x8  }
0xc6: {  	v12 =	vpop (erf)  }
0xc7: {  	v12 =	vadd.f32 $1.000000000e+00, v12;
	_ =	sdelay $0x1  }
0xc8: {  	(erf) = vrcp.f32 v12;
	_ =	sdelay $0x3  }
0xc9: {  	s31 =	sadd.s32 $0x1, s31  }
0xca: {  	p2 =	sne.s32 s31, $0x5  }
.Ltmp1:
0xcb: {  	_ = 	snop;
	(pc) =	sbr.rel @p2 .LBB2_3-.Ltmp1, $3  }
0xcc: {  	_ =	sdelay $0x1  }
0xcd: {  	v12 =	vpop (erf)  }
0xce: {  	s18 =	sadd.s32 $0x800, s18;
	s21 =	sadd.s32 $0x800, s21;
	[tilespmem:s25+$0x13B80] =	vst v12  }
0xcf: {  	s4 =	smul.u32 $0xA0, s28;
	_ =	sdelay $0x1  }
0xd0: {  	s1 =	sadd.s32 s9, s4  }
0xd1: {  	s1 =	sshrl.u32 s1, $0x3  }
0xd2: {  	s13 =	simm.s32 $0x13B80;
	s14 =	sadd.s32 s4, s19;
	s1 =	sadd.s32 s20, s1  }
0xd3: {  	[hbm4b:s1+s8] =	stream.linear.scatter [tilespmem:s13], [sflag:$0x7], $0x50, $0x38;
	[tilespmem:$0x1E480] =	vst v63  }
0xd4: {  	s1 =	sshrl.u32 s14, $0x3  }
0xd5: {  	s18 =	sadd.s32 s2, s1  }
0xd6: {  	[tilespmem:s29], [sflag:$0x5] =	stream.linear.gather [hbm4b:s18+s8], $0x50, $0x38;
	[tilespmem:$0x1E480] =	vst v63  }
0xd7: {  	s21 =	sadd.s32 s3, s1  }
0xd8: {  	[tilespmem:s30], [sflag:$0x5] =	stream.linear.gather [hbm4b:s21+s8], $0x50, $0x38;
	[tilespmem:$0x1E480] =	vst v63  }
0xd9: {  	s22 =	simm.s32 $0x13A80;
	s1 =	sadd.s32 s5, s1  }
0xda: {  	[tilespmem:s22], [sflag:$0x5] =	stream.linear.gather [hbm4b:s1+s8], $0x50, $0x38;
	[tilespmem:$0x1E480] =	vst v63  }
0xdb: {  	_ =	swait.ge [sflag:s23], $0x2800  }
0xdc: {  	[sflag:s23] =	ssyncset.done $0x0  }
0xdd: {  	[sflag:s23] =	ssyncadd.s32 $0xFFFFD800  }
0xde: {  	_ =	swait.ge [sflag:s24], $0x2800  }
0xdf: {  	[sflag:s24] =	ssyncset.done $0x0  }
0xe0: {  	[sflag:s24] =	ssyncadd.s32 $0xFFFFD800  }
0xe1: {  	_ =	swait.ge [sflag:s10], $0x50  }
0xe2: {  	[sflag:s10] =	ssyncset.done $0x0  }
0xe3: {  	[sflag:s10] =	ssyncadd.s32 $0xFFFFFFB0  }
0xe4: {  	_ =	swait.ge [sflag:s10], $0x50  }
0xe5: {  	[sflag:s10] =	ssyncset.done $0x0  }
0xe6: {  	[sflag:s10] =	ssyncadd.s32 $0xFFFFFFB0  }
0xe7: {  	_ =	swait.ge [sflag:s10], $0x50  }
0xe8: {  	[sflag:s10] =	ssyncset.done $0x0  }
0xe9: {  	s25 =	simm.s32 $0x13C80;
	[sflag:s10] =	ssyncadd.s32 $0xFFFFFFB0  }
0xea: {  	[tilespmem:s25], [sflag:$0x1] =	stream.indirect.gather [spmem:s6], $0x80, s29, s12, $0xb8;
	[tilespmem:$0x1E480] =	vst v63  }
0xeb: {  	s31 =	simm.s32 $0x18C80;
	s1 =	simm.s32 @!p1 $0x8  }
0xec: {  	[tilespmem:s31], [sflag:$0x3] =	stream.indirect.gather [spmem:s6], $0x80, s30, s12, $0xb8;
	[tilespmem:$0x1E480] =	vst v63  }
0xed: {  	_ =	swait.ge @!p1 [sflag:s1], $0x50  }
0xee: {  	s18 =	simm.s32 $0x0;
	s21 =	simm.s32 $0x164F0;
	[sflag:s1] =	ssyncset.done @!p1 $0x0  }
0xef: {  	s22 =	simm.s32 $0x1B4F0;
	s25 =	simm.s32 $0x0;
	[sflag:s1] =	ssyncadd.s32 @!p1 $0xFFFFFFB0  }
.LBB2_7:
0xf0: {  	s13 =	sshll.u32 s25, $0x4  }
0xf1: {  	v15 =	vld [tilespmem:s13+$0x13B00];
	_ =	sdelay $0x1  }
0xf2: {  	v17 =	vld [tilespmem:s21+$0xFFFFFFF0]  }
0xf3: {  	v13 =	vld [tilespmem:s21+$0xFFFFFFE0]  }
0xf4: {  	v12 =	vmov s18;
	v16 =	vld [tilespmem:s21+$0xFFFFFFD0]  }
0xf5: {  	v18 =	vld [tilespmem:s21+$0xFFFFFFC0];
	v14 =	vperm.xlane v15, v12  }
0xf6: {  	v19 =	vld [tilespmem:s21+$0xFFFFFFB0]  }
0xf7: {  	v21 =	vld [tilespmem:s22+$0xFFFFFFB0];
	v14 =	vshll.u32 v14, $0x7  }
0xf8: {  	v22 =	vld [tilespmem:s21+$0xFFFFFF90];
	v20 =	vor.u32 v0, v14  }
0xf9: {  	v24 =	vld [tilespmem:s22+$0xFFFFFF90];
	v23 =	vor.u32 v1, v14  }
0xfa: {  	v25 =	vld [tilespmem:s21+$0xFFFFFFA0]  }
0xfb: {  	v27 =	vld [tilespmem:s22+$0xFFFFFFA0];
	v26 =	vor.u32 v2, v14  }
0xfc: {  	v29 =	vld [tilespmem:s22+$0xFFFFFFC0]  }
0xfd: {  	v28 =	vor.u32 v3, v14;
	v20 =	vld.idx.msk [tilespmem:v20+s26+$0x0], $0xffff  }
0xfe: {  	v30 =	vor.u32 v4, v14;
	v23 =	vld.idx.msk [tilespmem:v23+s26+$0x0], $0xffff  }
0xff: {  	v31 =	vld [tilespmem:s22+$0xFFFFFFD0]  }
0x100: {  	v32 =	vor.u32 v5, v14;
	v26 =	vld.idx.msk [tilespmem:v26+s26+$0x0], $0xffff  }
0x101: {  	v22 =	vmul.f32 v24, v22;
	v25 =	vmul.f32 v27, v25;
	v27 =	vld [tilespmem:s22+$0xFFFFFFE0]  }
0x102: {  	v19 =	vmul.f32 v21, v19;
	v63 =	vor.u32 v8, v14;
	v24 =	vld.idx.msk [tilespmem:v28+s26+$0x0], $0xffff  }
0x103: {  	v30 =	vld.idx.msk [tilespmem:v30+s26+$0x0], $0xffff;
	v20 =	vmul.f32 v20, v22;
	v21 =	vmul.f32 v23, v25  }
0x104: {  	v14 =	vor.u32 v10, v14;
	v23 =	vld [tilespmem:s22+$0xFFFFFFF0]  }
0x105: {  	v25 =	vld.idx.msk [tilespmem:v32+s26+$0x0], $0xffff;
	v22 =	vmul.f32 v29, v18;
	v19 =	vmul.f32 v26, v19;
	v20 =	vadd.f32 v21, v20  }
0x106: {  	v18 =	vld [tilespmem:s21+$0x0]  }
0x107: {  	v16 =	vmul.f32 v31, v16;
	v21 =	vld.idx.msk [tilespmem:v63+s26+$0x0], $0xffff;
	v24 =	vmul.f32 v24, v22;
	v19 =	vadd.f32 v19, v20  }
0x108: {  	v22 =	vld [tilespmem:s22+$0x0]  }
0x109: {  	s14 =	sadd.s32 $0x80, s21;
	v26 =	vmul.f32 v27, v13;
	v20 =	vld.idx.msk [tilespmem:v14+s26+$0x0], $0xffff;
	v19 =	vadd.f32 v24, v19;
	v24 =	vmul.f32 v30, v16  }
0x10a: {  	s1 =	simm.s32 $0x1;
	v23 =	vmul.f32 v23, v17;
	v17 =	vld [tilespmem:s14+$0xFFFFFFE0]  }
0x10b: {  	v14 =	vmov s1;
	v25 =	vmul.f32 v25, v26;
	v16 =	vld [tilespmem:s14+$0xFFFFFFF0];
	v24 =	vadd.f32 v24, v19  }
0x10c: {  	s31 =	smov.u32 s22;
	v13 =	vimm.f32 $0.0e+00;
	s1 =	simm.s32 $0x2;
	v26 =	vperm.xlane v15, v14;
	v19 =	vld [tilespmem:s14+$0xFFFFFFD0]  }
.LBB2_8:
0x10d: {  	p1 =	sne.s32 s1, $0xF;
	v27 =	vld [tilespmem:s14+$0xFFFFFFC0];
	v24 =	vadd.f32 v25, v24;
	v21 =	vmul.f32 v21, v23;
	v18 =	vmul.f32 v22, v18  }
0x10e: {  	s31 =	sadd.s32 $0x80, s31;
	v22 =	vshll.u32 v26, $0x7;
	v23 =	vld [tilespmem:s14+$0xFFFFFFB0]  }
0x10f: {  	v25 =	vor.u32 v0, v22;
	v26 =	vld [tilespmem:s31+$0xFFFFFFB0];
	v21 =	vadd.f32 v21, v24;
	v18 =	vmul.f32 v20, v18  }
0x110: {  	v24 =	vor.u32 v1, v22;
	v20 =	vld [tilespmem:s14+$0xFFFFFF90]  }
0x111: {  	v28 =	vld [tilespmem:s31+$0xFFFFFF90];
	v18 =	vadd.f32 v18, v21  }
0x112: {  	v29 =	vor.u32 v2, v22;
	v21 =	vld [tilespmem:s14+$0xFFFFFFA0]  }
0x113: {  	v30 =	vld [tilespmem:s31+$0xFFFFFFA0];
	v31 =	vperm.xlane v18, v6  }
0x114: {  	v32 =	vor.u32 v3, v22;
	v25 =	vld.idx.msk [tilespmem:v25+s26+$0x0], $0xffff  }
0x115: {  	v24 =	vld.idx.msk [tilespmem:v24+s26+$0x0], $0xffff;
	v18 =	vadd.f32 v18, v31  }
0x116: {  	v33 =	vor.u32 v4, v22;
	v31 =	vld [tilespmem:s31+$0xFFFFFFC0]  }
0x117: {  	v29 =	vld.idx.msk [tilespmem:v29+s26+$0x0], $0xffff;
	v34 =	vperm.xlane v18, v7  }
0x118: {  	v35 =	vor.u32 v5, v22;
	v20 =	vmul.f32 v28, v20;
	v28 =	vld [tilespmem:s31+$0xFFFFFFD0]  }
0x119: {  	v21 =	vmul.f32 v30, v21;
	v30 =	vld.idx.msk [tilespmem:v32+s26+$0x0], $0xffff;
	v18 =	vadd.f32 v18, v34  }
0x11a: {  	v23 =	vmul.f32 v26, v23;
	v26 =	vor.u32 v8, v22;
	v20 =	vmul.f32 v25, v20;
	v25 =	vld [tilespmem:s31+$0xFFFFFFE0]  }
0x11b: {  	v21 =	vmul.f32 v24, v21;
	v24 =	vld.idx.msk [tilespmem:v33+s26+$0x0], $0xffff;
	v32 =	vperm.xlane v18, v9  }
0x11c: {  	v27 =	vmul.f32 v31, v27;
	v33 =	vor.u32 v10, v22;
	v31 =	vld [tilespmem:s31+$0xFFFFFFF0]  }
0x11d: {  	v20 =	vadd.f32 v21, v20;
	v21 =	vmul.f32 v29, v23;
	v29 =	vld.idx.msk [tilespmem:v35+s26+$0x0], $0xffff;
	v23 =	vadd.f32 v18, v32  }
0x11e: {  	v19 =	vmul.f32 v28, v19;
	v18 =	vld [tilespmem:s14+$0x0]  }
0x11f: {  	v20 =	vadd.f32 v21, v20;
	v27 =	vmul.f32 v30, v27;
	v21 =	vld.idx.msk [tilespmem:v26+s26+$0x0], $0xffff;
	v26 =	vperm.xlane v23, v11  }
.Ltmp2:
0x120: {  	v25 =	vmul.f32 v25, v17;
	v22 =	vld [tilespmem:s31+$0x0];
	(pc) =	sbr.rel @p1 .LBB2_8-.Ltmp2, $4  }
0x121: {  	s14 =	sadd.s32 $0x80, s14;
	v27 =	vadd.f32 v27, v20;
	v19 =	vmul.f32 v24, v19;
	v20 =	vld.idx.msk [tilespmem:v33+s26+$0x0], $0xffff;
	v26 =	vadd.f32 v23, v26  }
0x122: {  	vm0 =	veq.s32 v12, v0;
	v12 =	vmovc v14;
	v14 =	vmov s1;
	v23 =	vmul.f32 v31, v16;
	v16 =	vld [tilespmem:s14+$0xFFFFFFF0]  }
0x123: {  	v24 =	vadd.f32 v19, v27;
	v25 =	vmul.f32 v29, v25;
	v17 =	vld [tilespmem:s14+$0xFFFFFFE0];
	v13 =	vsel vm0, v26, v13  }
0x124: {  	s1 =	sadd.s32 $0x1, s1;
	v26 =	vperm.xlane v15, v14;
	v19 =	vld [tilespmem:s14+$0xFFFFFFD0]  }
0x125: {  	v15 =	vld [tilespmem:s14+$0xFFFFFFC0]  }
0x126: {  	v27 =	vld [tilespmem:s14+$0xFFFFFFB0]  }
0x127: {  	v30 =	vld [tilespmem:s14+$0xFFFFFF90];
	v26 =	vshll.u32 v26, $0x7  }
0x128: {  	v33 =	vld [tilespmem:s14+$0xFFFFFFA0];
	v28 =	vor.u32 v0, v26  }
0x129: {  	s1 =	sadd.s32 $0x80, s31;
	v54 =	vld [tilespmem:s14+$0x0];
	v31 =	vor.u32 v1, v26  }
0x12a: {  	v29 =	vld [tilespmem:s1+$0xFFFFFFB0]  }
0x12b: {  	v32 =	vld [tilespmem:s1+$0xFFFFFF90];
	v34 =	vor.u32 v2, v26  }
0x12c: {  	v35 =	vld [tilespmem:s1+$0xFFFFFFA0]  }
0x12d: {  	v36 =	vor.u32 v3, v26;
	v28 =	vld.idx.msk [tilespmem:v28+s26+$0x0], $0xffff  }
0x12e: {  	v31 =	vld.idx.msk [tilespmem:v31+s26+$0x0], $0xffff  }
0x12f: {  	v37 =	vld [tilespmem:s1+$0xFFFFFFC0];
	v38 =	vor.u32 v4, v26  }
0x130: {  	v34 =	vld.idx.msk [tilespmem:v34+s26+$0x0], $0xffff  }
0x131: {  	v46 =	vld [tilespmem:s1+$0xFFFFFFD0];
	v39 =	vor.u32 v5, v26;
	v30 =	vmul.f32 v32, v30;
	v33 =	vmul.f32 v35, v33  }
0x132: {  	v27 =	vmul.f32 v29, v27;
	v47 =	vld.idx.msk [tilespmem:v36+s26+$0x0], $0xffff  }
0x133: {  	v48 =	vld [tilespmem:s1+$0xFFFFFFE0];
	v49 =	vor.u32 v8, v26;
	v28 =	vmul.f32 v28, v30;
	v50 =	vmul.f32 v31, v33  }
0x134: {  	v26 =	vor.u32 v10, v26;
	v51 =	vld.idx.msk [tilespmem:v38+s26+$0x0], $0xffff  }
0x135: {  	v52 =	vld [tilespmem:s1+$0xFFFFFFF0];
	v15 =	vmul.f32 v37, v15;
	v27 =	vmul.f32 v34, v27;
	v28 =	vadd.f32 v50, v28  }
0x136: {  	v53 =	vld.idx.msk [tilespmem:v39+s26+$0x0], $0xffff  }
0x137: {  	v56 =	vld [tilespmem:s1+$0x0];
	v19 =	vmul.f32 v46, v19;
	v15 =	vmul.f32 v47, v15;
	v27 =	vadd.f32 v27, v28  }
0x138: {  	v55 =	vld.idx.msk [tilespmem:v49+s26+$0x0], $0xffff  }
0x139: {  	v17 =	vmul.f32 v48, v17;
	v19 =	vmul.f32 v51, v19;
	v15 =	vadd.f32 v15, v27  }
0x13a: {  	v26 =	vld.idx.msk [tilespmem:v26+s26+$0x0], $0xffff  }
0x13b: {  	v16 =	vmul.f32 v52, v16;
	v17 =	vmul.f32 v53, v17;
	v15 =	vadd.f32 v19, v15  }
0x13c: {  	v57 =	vadd.f32 v25, v24;
	v21 =	vmul.f32 v21, v23;
	v18 =	vmul.f32 v22, v18  }
0x13d: {  	v58 =	vmul.f32 v56, v54;
	v16 =	vmul.f32 v55, v16;
	v15 =	vadd.f32 v17, v15  }
0x13e: {  	v18 =	vmul.f32 v20, v18;
	v19 =	vadd.f32 v21, v57  }
0x13f: {  	v59 =	vmul.f32 v26, v58;
	v15 =	vadd.f32 v16, v15  }
0x140: {  	v60 =	vadd.f32 v18, v19  }
0x141: {  	v15 =	vadd.f32 v59, v15  }
0x142: {  	v61 =	vperm.xlane v60, v6  }
0x143: {  	v62 =	vperm.xlane v15, v6  }
0x144: {  	v16 =	vadd.f32 v60, v61  }
0x145: {  	v15 =	vadd.f32 v15, v62  }
0x146: {  	v17 =	vperm.xlane v16, v7  }
0x147: {  	v18 =	vperm.xlane v15, v7  }
0x148: {  	v16 =	vadd.f32 v16, v17  }
0x149: {  	v15 =	vadd.f32 v15, v18  }
0x14a: {  	v17 =	vperm.xlane v16, v9  }
0x14b: {  	v18 =	vperm.xlane v15, v9  }
0x14c: {  	v16 =	vadd.f32 v16, v17  }
0x14d: {  	v15 =	vadd.f32 v15, v18  }
0x14e: {  	v17 =	vperm.xlane v16, v11  }
0x14f: {  	v18 =	vperm.xlane v15, v11  }
0x150: {  	v16 =	vadd.f32 v16, v17  }
0x151: {  	vm0 =	veq.s32 v12, v0;
	v63 =	vadd.f32 v15, v18  }
0x152: {  	vm15 =	veq.s32 v14, v0;
	v13 =	vsel vm0, v16, v13  }
0x153: {  	v12 =	vsel vm15, v63, v13  }
0x154: {  	v12 =	vsub.f32 $0.0e+00, v12;
	_ =	sdelay $0x1  }
0x155: {  	v12 =	vmul.f32 $1.442695020e+00, v12;
	_ =	sdelay $0x1  }
0x156: {  	(erf) = vpow2.f32 v12;
	_ =	sdelay $0x8  }
0x157: {  	v12 =	vpop (erf)  }
0x158: {  	v12 =	vadd.f32 $1.000000000e+00, v12;
	_ =	sdelay $0x1  }
0x159: {  	(erf) = vrcp.f32 v12;
	_ =	sdelay $0x3  }
0x15a: {  	s25 =	sadd.s32 $0x1, s25  }
0x15b: {  	p1 =	sne.s32 s25, $0x5  }
.Ltmp3:
0x15c: {  	_ = 	snop;
	(pc) =	sbr.rel @p1 .LBB2_7-.Ltmp3, $3  }
0x15d: {  	_ =	sdelay $0x1  }
0x15e: {  	v12 =	vpop (erf)  }
0x15f: {  	s21 =	sadd.s32 $0x800, s21;
	s22 =	sadd.s32 $0x800, s22;
	[tilespmem:s13+$0x13C00] =	vst v12  }
0x160: {  	p1 =	seq.s32 s28, $0x3D  }
.Ltmp4:
0x161: {  	_ = 	snop;
	(pc) =	sbr.rel @p1 .LBB2_12-.Ltmp4, $4  }
0x162: {  	s1 =	sadd.s32 s4, s11  }
0x163: {  	s1 =	sshrl.u32 s1, $0x3  }
0x164: {  	s13 =	simm.s32 $0x13C00;
	s1 =	sadd.s32 s20, s1  }
0x165: {  	[hbm4b:s1+s8] =	stream.linear.scatter [tilespmem:s13], [sflag:$0x8], $0x50, $0x38;
	[tilespmem:$0x1E480] =	vst v63  }
0x166: {  	s1 =	rddreg [dreg:$0x10]  }
0x167: {  	s1 =	sadd.s32 s4, s1  }
0x168: {  	s1 =	sshrl.u32 s1, $0x3  }
0x169: {  	s22 =	sadd.s32 s2, s1  }
0x16a: {  	[tilespmem:s0], [sflag:$0x6] =	stream.linear.gather [hbm4b:s22+s8], $0x50, $0x38;
	[tilespmem:$0x1E480] =	vst v63  }
.Ltmp5:
0x16b: {  	_ = 	snop;
	(pc) =	sbr.rel .LBB2_2-.Ltmp5, $4  }
0x16c: {  	s25 =	sadd.s32 s3, s1  }
0x16d: {  	[tilespmem:s7], [sflag:$0x6] =	stream.linear.gather [hbm4b:s25+s8], $0x50, $0x38;
	[tilespmem:$0x1E480] =	vst v63  }
0x16e: {  	s31 =	simm.s32 $0x13B00;
	s28 =	sadd.s32 $0x1, s28;
	s1 =	sadd.s32 s5, s1  }
0x16f: {  	[tilespmem:s31], [sflag:$0x6] =	stream.linear.gather [hbm4b:s1+s8], $0x50, $0x38;
	[tilespmem:$0x1E480] =	vst v63  }
.LBB2_12:
0x170: {  	_ =	swait.ge [sflag:s15], $0x2800  }
0x171: {  	[sflag:s15] =	ssyncset.done $0x0  }
0x172: {  	[sflag:s15] =	ssyncadd.s32 $0xFFFFD800  }
0x173: {  	_ =	swait.ge [sflag:s16], $0x2800  }
0x174: {  	[sflag:s16] =	ssyncset.done $0x0  }
0x175: {  	s28 =	simm.s32 $0x7;
	[sflag:s16] =	ssyncadd.s32 $0xFFFFD800  }
0x176: {  	_ =	swait.ge [sflag:s28], $0x50  }
0x177: {  	s4 =	simm.s32 $0x0;
	s18 =	simm.s32 $0x13CC0;
	[sflag:s28] =	ssyncset.done $0x0  }
0x178: {  	s21 =	simm.s32 $0x18CC0;
	s25 =	simm.s32 $0x0;
	[sflag:s28] =	ssyncadd.s32 $0xFFFFFFB0  }
.LBB2_13:
0x179: {  	s13 =	sshll.u32 s25, $0x4  }
0x17a: {  	v15 =	vld [tilespmem:s13+$0x13A80];
	_ =	sdelay $0x1  }
0x17b: {  	v17 =	vld [tilespmem:s18+$0x20]  }
0x17c: {  	v13 =	vld [tilespmem:s18+$0x10]  }
0x17d: {  	v12 =	vmov s4;
	v16 =	vld [tilespmem:s18+$0x0]  }
0x17e: {  	v18 =	vld [tilespmem:s18+$0xFFFFFFF0];
	v14 =	vperm.xlane v15, v12  }
0x17f: {  	v19 =	vld [tilespmem:s18+$0xFFFFFFE0]  }
0x180: {  	v21 =	vld [tilespmem:s21+$0xFFFFFFE0];
	v14 =	vshll.u32 v14, $0x7  }
0x181: {  	v22 =	vld [tilespmem:s18+$0xFFFFFFC0];
	v20 =	vor.u32 v0, v14  }
0x182: {  	v24 =	vld [tilespmem:s21+$0xFFFFFFC0];
	v23 =	vor.u32 v1, v14  }
0x183: {  	v25 =	vld [tilespmem:s18+$0xFFFFFFD0]  }
0x184: {  	v27 =	vld [tilespmem:s21+$0xFFFFFFD0];
	v26 =	vor.u32 v2, v14  }
0x185: {  	v29 =	vld [tilespmem:s21+$0xFFFFFFF0]  }
0x186: {  	v28 =	vor.u32 v3, v14;
	v20 =	vld.idx.msk [tilespmem:v20+s26+$0x0], $0xffff  }
0x187: {  	v30 =	vor.u32 v4, v14;
	v23 =	vld.idx.msk [tilespmem:v23+s26+$0x0], $0xffff  }
0x188: {  	v31 =	vld [tilespmem:s21+$0x0]  }
0x189: {  	v32 =	vor.u32 v5, v14;
	v26 =	vld.idx.msk [tilespmem:v26+s26+$0x0], $0xffff  }
0x18a: {  	v22 =	vmul.f32 v24, v22;
	v25 =	vmul.f32 v27, v25;
	v27 =	vld [tilespmem:s21+$0x10]  }
0x18b: {  	v19 =	vmul.f32 v21, v19;
	v63 =	vor.u32 v8, v14;
	v24 =	vld.idx.msk [tilespmem:v28+s26+$0x0], $0xffff  }
0x18c: {  	v30 =	vld.idx.msk [tilespmem:v30+s26+$0x0], $0xffff;
	v20 =	vmul.f32 v20, v22;
	v21 =	vmul.f32 v23, v25  }
0x18d: {  	v14 =	vor.u32 v10, v14;
	v23 =	vld [tilespmem:s21+$0x20]  }
0x18e: {  	v25 =	vld.idx.msk [tilespmem:v32+s26+$0x0], $0xffff;
	v22 =	vmul.f32 v29, v18;
	v19 =	vmul.f32 v26, v19;
	v20 =	vadd.f32 v21, v20  }
0x18f: {  	v18 =	vld [tilespmem:s18+$0x30]  }
0x190: {  	v16 =	vmul.f32 v31, v16;
	v21 =	vld.idx.msk [tilespmem:v63+s26+$0x0], $0xffff;
	v24 =	vmul.f32 v24, v22;
	v19 =	vadd.f32 v19, v20  }
0x191: {  	v22 =	vld [tilespmem:s21+$0x30]  }
0x192: {  	s14 =	sadd.s32 $0x80, s18;
	v26 =	vmul.f32 v27, v13;
	v20 =	vld.idx.msk [tilespmem:v14+s26+$0x0], $0xffff;
	v19 =	vadd.f32 v24, v19;
	v24 =	vmul.f32 v30, v16  }
0x193: {  	s1 =	simm.s32 $0x1;
	v23 =	vmul.f32 v23, v17;
	v17 =	vld [tilespmem:s14+$0x10]  }
0x194: {  	v14 =	vmov s1;
	v25 =	vmul.f32 v25, v26;
	v16 =	vld [tilespmem:s14+$0x20];
	v24 =	vadd.f32 v24, v19  }
0x195: {  	s22 =	smov.u32 s21;
	v13 =	vimm.f32 $0.0e+00;
	s1 =	simm.s32 $0x2;
	v26 =	vperm.xlane v15, v14;
	v19 =	vld [tilespmem:s14+$0x0]  }
.LBB2_14:
0x196: {  	p1 =	sne.s32 s1, $0xF;
	v27 =	vld [tilespmem:s14+$0xFFFFFFF0];
	v24 =	vadd.f32 v25, v24;
	v21 =	vmul.f32 v21, v23;
	v18 =	vmul.f32 v22, v18  }
0x197: {  	s22 =	sadd.s32 $0x80, s22;
	v22 =	vshll.u32 v26, $0x7;
	v23 =	vld [tilespmem:s14+$0xFFFFFFE0]  }
0x198: {  	v25 =	vor.u32 v0, v22;
	v26 =	vld [tilespmem:s22+$0xFFFFFFE0];
	v21 =	vadd.f32 v21, v24;
	v18 =	vmul.f32 v20, v18  }
0x199: {  	v24 =	vor.u32 v1, v22;
	v20 =	vld [tilespmem:s14+$0xFFFFFFC0]  }
0x19a: {  	v28 =	vld [tilespmem:s22+$0xFFFFFFC0];
	v18 =	vadd.f32 v18, v21  }
0x19b: {  	v29 =	vor.u32 v2, v22;
	v21 =	vld [tilespmem:s14+$0xFFFFFFD0]  }
0x19c: {  	v30 =	vld [tilespmem:s22+$0xFFFFFFD0];
	v31 =	vperm.xlane v18, v6  }
0x19d: {  	v32 =	vor.u32 v3, v22;
	v25 =	vld.idx.msk [tilespmem:v25+s26+$0x0], $0xffff  }
0x19e: {  	v24 =	vld.idx.msk [tilespmem:v24+s26+$0x0], $0xffff;
	v18 =	vadd.f32 v18, v31  }
0x19f: {  	v33 =	vor.u32 v4, v22;
	v31 =	vld [tilespmem:s22+$0xFFFFFFF0]  }
0x1a0: {  	v29 =	vld.idx.msk [tilespmem:v29+s26+$0x0], $0xffff;
	v34 =	vperm.xlane v18, v7  }
0x1a1: {  	v35 =	vor.u32 v5, v22;
	v20 =	vmul.f32 v28, v20;
	v28 =	vld [tilespmem:s22+$0x0]  }
0x1a2: {  	v21 =	vmul.f32 v30, v21;
	v30 =	vld.idx.msk [tilespmem:v32+s26+$0x0], $0xffff;
	v18 =	vadd.f32 v18, v34  }
0x1a3: {  	v23 =	vmul.f32 v26, v23;
	v26 =	vor.u32 v8, v22;
	v20 =	vmul.f32 v25, v20;
	v25 =	vld [tilespmem:s22+$0x10]  }
0x1a4: {  	v21 =	vmul.f32 v24, v21;
	v24 =	vld.idx.msk [tilespmem:v33+s26+$0x0], $0xffff;
	v32 =	vperm.xlane v18, v9  }
0x1a5: {  	v27 =	vmul.f32 v31, v27;
	v33 =	vor.u32 v10, v22;
	v31 =	vld [tilespmem:s22+$0x20]  }
0x1a6: {  	v20 =	vadd.f32 v21, v20;
	v21 =	vmul.f32 v29, v23;
	v29 =	vld.idx.msk [tilespmem:v35+s26+$0x0], $0xffff;
	v23 =	vadd.f32 v18, v32  }
0x1a7: {  	v19 =	vmul.f32 v28, v19;
	v18 =	vld [tilespmem:s14+$0x30]  }
0x1a8: {  	v20 =	vadd.f32 v21, v20;
	v27 =	vmul.f32 v30, v27;
	v21 =	vld.idx.msk [tilespmem:v26+s26+$0x0], $0xffff;
	v26 =	vperm.xlane v23, v11  }
.Ltmp6:
0x1a9: {  	v25 =	vmul.f32 v25, v17;
	v22 =	vld [tilespmem:s22+$0x30];
	(pc) =	sbr.rel @p1 .LBB2_14-.Ltmp6, $4  }
0x1aa: {  	s14 =	sadd.s32 $0x80, s14;
	v27 =	vadd.f32 v27, v20;
	v19 =	vmul.f32 v24, v19;
	v20 =	vld.idx.msk [tilespmem:v33+s26+$0x0], $0xffff;
	v26 =	vadd.f32 v23, v26  }
0x1ab: {  	vm0 =	veq.s32 v12, v0;
	v12 =	vmovc v14;
	v14 =	vmov s1;
	v23 =	vmul.f32 v31, v16;
	v16 =	vld [tilespmem:s14+$0x20]  }
0x1ac: {  	v24 =	vadd.f32 v19, v27;
	v25 =	vmul.f32 v29, v25;
	v17 =	vld [tilespmem:s14+$0x10];
	v13 =	vsel vm0, v26, v13  }
0x1ad: {  	s1 =	sadd.s32 $0x1, s1;
	v26 =	vperm.xlane v15, v14;
	v19 =	vld [tilespmem:s14+$0x0]  }
0x1ae: {  	v15 =	vld [tilespmem:s14+$0xFFFFFFF0]  }
0x1af: {  	v27 =	vld [tilespmem:s14+$0xFFFFFFE0]  }
0x1b0: {  	v30 =	vld [tilespmem:s14+$0xFFFFFFC0];
	v26 =	vshll.u32 v26, $0x7  }
0x1b1: {  	v33 =	vld [tilespmem:s14+$0xFFFFFFD0];
	v28 =	vor.u32 v0, v26  }
0x1b2: {  	s1 =	sadd.s32 $0x80, s22;
	v54 =	vld [tilespmem:s14+$0x30];
	v31 =	vor.u32 v1, v26  }
0x1b3: {  	v29 =	vld [tilespmem:s1+$0xFFFFFFE0]  }
0x1b4: {  	v32 =	vld [tilespmem:s1+$0xFFFFFFC0];
	v34 =	vor.u32 v2, v26  }
0x1b5: {  	v35 =	vld [tilespmem:s1+$0xFFFFFFD0]  }
0x1b6: {  	v36 =	vor.u32 v3, v26;
	v28 =	vld.idx.msk [tilespmem:v28+s26+$0x0], $0xffff  }
0x1b7: {  	v31 =	vld.idx.msk [tilespmem:v31+s26+$0x0], $0xffff  }
0x1b8: {  	v37 =	vld [tilespmem:s1+$0xFFFFFFF0];
	v38 =	vor.u32 v4, v26  }
0x1b9: {  	v34 =	vld.idx.msk [tilespmem:v34+s26+$0x0], $0xffff  }
0x1ba: {  	v46 =	vld [tilespmem:s1+$0x0];
	v39 =	vor.u32 v5, v26;
	v30 =	vmul.f32 v32, v30;
	v33 =	vmul.f32 v35, v33  }
0x1bb: {  	v27 =	vmul.f32 v29, v27;
	v47 =	vld.idx.msk [tilespmem:v36+s26+$0x0], $0xffff  }
0x1bc: {  	v48 =	vld [tilespmem:s1+$0x10];
	v49 =	vor.u32 v8, v26;
	v28 =	vmul.f32 v28, v30;
	v50 =	vmul.f32 v31, v33  }
0x1bd: {  	v26 =	vor.u32 v10, v26;
	v51 =	vld.idx.msk [tilespmem:v38+s26+$0x0], $0xffff  }
0x1be: {  	v52 =	vld [tilespmem:s1+$0x20];
	v15 =	vmul.f32 v37, v15;
	v27 =	vmul.f32 v34, v27;
	v28 =	vadd.f32 v50, v28  }
0x1bf: {  	v53 =	vld.idx.msk [tilespmem:v39+s26+$0x0], $0xffff  }
0x1c0: {  	v56 =	vld [tilespmem:s1+$0x30];
	v19 =	vmul.f32 v46, v19;
	v15 =	vmul.f32 v47, v15;
	v27 =	vadd.f32 v27, v28  }
0x1c1: {  	v55 =	vld.idx.msk [tilespmem:v49+s26+$0x0], $0xffff  }
0x1c2: {  	v17 =	vmul.f32 v48, v17;
	v19 =	vmul.f32 v51, v19;
	v15 =	vadd.f32 v15, v27  }
0x1c3: {  	v26 =	vld.idx.msk [tilespmem:v26+s26+$0x0], $0xffff  }
0x1c4: {  	v16 =	vmul.f32 v52, v16;
	v17 =	vmul.f32 v53, v17;
	v15 =	vadd.f32 v19, v15  }
0x1c5: {  	v57 =	vadd.f32 v25, v24;
	v21 =	vmul.f32 v21, v23;
	v18 =	vmul.f32 v22, v18  }
0x1c6: {  	v58 =	vmul.f32 v56, v54;
	v16 =	vmul.f32 v55, v16;
	v15 =	vadd.f32 v17, v15  }
0x1c7: {  	v18 =	vmul.f32 v20, v18;
	v19 =	vadd.f32 v21, v57  }
0x1c8: {  	v59 =	vmul.f32 v26, v58;
	v15 =	vadd.f32 v16, v15  }
0x1c9: {  	v60 =	vadd.f32 v18, v19  }
0x1ca: {  	v15 =	vadd.f32 v59, v15  }
0x1cb: {  	v61 =	vperm.xlane v60, v6  }
0x1cc: {  	v62 =	vperm.xlane v15, v6  }
0x1cd: {  	v16 =	vadd.f32 v60, v61  }
0x1ce: {  	v15 =	vadd.f32 v15, v62  }
0x1cf: {  	v17 =	vperm.xlane v16, v7  }
0x1d0: {  	v18 =	vperm.xlane v15, v7  }
0x1d1: {  	v16 =	vadd.f32 v16, v17  }
0x1d2: {  	v15 =	vadd.f32 v15, v18  }
0x1d3: {  	v17 =	vperm.xlane v16, v9  }
0x1d4: {  	v18 =	vperm.xlane v15, v9  }
0x1d5: {  	v16 =	vadd.f32 v16, v17  }
0x1d6: {  	v15 =	vadd.f32 v15, v18  }
0x1d7: {  	v17 =	vperm.xlane v16, v11  }
0x1d8: {  	v18 =	vperm.xlane v15, v11  }
0x1d9: {  	v16 =	vadd.f32 v16, v17  }
0x1da: {  	vm0 =	veq.s32 v12, v0;
	v63 =	vadd.f32 v15, v18  }
0x1db: {  	vm15 =	veq.s32 v14, v0;
	v13 =	vsel vm0, v16, v13  }
0x1dc: {  	v12 =	vsel vm15, v63, v13  }
0x1dd: {  	v12 =	vsub.f32 $0.0e+00, v12;
	_ =	sdelay $0x1  }
0x1de: {  	v12 =	vmul.f32 $1.442695020e+00, v12;
	_ =	sdelay $0x1  }
0x1df: {  	(erf) = vpow2.f32 v12;
	_ =	sdelay $0x8  }
0x1e0: {  	v12 =	vpop (erf)  }
0x1e1: {  	v12 =	vadd.f32 $1.000000000e+00, v12;
	_ =	sdelay $0x1  }
0x1e2: {  	(erf) = vrcp.f32 v12;
	_ =	sdelay $0x3  }
0x1e3: {  	s25 =	sadd.s32 $0x1, s25  }
0x1e4: {  	p1 =	sne.s32 s25, $0x5  }
.Ltmp7:
0x1e5: {  	_ = 	snop;
	(pc) =	sbr.rel @p1 .LBB2_13-.Ltmp7, $3  }
0x1e6: {  	_ =	sdelay $0x1  }
0x1e7: {  	v12 =	vpop (erf)  }
0x1e8: {  	s18 =	sadd.s32 $0x800, s18;
	s21 =	sadd.s32 $0x800, s21;
	[tilespmem:s13+$0x13B80] =	vst v12  }
0x1e9: {  	s1 =	rddreg [dreg:$0x11];
	s4 =	simm.s32 $0x13B80;
	s22 =	simm.s32 $0x8  }
0x1ea: {  	[hbm4b:s1+s8] =	stream.linear.scatter [tilespmem:s4], [sflag:$0x7], $0x50, $0x38;
	[tilespmem:$0x1E480] =	vst v63  }
0x1eb: {  	_ =	swait.ge [sflag:s22], $0x50  }
0x1ec: {  	[sflag:s22] =	ssyncset.done $0x0  }
0x1ed: {  	[sflag:s22] =	ssyncadd.s32 $0xFFFFFFB0  }
0x1ee: {  	_ =	swait.ge [sflag:s28], $0x50  }
0x1ef: {  	s25 =	rddreg [dreg:$0x16]  }
0x1f0: {  	s31 =	rddreg [dreg:$0x12];
	s4 =	sadd.s32 $0x1, s25  }
0x1f1: {  	p1 =	sne.s32 s4, s31  }
.Ltmp8:
0x1f2: {  	_ = 	snop;
	(pc) =	sbr.rel @p1 .LBB2_1-.Ltmp8, $3  }
0x1f3: {  	_ =	sdelay $0x1  }
0x1f4: {  	[sflag:s28] =	ssyncset.done $0x0  }
0x1f5: {  	[sflag:s28] =	ssyncadd.s32 $0xFFFFFFB0  }
0x1f6: {  	_ =	sfence.sel $0x180000  }
0x1f7: {  	[bflag:$0x0] =	sbarrier.arrive $0xFFFF  }
0x1f8: {  	_ =	strace $0x90000047  }
0x1f9: {  	s0 =	stileid.u32;
	[bflag:$0x2] =	sbarrier.arrive $0xFFFF  }
0x1fa: {  	p0 =	sne.s32 s0, $0x0;
	s0 =	rddreg [dreg:$0x7]  }
0x1fb: {  	s0 =	sadd.s32 @!p0 $0x100000, s0  }
0x1fc: {  	[sflag:s0] =	ssyncadd.tile.s32 @!p0 $0x1;
	_ =	shalt  }
.Lfunc_end2:
_tile_overlayer_lowered:
.L_overlay_start_2:
0x1fd: {  	(tag) =	ssettag $0x2  }
0x1fe: {  	s0 =	rddreg [dreg:$0x0];
	s2 =	stileid.u32  }
0x1ff: {  	s1 =	rddreg [dreg:$0x1];
	p0 =	sne.s32 s2, $0x0  }
0x200: {  	s3 =	rddreg [dreg:$0x2];
	[bflag:$0x3] =	sbarrier.arrive $0xFFFF;
	s2 =	simm.s32 @!p0 $0x1C09  }
0x201: {  	[timem:s3], [sflag:s2] =	dma.local @!p0 [hbm:s0], s1  }
0x202: {  	s0 =	simm.s32 @!p0 $0x9  }
0x203: {  	_ =	swait.ge @!p0 [sflag:s0], s1  }
0x204: {  	s1 =	ssub.s32 @!p0 $0x0, s1;
	[sflag:s0] =	ssyncset.done @!p0 $0x0  }
0x205: {  	[sflag:s0] =	ssyncadd.s32 @!p0 s1  }
0x206: {  	[bflag:$0x3] =	sbarrier.arrive $0xFFFF  }
0x207: {  	_ =	shalt  }

</sc_bundles>
